<compile_context>
chip_gen: v7x
topology: tpu7x:2x2x1
jax: 0.10.2.dev20260603
libtpu: 0.0.44.dev20260713+nightly
codegen_flags: <defaults>
</compile_context>

<pallas_src>
import functools

import jax
import jax.numpy as jnp
from jax import lax
from jax.experimental import pallas as pl
from jax.experimental.pallas import tpu as pltpu
from jax.experimental.pallas import tpu_sc as plsc

_N_TOP = 2000
_PAD = 2048
_BLK = 256
_NBLK = _PAD // _BLK
_POST = 1000
_OUT_PAD = 1024
_THRESH = 0.7
_MIN_SIZE = 0.001
_IMG = 800.0


def _nms_select_kernel(bt_ref, b_ref, s_ref, out_ref, fs_ref):
    f32 = jnp.float32
    bT = bt_ref[...]
    B4 = b_ref[...]

    x1r = jnp.clip(bT[0:1, :], 0.0, _IMG)
    y1r = jnp.clip(bT[1:2, :], 0.0, _IMG)
    x2r = jnp.clip(bT[2:3, :], 0.0, _IMG)
    y2r = jnp.clip(bT[3:4, :], 0.0, _IMG)
    ws = x2r - x1r
    hs = y2r - y1r
    real = jax.lax.broadcasted_iota(jnp.int32, (1, _PAD), 1) < _N_TOP
    valid_f = ((ws >= _MIN_SIZE) & (hs >= _MIN_SIZE) & real).astype(f32)
    area_r = ws * hs

    cols = []
    for q in range(_NBLK):
        Bq = jnp.clip(B4[q * _BLK:(q + 1) * _BLK, :], 0.0, _IMG)
        x1c, y1c = Bq[:, 0:1], Bq[:, 1:2]
        x2c, y2c = Bq[:, 2:3], Bq[:, 3:4]
        cols.append((x1c, y1c, x2c, y2c, (x2c - x1c) * (y2c - y1c)))

    def iou_tile(q, p):
        x1c, y1c, x2c, y2c, ac = cols[q]
        sl = slice(p * _BLK, (p + 1) * _BLK)
        xx1 = jnp.maximum(x1c, x1r[:, sl])
        yy1 = jnp.maximum(y1c, y1r[:, sl])
        xx2 = jnp.minimum(x2c, x2r[:, sl])
        yy2 = jnp.minimum(y2c, y2r[:, sl])
        w = jnp.maximum(xx2 - xx1, 0.0)
        h = jnp.maximum(yy2 - yy1, 0.0)
        inter = w * h
        iou = inter / (ac + area_r[:, sl] - inter + 1e-9)
        return (iou > _THRESH).astype(f32)

    ii = jax.lax.broadcasted_iota(jnp.int32, (_BLK, _BLK), 0)
    jj = jax.lax.broadcasted_iota(jnp.int32, (_BLK, _BLK), 1)
    tri_strict = (ii < jj).astype(f32)
    tri_incl = (ii <= jj).astype(f32)

    keep_blocks = []
    for p in range(_NBLK):
        sup = jnp.zeros((1, _BLK), f32)
        for q in range(p):
            sup = sup + jnp.dot(keep_blocks[q], iou_tile(q, p),
                                preferred_element_type=f32)
        base = valid_f[:, p * _BLK:(p + 1) * _BLK] * (sup == 0.0).astype(f32)
        Mpp = iou_tile(p, p) * tri_strict

        def body(c):
            cur, _ = c
            nxt = base * (jnp.dot(cur, Mpp,
                                  preferred_element_type=f32) == 0.0).astype(f32)
            return (nxt, jnp.any(nxt != cur))

        cur, _ = jax.lax.while_loop(lambda c: c[1], body,
                                    (base, jnp.asarray(True)))
        keep_blocks.append(cur)

    n_kept = jnp.zeros((), f32)
    cs_blocks = []
    for p in range(_NBLK):
        cs_blocks.append(jnp.dot(keep_blocks[p], tri_incl,
                                 preferred_element_type=f32) + n_kept)
        n_kept = n_kept + jnp.sum(keep_blocks[p])
    keep = jnp.concatenate(keep_blocks, axis=1)
    cs = jnp.concatenate(cs_blocks, axis=1)
    pos1 = (jax.lax.broadcasted_iota(jnp.int32, (1, _PAD), 1) + 1).astype(f32)
    rank = jnp.where(keep > 0.0, cs - 1.0, n_kept + (pos1 - cs) - 1.0)

    slot = jax.lax.broadcasted_iota(jnp.int32, (_OUT_PAD, _PAD), 0).astype(f32)
    Pm = slot == rank
    sel = [jnp.max(jnp.where(Pm, rw, -3e38), axis=1, keepdims=True)
           for rw in (x1r, y1r, x2r, y2r, s_ref[...])]

    oi = jax.lax.broadcasted_iota(jnp.int32, (_OUT_PAD, 1), 0).astype(f32)
    out_ref[...] = jnp.concatenate(sel[:4], axis=1)
    fs_ref[...] = jnp.where(oi < n_kept, sel[4], -1e10)


_GD = 128


def _sc_gather(table16, idx):
    info = plsc.get_sparse_core_info()
    nw = info.num_cores * info.num_subcores
    b_per_w = _PAD // nw
    mesh = plsc.VectorSubcoreMesh(core_axis_name="c", subcore_axis_name="s")

    @functools.partial(
        pl.kernel, mesh=mesh,
        out_type=jax.ShapeDtypeStruct((_PAD, _GD), jnp.float32),
        scratch_types=[
            pltpu.VMEM((b_per_w,), jnp.int32),
            pltpu.VMEM((b_per_w, _GD), jnp.float32),
            pltpu.SemaphoreType.DMA,
        ],
    )
    def k(table_hbm, idx_hbm, out_hbm, idx_v, rows_v, sem):
        wid = lax.axis_index("s") * info.num_cores + lax.axis_index("c")
        base = wid * b_per_w
        pltpu.sync_copy(idx_hbm.at[pl.ds(base, b_per_w)], idx_v)
        pltpu.async_copy(table_hbm.at[idx_v], rows_v, sem).wait()
        pltpu.sync_copy(rows_v, out_hbm.at[pl.ds(base, b_per_w)])

    return k(table16, idx)


def kernel(boxes, scores):
    top_scores, top_idx = jax.lax.top_k(scores, _N_TOP)
    pad = _PAD - _N_TOP
    idx_p = jnp.concatenate(
        [top_idx, jnp.zeros((pad,), top_idx.dtype)]).astype(jnp.int32)
    table = jnp.concatenate(
        [boxes, jnp.zeros((boxes.shape[0], _GD - 4), jnp.float32)], axis=1)
    b_p = _sc_gather(table, idx_p)[:, :4]
    s_p = jnp.concatenate(
        [top_scores, jnp.full((pad,), -1e10, jnp.float32)], axis=0)

    ob, fs = pl.pallas_call(
        _nms_select_kernel,
        out_shape=(
            jax.ShapeDtypeStruct((_OUT_PAD, 4), jnp.float32),
            jax.ShapeDtypeStruct((_OUT_PAD, 1), jnp.float32),
        ),
    )(b_p.T, b_p, s_p[None, :])
    return ob[:_POST, :], fs[:_POST, 0]

# --- scband reference (transcript-rebuilt; emitter-appended) ---
"""Pipeline reference for scband-region-proposal-network-59399397703950 (READ-ONLY COPY).

The authoritative reference and input builder live on the scoring server;
editing this copy changes nothing except your own understanding.
"""

import jax, jax.numpy as jnp
import numpy as np

N = 20000
PRE_NMS_TOP_N = 2000
POST_NMS_TOP_N = 1000
NMS_THRESH = 0.7
MIN_SIZE = 0.001
IMG_SIZE = 800.0


def setup_inputs(seed: int = 0) -> dict:
    key = jax.random.key(seed)
    k1, k2, k3 = jax.random.split(key, 3)
    ctr = jax.random.uniform(k1, (N, 2), dtype=jnp.float32) * IMG_SIZE
    wh = jax.random.uniform(k2, (N, 2), dtype=jnp.float32) * 200.0 + 1.0
    boxes = jnp.concatenate([ctr - wh / 2.0, ctr + wh / 2.0], axis=1)
    scores = jax.random.normal(k3, (N,), dtype=jnp.float32)
    return {"boxes": boxes.astype(jnp.float32), "scores": scores.astype(jnp.float32)}


def _nms_keep(boxes, valid, thresh):
    # boxes are assumed sorted by descending score; classic greedy NMS.
    n = boxes.shape[0]
    x1, y1, x2, y2 = boxes[:, 0], boxes[:, 1], boxes[:, 2], boxes[:, 3]
    areas = (x2 - x1) * (y2 - y1)
    idxs = jnp.arange(n)

    def body(keep, i):
        xx1 = jnp.maximum(x1[i], x1)
        yy1 = jnp.maximum(y1[i], y1)
        xx2 = jnp.minimum(x2[i], x2)
        yy2 = jnp.minimum(y2[i], y2)
        w = jnp.maximum(xx2 - xx1, 0.0)
        h = jnp.maximum(yy2 - yy1, 0.0)
        inter = w * h
        iou = inter / (areas[i] + areas - inter + 1e-9)
        suppress = (iou > thresh) & (idxs > i) & keep[i]
        return keep & (~suppress), None

    keep, _ = jax.lax.scan(body, valid, idxs)
    return keep


def reference(boxes, scores):
    # 1) pre-NMS top-k by objectness (RPN pre_nms_top_n)
    top_scores, top_idx = jax.lax.top_k(scores, PRE_NMS_TOP_N)
    b = boxes[top_idx]
    # 2) clip boxes to image (box_ops.clip_boxes_to_image)
    b = jnp.clip(b, 0.0, IMG_SIZE)
    # 3) remove small boxes (box_ops.remove_small_boxes, min_size=0.001)
    ws = b[:, 2] - b[:, 0]
    hs = b[:, 3] - b[:, 1]
    valid = (ws >= MIN_SIZE) & (hs >= MIN_SIZE)
    # 4) greedy NMS (selection indices are non-differentiable, as in torchvision)
    keep = _nms_keep(jax.lax.stop_gradient(b), valid, NMS_THRESH)
    s_kept = jnp.where(keep & valid, top_scores, -1e10)
    # 5) keep post_nms_top_n proposals
    final_scores, fi = jax.lax.top_k(s_kept, POST_NMS_TOP_N)
    final_boxes = b[fi]
    return final_boxes, final_scores

if __name__ == "__main__":
    import jax
    _d = setup_inputs()
    print(jax.jit(kernel)(*tuple(_d.values())))

</pallas_src>

<mosaic_0001>
#map = affine_map<(d0, d1) -> (0, 0)>
#map1 = affine_map<(d0, d1) -> (0)>
module attributes {stable_mosaic.version = 14 : i64} {
  func.func @k(%arg0: i32, %arg1: i32, %arg2: memref<20000x128xf32, #tpu.memory_space<hbm>>, %arg3: memref<2048xi32, #tpu.memory_space<hbm>>, %arg4: memref<2048x128xf32, #tpu.memory_space<hbm>>, %arg5: memref<64xi32, #tpu.memory_space<vmem>>, %arg6: memref<64x128xf32, #tpu.memory_space<vmem>>, %arg7: memref<!tpu.dma_semaphore, #tpu.memory_space<semaphore_mem>>) attributes {dimension_semantics = [#tpu.dimension_semantics<core_parallel>, #tpu.dimension_semantics<subcore_parallel>], iteration_bounds = array<i64: 2, 16>, scalar_prefetch = 0 : i64, scratch_operands = 3 : i64, tpu.core_type = #tpu.core_type<sc_vector_subcore>, window_params = [{transform_indices = #map}, {transform_indices = #map1}, {transform_indices = #map}]} {
    %mul3A = arith.constant 2 : i32
    %mul3A_0 = arith.muli %arg1, %mul3A : i32
    %add3A = arith.addi %mul3A_0, %arg0 : i32
    %mul3A_1 = arith.constant 64 : i32
    %mul3A_2 = arith.muli %add3A, %mul3A_1 : i32
    "tpu.region"() ({
      %run_scoped3A = tpu.sem_alloc : memref<!tpu.dma_semaphore, #tpu.memory_space<semaphore_mem>>
      %dma_start3A_7 = tpu.memref_slice %arg3[%mul3A_2] : memref<2048xi32, #tpu.memory_space<hbm>> -> memref<64xi32, #tpu.memory_space<hbm>>
      %dma_start3A_8 = tpu.memref_slice %arg3[%mul3A_2] : memref<2048xi32, #tpu.memory_space<hbm>> -> memref<64xi32, #tpu.memory_space<hbm>>
      tpu.enqueue_dma source(%dma_start3A_8 : memref<64xi32, #tpu.memory_space<hbm>>) target(%arg5 : memref<64xi32, #tpu.memory_space<vmem>>) target_semaphore(%run_scoped3A : memref<!tpu.dma_semaphore, #tpu.memory_space<semaphore_mem>>)
      %dma_wait3A_9 = tpu.memref_slice %arg3[%mul3A_2] : memref<2048xi32, #tpu.memory_space<hbm>> -> memref<64xi32, #tpu.memory_space<hbm>>
      %dma_wait3A_10 = tpu.memref_slice %arg3[%mul3A_2] : memref<2048xi32, #tpu.memory_space<hbm>> -> memref<64xi32, #tpu.memory_space<hbm>>
      tpu.wait_dma2 semaphore(%run_scoped3A : memref<!tpu.dma_semaphore, #tpu.memory_space<semaphore_mem>>) src(%dma_wait3A_10 : memref<64xi32, #tpu.memory_space<hbm>>) dst(%arg5 : memref<64xi32, #tpu.memory_space<vmem>>)
      tpu.yield
    }) : () -> ()
    %dma_start3A = arith.constant 0 : i32
    %dma_start3A_3 = arith.constant 0 : i32
    %dma_start3A_4 = tpu.memref_slice %arg2[%dma_start3A, %dma_start3A_3] : memref<20000x128xf32, #tpu.memory_space<hbm>> -> memref<20000x128xf32, #tpu.memory_space<hbm>>
    tpu.enqueue_indirect_dma source(%dma_start3A_4 : memref<20000x128xf32, #tpu.memory_space<hbm>>) target(%arg6 : memref<64x128xf32, #tpu.memory_space<vmem>>) offsets(%arg5 : memref<64xi32, #tpu.memory_space<vmem>>) semaphore(%arg7 : memref<!tpu.dma_semaphore, #tpu.memory_space<semaphore_mem>>)
    %dma_wait3A = arith.constant 0 : i32
    %dma_wait3A_5 = arith.constant 0 : i32
    %dma_wait3A_6 = tpu.memref_slice %arg2[%dma_wait3A, %dma_wait3A_5] : memref<20000x128xf32, #tpu.memory_space<hbm>> -> memref<20000x128xf32, #tpu.memory_space<hbm>>
    tpu.wait_indirect_dma semaphore(%arg7 : memref<!tpu.dma_semaphore, #tpu.memory_space<semaphore_mem>>) src(%dma_wait3A_6 : memref<20000x128xf32, #tpu.memory_space<hbm>>) dst(%arg6 : memref<64x128xf32, #tpu.memory_space<vmem>>)
    "tpu.region"() ({
      %run_scoped3A = tpu.sem_alloc : memref<!tpu.dma_semaphore, #tpu.memory_space<semaphore_mem>>
      %dma_start3A_7 = arith.constant 0 : i32
      %dma_start3A_8 = tpu.memref_slice %arg4[%mul3A_2, %dma_start3A_7] : memref<2048x128xf32, #tpu.memory_space<hbm>> -> memref<64x128xf32, #tpu.memory_space<hbm>>
      %dma_start3A_9 = arith.constant 0 : i32
      %dma_start3A_10 = tpu.memref_slice %arg4[%mul3A_2, %dma_start3A_9] : memref<2048x128xf32, #tpu.memory_space<hbm>> -> memref<64x128xf32, #tpu.memory_space<hbm>>
      tpu.enqueue_dma source(%arg6 : memref<64x128xf32, #tpu.memory_space<vmem>>) target(%dma_start3A_10 : memref<64x128xf32, #tpu.memory_space<hbm>>) target_semaphore(%run_scoped3A : memref<!tpu.dma_semaphore, #tpu.memory_space<semaphore_mem>>)
      %dma_wait3A_11 = arith.constant 0 : i32
      %dma_wait3A_12 = tpu.memref_slice %arg4[%mul3A_2, %dma_wait3A_11] : memref<2048x128xf32, #tpu.memory_space<hbm>> -> memref<64x128xf32, #tpu.memory_space<hbm>>
      %dma_wait3A_13 = arith.constant 0 : i32
      %dma_wait3A_14 = tpu.memref_slice %arg4[%mul3A_2, %dma_wait3A_13] : memref<2048x128xf32, #tpu.memory_space<hbm>> -> memref<64x128xf32, #tpu.memory_space<hbm>>
      tpu.wait_dma2 semaphore(%run_scoped3A : memref<!tpu.dma_semaphore, #tpu.memory_space<semaphore_mem>>) src(%arg6 : memref<64x128xf32, #tpu.memory_space<vmem>>) dst(%dma_wait3A_14 : memref<64x128xf32, #tpu.memory_space<hbm>>)
      tpu.yield
    }) : () -> ()
    return
  }
}

module attributes {stable_mosaic.version = 14 : i64} {
  func.func @_nms_select_kernel(%arg0: memref<4x2048xf32, #tpu.memory_space<vmem>>, %arg1: memref<2048x4xf32, #tpu.memory_space<vmem>>, %arg2: memref<1x2048xf32, #tpu.memory_space<vmem>>, %arg3: memref<1024x4xf32, #tpu.memory_space<vmem>>, %arg4: memref<1024x1xf32, #tpu.memory_space<vmem>>) attributes {dimension_semantics = [], scalar_prefetch = 0 : i64, scratch_operands = 0 : i64, tpu.core_type = #tpu.core_type<tc>} {
    %get3A = arith.constant 0 : index
    %get3A_0 = arith.constant 0 : index
    %get3A_1 = vector.load %arg0[%get3A, %get3A_0] : memref<4x2048xf32, #tpu.memory_space<vmem>>, vector<4x2048xf32>
    %get3A_2 = arith.constant 0 : index
    %get3A_3 = arith.constant 0 : index
    %get3A_4 = vector.load %arg1[%get3A_2, %get3A_3] : memref<2048x4xf32, #tpu.memory_space<vmem>>, vector<2048x4xf32>
    %slice3A = vector.extract_strided_slice %get3A_1 {offsets = [0, 0], sizes = [1, 2048], strides = [1, 1]} : vector<4x2048xf32> to vector<1x2048xf32>
    %jit3A = arith.constant 0.000000e+00 : f32
    %jit3A_5 = arith.constant 8.000000e+02 : f32
    %max3A = vector.broadcast %jit3A : f32 to vector<1x2048xf32>
    %max3A_6 = arith.maximumf %max3A, %slice3A : vector<1x2048xf32>
    %min3A = vector.broadcast %jit3A_5 : f32 to vector<1x2048xf32>
    %min3A_7 = arith.minimumf %min3A, %max3A_6 : vector<1x2048xf32>
    %slice3A_8 = vector.extract_strided_slice %get3A_1 {offsets = [1, 0], sizes = [1, 2048], strides = [1, 1]} : vector<4x2048xf32> to vector<1x2048xf32>
    %jit3A_9 = arith.constant 0.000000e+00 : f32
    %jit3A_10 = arith.constant 8.000000e+02 : f32
    %max3A_11 = vector.broadcast %jit3A_9 : f32 to vector<1x2048xf32>
    %max3A_12 = arith.maximumf %max3A_11, %slice3A_8 : vector<1x2048xf32>
    %min3A_13 = vector.broadcast %jit3A_10 : f32 to vector<1x2048xf32>
    %min3A_14 = arith.minimumf %min3A_13, %max3A_12 : vector<1x2048xf32>
    %slice3A_15 = vector.extract_strided_slice %get3A_1 {offsets = [2, 0], sizes = [1, 2048], strides = [1, 1]} : vector<4x2048xf32> to vector<1x2048xf32>
    %jit3A_16 = arith.constant 0.000000e+00 : f32
    %jit3A_17 = arith.constant 8.000000e+02 : f32
    %max3A_18 = vector.broadcast %jit3A_16 : f32 to vector<1x2048xf32>
    %max3A_19 = arith.maximumf %max3A_18, %slice3A_15 : vector<1x2048xf32>
    %min3A_20 = vector.broadcast %jit3A_17 : f32 to vector<1x2048xf32>
    %min3A_21 = arith.minimumf %min3A_20, %max3A_19 : vector<1x2048xf32>
    %slice3A_22 = vector.extract_strided_slice %get3A_1 {offsets = [3, 0], sizes = [1, 2048], strides = [1, 1]} : vector<4x2048xf32> to vector<1x2048xf32>
    %jit3A_23 = arith.constant 0.000000e+00 : f32
    %jit3A_24 = arith.constant 8.000000e+02 : f32
    %max3A_25 = vector.broadcast %jit3A_23 : f32 to vector<1x2048xf32>
    %max3A_26 = arith.maximumf %max3A_25, %slice3A_22 : vector<1x2048xf32>
    %min3A_27 = vector.broadcast %jit3A_24 : f32 to vector<1x2048xf32>
    %min3A_28 = arith.minimumf %min3A_27, %max3A_26 : vector<1x2048xf32>
    %sub3A = arith.subf %min3A_21, %min3A_7 : vector<1x2048xf32>
    %sub3A_29 = arith.subf %min3A_28, %min3A_14 : vector<1x2048xf32>
    %iota3A = tpu.iota {dimensions = array<i32: 1>} : vector<1x2048xi32>
    %lt3A = arith.constant 2000 : i32
    %lt3A_30 = vector.broadcast %lt3A : i32 to vector<1x2048xi32>
    %lt3A_31 = arith.cmpi slt, %iota3A, %lt3A_30 : vector<1x2048xi32>
    %ge3A = arith.constant 1.000000e-03 : f32
    %ge3A_32 = vector.broadcast %ge3A : f32 to vector<1x2048xf32>
    %ge3A_33 = arith.cmpf oge, %sub3A, %ge3A_32 : vector<1x2048xf32>
    %ge3A_34 = arith.constant 1.000000e-03 : f32
    %ge3A_35 = vector.broadcast %ge3A_34 : f32 to vector<1x2048xf32>
    %ge3A_36 = arith.cmpf oge, %sub3A_29, %ge3A_35 : vector<1x2048xf32>
    %and3A = arith.andi %ge3A_33, %ge3A_36 : vector<1x2048xi1>
    %and3A_37 = arith.andi %and3A, %lt3A_31 : vector<1x2048xi1>
    %convert_element_type3A = arith.extui %and3A_37 : vector<1x2048xi1> to vector<1x2048xi32>
    %convert_element_type3A_38 = arith.sitofp %convert_element_type3A : vector<1x2048xi32> to vector<1x2048xf32>
    %mul3A = arith.mulf %sub3A, %sub3A_29 : vector<1x2048xf32>
    %slice3A_39 = vector.extract_strided_slice %get3A_4 {offsets = [0, 0], sizes = [256, 4], strides = [1, 1]} : vector<2048x4xf32> to vector<256x4xf32>
    %jit3A_40 = arith.constant 0.000000e+00 : f32
    %jit3A_41 = arith.constant 8.000000e+02 : f32
    %max3A_42 = vector.broadcast %jit3A_40 : f32 to vector<256x4xf32>
    %max3A_43 = arith.maximumf %max3A_42, %slice3A_39 : vector<256x4xf32>
    %min3A_44 = vector.broadcast %jit3A_41 : f32 to vector<256x4xf32>
    %min3A_45 = arith.minimumf %min3A_44, %max3A_43 : vector<256x4xf32>
    %slice3A_46 = vector.extract_strided_slice %min3A_45 {offsets = [0, 0], sizes = [256, 1], strides = [1, 1]} : vector<256x4xf32> to vector<256x1xf32>
    %slice3A_47 = vector.extract_strided_slice %min3A_45 {offsets = [0, 1], sizes = [256, 1], strides = [1, 1]} : vector<256x4xf32> to vector<256x1xf32>
    %slice3A_48 = vector.extract_strided_slice %min3A_45 {offsets = [0, 2], sizes = [256, 1], strides = [1, 1]} : vector<256x4xf32> to vector<256x1xf32>
    %slice3A_49 = vector.extract_strided_slice %min3A_45 {offsets = [0, 3], sizes = [256, 1], strides = [1, 1]} : vector<256x4xf32> to vector<256x1xf32>
    %sub3A_50 = arith.subf %slice3A_48, %slice3A_46 : vector<256x1xf32>
    %sub3A_51 = arith.subf %slice3A_49, %slice3A_47 : vector<256x1xf32>
    %mul3A_52 = arith.mulf %sub3A_50, %sub3A_51 : vector<256x1xf32>
    %slice3A_53 = vector.extract_strided_slice %get3A_4 {offsets = [256, 0], sizes = [256, 4], strides = [1, 1]} : vector<2048x4xf32> to vector<256x4xf32>
    %jit3A_54 = arith.constant 0.000000e+00 : f32
    %jit3A_55 = arith.constant 8.000000e+02 : f32
    %max3A_56 = vector.broadcast %jit3A_54 : f32 to vector<256x4xf32>
    %max3A_57 = arith.maximumf %max3A_56, %slice3A_53 : vector<256x4xf32>
    %min3A_58 = vector.broadcast %jit3A_55 : f32 to vector<256x4xf32>
    %min3A_59 = arith.minimumf %min3A_58, %max3A_57 : vector<256x4xf32>
    %slice3A_60 = vector.extract_strided_slice %min3A_59 {offsets = [0, 0], sizes = [256, 1], strides = [1, 1]} : vector<256x4xf32> to vector<256x1xf32>
    %slice3A_61 = vector.extract_strided_slice %min3A_59 {offsets = [0, 1], sizes = [256, 1], strides = [1, 1]} : vector<256x4xf32> to vector<256x1xf32>
    %slice3A_62 = vector.extract_strided_slice %min3A_59 {offsets = [0, 2], sizes = [256, 1], strides = [1, 1]} : vector<256x4xf32> to vector<256x1xf32>
    %slice3A_63 = vector.extract_strided_slice %min3A_59 {offsets = [0, 3], sizes = [256, 1], strides = [1, 1]} : vector<256x4xf32> to vector<256x1xf32>
    %sub3A_64 = arith.subf %slice3A_62, %slice3A_60 : vector<256x1xf32>
    %sub3A_65 = arith.subf %slice3A_63, %slice3A_61 : vector<256x1xf32>
    %mul3A_66 = arith.mulf %sub3A_64, %sub3A_65 : vector<256x1xf32>
    %slice3A_67 = vector.extract_strided_slice %get3A_4 {offsets = [512, 0], sizes = [256, 4], strides = [1, 1]} : vector<2048x4xf32> to vector<256x4xf32>
    %jit3A_68 = arith.constant 0.000000e+00 : f32
    %jit3A_69 = arith.constant 8.000000e+02 : f32
    %max3A_70 = vector.broadcast %jit3A_68 : f32 to vector<256x4xf32>
    %max3A_71 = arith.maximumf %max3A_70, %slice3A_67 : vector<256x4xf32>
    %min3A_72 = vector.broadcast %jit3A_69 : f32 to vector<256x4xf32>
    %min3A_73 = arith.minimumf %min3A_72, %max3A_71 : vector<256x4xf32>
    %slice3A_74 = vector.extract_strided_slice %min3A_73 {offsets = [0, 0], sizes = [256, 1], strides = [1, 1]} : vector<256x4xf32> to vector<256x1xf32>
    %slice3A_75 = vector.extract_strided_slice %min3A_73 {offsets = [0, 1], sizes = [256, 1], strides = [1, 1]} : vector<256x4xf32> to vector<256x1xf32>
    %slice3A_76 = vector.extract_strided_slice %min3A_73 {offsets = [0, 2], sizes = [256, 1], strides = [1, 1]} : vector<256x4xf32> to vector<256x1xf32>
    %slice3A_77 = vector.extract_strided_slice %min3A_73 {offsets = [0, 3], sizes = [256, 1], strides = [1, 1]} : vector<256x4xf32> to vector<256x1xf32>
    %sub3A_78 = arith.subf %slice3A_76, %slice3A_74 : vector<256x1xf32>
    %sub3A_79 = arith.subf %slice3A_77, %slice3A_75 : vector<256x1xf32>
    %mul3A_80 = arith.mulf %sub3A_78, %sub3A_79 : vector<256x1xf32>
    %slice3A_81 = vector.extract_strided_slice %get3A_4 {offsets = [768, 0], sizes = [256, 4], strides = [1, 1]} : vector<2048x4xf32> to vector<256x4xf32>
    %jit3A_82 = arith.constant 0.000000e+00 : f32
    %jit3A_83 = arith.constant 8.000000e+02 : f32
    %max3A_84 = vector.broadcast %jit3A_82 : f32 to vector<256x4xf32>
    %max3A_85 = arith.maximumf %max3A_84, %slice3A_81 : vector<256x4xf32>
    %min3A_86 = vector.broadcast %jit3A_83 : f32 to vector<256x4xf32>
    %min3A_87 = arith.minimumf %min3A_86, %max3A_85 : vector<256x4xf32>
    %slice3A_88 = vector.extract_strided_slice %min3A_87 {offsets = [0, 0], sizes = [256, 1], strides = [1, 1]} : vector<256x4xf32> to vector<256x1xf32>
    %slice3A_89 = vector.extract_strided_slice %min3A_87 {offsets = [0, 1], sizes = [256, 1], strides = [1, 1]} : vector<256x4xf32> to vector<256x1xf32>
    %slice3A_90 = vector.extract_strided_slice %min3A_87 {offsets = [0, 2], sizes = [256, 1], strides = [1, 1]} : vector<256x4xf32> to vector<256x1xf32>
    %slice3A_91 = vector.extract_strided_slice %min3A_87 {offsets = [0, 3], sizes = [256, 1], strides = [1, 1]} : vector<256x4xf32> to vector<256x1xf32>
    %sub3A_92 = arith.subf %slice3A_90, %slice3A_88 : vector<256x1xf32>
    %sub3A_93 = arith.subf %slice3A_91, %slice3A_89 : vector<256x1xf32>
    %mul3A_94 = arith.mulf %sub3A_92, %sub3A_93 : vector<256x1xf32>
    %slice3A_95 = vector.extract_strided_slice %get3A_4 {offsets = [1024, 0], sizes = [256, 4], strides = [1, 1]} : vector<2048x4xf32> to vector<256x4xf32>
    %jit3A_96 = arith.constant 0.000000e+00 : f32
    %jit3A_97 = arith.constant 8.000000e+02 : f32
    %max3A_98 = vector.broadcast %jit3A_96 : f32 to vector<256x4xf32>
    %max3A_99 = arith.maximumf %max3A_98, %slice3A_95 : vector<256x4xf32>
    %min3A_100 = vector.broadcast %jit3A_97 : f32 to vector<256x4xf32>
    %min3A_101 = arith.minimumf %min3A_100, %max3A_99 : vector<256x4xf32>
    %slice3A_102 = vector.extract_strided_slice %min3A_101 {offsets = [0, 0], sizes = [256, 1], strides = [1, 1]} : vector<256x4xf32> to vector<256x1xf32>
    %slice3A_103 = vector.extract_strided_slice %min3A_101 {offsets = [0, 1], sizes = [256, 1], strides = [1, 1]} : vector<256x4xf32> to vector<256x1xf32>
    %slice3A_104 = vector.extract_strided_slice %min3A_101 {offsets = [0, 2], sizes = [256, 1], strides = [1, 1]} : vector<256x4xf32> to vector<256x1xf32>
    %slice3A_105 = vector.extract_strided_slice %min3A_101 {offsets = [0, 3], sizes = [256, 1], strides = [1, 1]} : vector<256x4xf32> to vector<256x1xf32>
    %sub3A_106 = arith.subf %slice3A_104, %slice3A_102 : vector<256x1xf32>
    %sub3A_107 = arith.subf %slice3A_105, %slice3A_103 : vector<256x1xf32>
    %mul3A_108 = arith.mulf %sub3A_106, %sub3A_107 : vector<256x1xf32>
    %slice3A_109 = vector.extract_strided_slice %get3A_4 {offsets = [1280, 0], sizes = [256, 4], strides = [1, 1]} : vector<2048x4xf32> to vector<256x4xf32>
    %jit3A_110 = arith.constant 0.000000e+00 : f32
    %jit3A_111 = arith.constant 8.000000e+02 : f32
    %max3A_112 = vector.broadcast %jit3A_110 : f32 to vector<256x4xf32>
    %max3A_113 = arith.maximumf %max3A_112, %slice3A_109 : vector<256x4xf32>
    %min3A_114 = vector.broadcast %jit3A_111 : f32 to vector<256x4xf32>
    %min3A_115 = arith.minimumf %min3A_114, %max3A_113 : vector<256x4xf32>
    %slice3A_116 = vector.extract_strided_slice %min3A_115 {offsets = [0, 0], sizes = [256, 1], strides = [1, 1]} : vector<256x4xf32> to vector<256x1xf32>
    %slice3A_117 = vector.extract_strided_slice %min3A_115 {offsets = [0, 1], sizes = [256, 1], strides = [1, 1]} : vector<256x4xf32> to vector<256x1xf32>
    %slice3A_118 = vector.extract_strided_slice %min3A_115 {offsets = [0, 2], sizes = [256, 1], strides = [1, 1]} : vector<256x4xf32> to vector<256x1xf32>
    %slice3A_119 = vector.extract_strided_slice %min3A_115 {offsets = [0, 3], sizes = [256, 1], strides = [1, 1]} : vector<256x4xf32> to vector<256x1xf32>
    %sub3A_120 = arith.subf %slice3A_118, %slice3A_116 : vector<256x1xf32>
    %sub3A_121 = arith.subf %slice3A_119, %slice3A_117 : vector<256x1xf32>
    %mul3A_122 = arith.mulf %sub3A_120, %sub3A_121 : vector<256x1xf32>
    %slice3A_123 = vector.extract_strided_slice %get3A_4 {offsets = [1536, 0], sizes = [256, 4], strides = [1, 1]} : vector<2048x4xf32> to vector<256x4xf32>
    %jit3A_124 = arith.constant 0.000000e+00 : f32
    %jit3A_125 = arith.constant 8.000000e+02 : f32
    %max3A_126 = vector.broadcast %jit3A_124 : f32 to vector<256x4xf32>
    %max3A_127 = arith.maximumf %max3A_126, %slice3A_123 : vector<256x4xf32>
    %min3A_128 = vector.broadcast %jit3A_125 : f32 to vector<256x4xf32>
    %min3A_129 = arith.minimumf %min3A_128, %max3A_127 : vector<256x4xf32>
    %slice3A_130 = vector.extract_strided_slice %min3A_129 {offsets = [0, 0], sizes = [256, 1], strides = [1, 1]} : vector<256x4xf32> to vector<256x1xf32>
    %slice3A_131 = vector.extract_strided_slice %min3A_129 {offsets = [0, 1], sizes = [256, 1], strides = [1, 1]} : vector<256x4xf32> to vector<256x1xf32>
    %slice3A_132 = vector.extract_strided_slice %min3A_129 {offsets = [0, 2], sizes = [256, 1], strides = [1, 1]} : vector<256x4xf32> to vector<256x1xf32>
    %slice3A_133 = vector.extract_strided_slice %min3A_129 {offsets = [0, 3], sizes = [256, 1], strides = [1, 1]} : vector<256x4xf32> to vector<256x1xf32>
    %sub3A_134 = arith.subf %slice3A_132, %slice3A_130 : vector<256x1xf32>
    %sub3A_135 = arith.subf %slice3A_133, %slice3A_131 : vector<256x1xf32>
    %mul3A_136 = arith.mulf %sub3A_134, %sub3A_135 : vector<256x1xf32>
    %slice3A_137 = vector.extract_strided_slice %get3A_4 {offsets = [1792, 0], sizes = [256, 4], strides = [1, 1]} : vector<2048x4xf32> to vector<256x4xf32>
    %jit3A_138 = arith.constant 0.000000e+00 : f32
    %jit3A_139 = arith.constant 8.000000e+02 : f32
    %max3A_140 = vector.broadcast %jit3A_138 : f32 to vector<256x4xf32>
    %max3A_141 = arith.maximumf %max3A_140, %slice3A_137 : vector<256x4xf32>
    %min3A_142 = vector.broadcast %jit3A_139 : f32 to vector<256x4xf32>
    %min3A_143 = arith.minimumf %min3A_142, %max3A_141 : vector<256x4xf32>
    %slice3A_144 = vector.extract_strided_slice %min3A_143 {offsets = [0, 0], sizes = [256, 1], strides = [1, 1]} : vector<256x4xf32> to vector<256x1xf32>
    %slice3A_145 = vector.extract_strided_slice %min3A_143 {offsets = [0, 1], sizes = [256, 1], strides = [1, 1]} : vector<256x4xf32> to vector<256x1xf32>
    %slice3A_146 = vector.extract_strided_slice %min3A_143 {offsets = [0, 2], sizes = [256, 1], strides = [1, 1]} : vector<256x4xf32> to vector<256x1xf32>
    %slice3A_147 = vector.extract_strided_slice %min3A_143 {offsets = [0, 3], sizes = [256, 1], strides = [1, 1]} : vector<256x4xf32> to vector<256x1xf32>
    %sub3A_148 = arith.subf %slice3A_146, %slice3A_144 : vector<256x1xf32>
    %sub3A_149 = arith.subf %slice3A_147, %slice3A_145 : vector<256x1xf32>
    %mul3A_150 = arith.mulf %sub3A_148, %sub3A_149 : vector<256x1xf32>
    %iota3A_151 = tpu.iota {dimensions = array<i32: 0>} : vector<256x256xi32>
    %iota3A_152 = tpu.iota {dimensions = array<i32: 1>} : vector<256x256xi32>
    %lt3A_153 = arith.cmpi slt, %iota3A_151, %iota3A_152 : vector<256x256xi32>
    %convert_element_type3A_154 = arith.extui %lt3A_153 : vector<256x256xi1> to vector<256x256xi32>
    %convert_element_type3A_155 = arith.sitofp %convert_element_type3A_154 : vector<256x256xi32> to vector<256x256xf32>
    %le3A = arith.cmpi sle, %iota3A_151, %iota3A_152 : vector<256x256xi32>
    %convert_element_type3A_156 = arith.extui %le3A : vector<256x256xi1> to vector<256x256xi32>
    %convert_element_type3A_157 = arith.sitofp %convert_element_type3A_156 : vector<256x256xi32> to vector<256x256xf32>
    %broadcast_in_dim3A = arith.constant 0.000000e+00 : f32
    %broadcast_in_dim3A_158 = vector.broadcast %broadcast_in_dim3A : f32 to vector<1x256xf32>
    %slice3A_159 = vector.extract_strided_slice %convert_element_type3A_38 {offsets = [0, 0], sizes = [1, 256], strides = [1, 1]} : vector<1x2048xf32> to vector<1x256xf32>
    %eq3A = arith.constant 0.000000e+00 : f32
    %eq3A_160 = vector.broadcast %eq3A : f32 to vector<1x256xf32>
    %eq3A_161 = arith.cmpf oeq, %broadcast_in_dim3A_158, %eq3A_160 : vector<1x256xf32>
    %convert_element_type3A_162 = arith.extui %eq3A_161 : vector<1x256xi1> to vector<1x256xi32>
    %convert_element_type3A_163 = arith.sitofp %convert_element_type3A_162 : vector<1x256xi32> to vector<1x256xf32>
    %mul3A_164 = arith.mulf %slice3A_159, %convert_element_type3A_163 : vector<1x256xf32>
    %slice3A_165 = vector.extract_strided_slice %min3A_7 {offsets = [0, 0], sizes = [1, 256], strides = [1, 1]} : vector<1x2048xf32> to vector<1x256xf32>
    %max3A_166 = vector.broadcast %slice3A_46 : vector<256x1xf32> to vector<256x256xf32>
    %max3A_167 = vector.broadcast %slice3A_165 : vector<1x256xf32> to vector<256x256xf32>
    %max3A_168 = arith.maximumf %max3A_166, %max3A_167 : vector<256x256xf32>
    %slice3A_169 = vector.extract_strided_slice %min3A_14 {offsets = [0, 0], sizes = [1, 256], strides = [1, 1]} : vector<1x2048xf32> to vector<1x256xf32>
    %max3A_170 = vector.broadcast %slice3A_47 : vector<256x1xf32> to vector<256x256xf32>
    %max3A_171 = vector.broadcast %slice3A_169 : vector<1x256xf32> to vector<256x256xf32>
    %max3A_172 = arith.maximumf %max3A_170, %max3A_171 : vector<256x256xf32>
    %slice3A_173 = vector.extract_strided_slice %min3A_21 {offsets = [0, 0], sizes = [1, 256], strides = [1, 1]} : vector<1x2048xf32> to vector<1x256xf32>
    %min3A_174 = vector.broadcast %slice3A_48 : vector<256x1xf32> to vector<256x256xf32>
    %min3A_175 = vector.broadcast %slice3A_173 : vector<1x256xf32> to vector<256x256xf32>
    %min3A_176 = arith.minimumf %min3A_174, %min3A_175 : vector<256x256xf32>
    %slice3A_177 = vector.extract_strided_slice %min3A_28 {offsets = [0, 0], sizes = [1, 256], strides = [1, 1]} : vector<1x2048xf32> to vector<1x256xf32>
    %min3A_178 = vector.broadcast %slice3A_49 : vector<256x1xf32> to vector<256x256xf32>
    %min3A_179 = vector.broadcast %slice3A_177 : vector<1x256xf32> to vector<256x256xf32>
    %min3A_180 = arith.minimumf %min3A_178, %min3A_179 : vector<256x256xf32>
    %sub3A_181 = arith.subf %min3A_176, %max3A_168 : vector<256x256xf32>
    %max3A_182 = arith.constant 0.000000e+00 : f32
    %max3A_183 = vector.broadcast %max3A_182 : f32 to vector<256x256xf32>
    %max3A_184 = arith.maximumf %sub3A_181, %max3A_183 : vector<256x256xf32>
    %sub3A_185 = arith.subf %min3A_180, %max3A_172 : vector<256x256xf32>
    %max3A_186 = arith.constant 0.000000e+00 : f32
    %max3A_187 = vector.broadcast %max3A_186 : f32 to vector<256x256xf32>
    %max3A_188 = arith.maximumf %sub3A_185, %max3A_187 : vector<256x256xf32>
    %mul3A_189 = arith.mulf %max3A_184, %max3A_188 : vector<256x256xf32>
    %slice3A_190 = vector.extract_strided_slice %mul3A {offsets = [0, 0], sizes = [1, 256], strides = [1, 1]} : vector<1x2048xf32> to vector<1x256xf32>
    %add3A = vector.broadcast %mul3A_52 : vector<256x1xf32> to vector<256x256xf32>
    %add3A_191 = vector.broadcast %slice3A_190 : vector<1x256xf32> to vector<256x256xf32>
    %add3A_192 = arith.addf %add3A, %add3A_191 : vector<256x256xf32>
    %sub3A_193 = arith.subf %add3A_192, %mul3A_189 : vector<256x256xf32>
    %add3A_194 = arith.constant 9.99999971E-10 : f32
    %add3A_195 = vector.broadcast %add3A_194 : f32 to vector<256x256xf32>
    %add3A_196 = arith.addf %sub3A_193, %add3A_195 : vector<256x256xf32>
    %div3A = arith.divf %mul3A_189, %add3A_196 : vector<256x256xf32>
    %gt3A = arith.constant 0.699999988 : f32
    %gt3A_197 = vector.broadcast %gt3A : f32 to vector<256x256xf32>
    %gt3A_198 = arith.cmpf ogt, %div3A, %gt3A_197 : vector<256x256xf32>
    %convert_element_type3A_199 = arith.extui %gt3A_198 : vector<256x256xi1> to vector<256x256xi32>
    %convert_element_type3A_200 = arith.sitofp %convert_element_type3A_199 : vector<256x256xi32> to vector<256x256xf32>
    %mul3A_201 = arith.mulf %convert_element_type3A_200, %convert_element_type3A_155 : vector<256x256xf32>
    %while3A = arith.constant true
    %while3A_202:2 = scf.while (%while3A_1893 = %mul3A_164, %while3A_1894 = %while3A) : (vector<1x256xf32>, i1) -> (vector<1x256xf32>, i1) {
      scf.condition(%while3A_1894) %while3A_1893, %while3A_1894 : vector<1x256xf32>, i1
    } do {
    ^bb0(%while3A_1893: vector<1x256xf32>, %while3A_1894: i1):
      %dot_general3A_1895 = arith.constant dense<0.000000e+00> : vector<1x256xf32>
      %dot_general3A_1896 = tpu.matmul %while3A_1893, %mul3A_201, %dot_general3A_1895 {dimension_numbers = #tpu.dot_dimension_numbers<[1], [0], [0], [1], [0, 0, 1, 1], [], []>, transpose_lhs_hint = false} : vector<1x256xf32>, vector<256x256xf32>, vector<1x256xf32> -> vector<1x256xf32>
      %eq3A_1897 = arith.constant 0.000000e+00 : f32
      %eq3A_1898 = vector.broadcast %eq3A_1897 : f32 to vector<1x256xf32>
      %eq3A_1899 = arith.cmpf oeq, %dot_general3A_1896, %eq3A_1898 : vector<1x256xf32>
      %convert_element_type3A_1900 = arith.extui %eq3A_1899 : vector<1x256xi1> to vector<1x256xi32>
      %convert_element_type3A_1901 = arith.sitofp %convert_element_type3A_1900 : vector<1x256xi32> to vector<1x256xf32>
      %mul3A_1902 = arith.mulf %mul3A_164, %convert_element_type3A_1901 : vector<1x256xf32>
      %ne3A = arith.cmpf one, %mul3A_1902, %while3A_1893 : vector<1x256xf32>
      %reduce_or3A = arith.constant 1.000000e+00 : f32
      %reduce_or3A_1903 = arith.constant 0.000000e+00 : f32
      %reduce_or3A_1904 = vector.broadcast %reduce_or3A : f32 to vector<1x256xf32>
      %reduce_or3A_1905 = vector.broadcast %reduce_or3A_1903 : f32 to vector<1x256xf32>
      %reduce_or3A_1906 = arith.select %ne3A, %reduce_or3A_1904, %reduce_or3A_1905 : vector<1x256xi1>, vector<1x256xf32>
      %reduce_or3A_1907 = vector.shape_cast %reduce_or3A_1906 : vector<1x256xf32> to vector<1x1x256xf32>
      %reduce_or3A_1908 = arith.constant dense<0xFF800000> : vector<1xf32>
      %reduce_or3A_1909 = vector.multi_reduction <maximumf>, %reduce_or3A_1907, %reduce_or3A_1908 [1, 2] : vector<1x1x256xf32> to vector<1xf32>
      %reduce_or3A_1910 = vector.shape_cast %reduce_or3A_1909 : vector<1xf32> to vector<1x1x1xf32>
      %reduce_or3A_1911 = vector.extract %reduce_or3A_1910[0, 0, 0] : f32 from vector<1x1x1xf32>
      %reduce_or3A_1912 = arith.constant 0.000000e+00 : f32
      %reduce_or3A_1913 = arith.cmpf ogt, %reduce_or3A_1911, %reduce_or3A_1912 : f32
      scf.yield %mul3A_1902, %reduce_or3A_1913 : vector<1x256xf32>, i1
    }
    %broadcast_in_dim3A_203 = arith.constant 0.000000e+00 : f32
    %broadcast_in_dim3A_204 = vector.broadcast %broadcast_in_dim3A_203 : f32 to vector<1x256xf32>
    %slice3A_205 = vector.extract_strided_slice %min3A_7 {offsets = [0, 256], sizes = [1, 256], strides = [1, 1]} : vector<1x2048xf32> to vector<1x256xf32>
    %max3A_206 = vector.broadcast %slice3A_46 : vector<256x1xf32> to vector<256x256xf32>
    %max3A_207 = vector.broadcast %slice3A_205 : vector<1x256xf32> to vector<256x256xf32>
    %max3A_208 = arith.maximumf %max3A_206, %max3A_207 : vector<256x256xf32>
    %slice3A_209 = vector.extract_strided_slice %min3A_14 {offsets = [0, 256], sizes = [1, 256], strides = [1, 1]} : vector<1x2048xf32> to vector<1x256xf32>
    %max3A_210 = vector.broadcast %slice3A_47 : vector<256x1xf32> to vector<256x256xf32>
    %max3A_211 = vector.broadcast %slice3A_209 : vector<1x256xf32> to vector<256x256xf32>
    %max3A_212 = arith.maximumf %max3A_210, %max3A_211 : vector<256x256xf32>
    %slice3A_213 = vector.extract_strided_slice %min3A_21 {offsets = [0, 256], sizes = [1, 256], strides = [1, 1]} : vector<1x2048xf32> to vector<1x256xf32>
    %min3A_214 = vector.broadcast %slice3A_48 : vector<256x1xf32> to vector<256x256xf32>
    %min3A_215 = vector.broadcast %slice3A_213 : vector<1x256xf32> to vector<256x256xf32>
    %min3A_216 = arith.minimumf %min3A_214, %min3A_215 : vector<256x256xf32>
    %slice3A_217 = vector.extract_strided_slice %min3A_28 {offsets = [0, 256], sizes = [1, 256], strides = [1, 1]} : vector<1x2048xf32> to vector<1x256xf32>
    %min3A_218 = vector.broadcast %slice3A_49 : vector<256x1xf32> to vector<256x256xf32>
    %min3A_219 = vector.broadcast %slice3A_217 : vector<1x256xf32> to vector<256x256xf32>
    %min3A_220 = arith.minimumf %min3A_218, %min3A_219 : vector<256x256xf32>
    %sub3A_221 = arith.subf %min3A_216, %max3A_208 : vector<256x256xf32>
    %max3A_222 = arith.constant 0.000000e+00 : f32
    %max3A_223 = vector.broadcast %max3A_222 : f32 to vector<256x256xf32>
    %max3A_224 = arith.maximumf %sub3A_221, %max3A_223 : vector<256x256xf32>
    %sub3A_225 = arith.subf %min3A_220, %max3A_212 : vector<256x256xf32>
    %max3A_226 = arith.constant 0.000000e+00 : f32
    %max3A_227 = vector.broadcast %max3A_226 : f32 to vector<256x256xf32>
    %max3A_228 = arith.maximumf %sub3A_225, %max3A_227 : vector<256x256xf32>
    %mul3A_229 = arith.mulf %max3A_224, %max3A_228 : vector<256x256xf32>
    %slice3A_230 = vector.extract_strided_slice %mul3A {offsets = [0, 256], sizes = [1, 256], strides = [1, 1]} : vector<1x2048xf32> to vector<1x256xf32>
    %add3A_231 = vector.broadcast %mul3A_52 : vector<256x1xf32> to vector<256x256xf32>
    %add3A_232 = vector.broadcast %slice3A_230 : vector<1x256xf32> to vector<256x256xf32>
    %add3A_233 = arith.addf %add3A_231, %add3A_232 : vector<256x256xf32>
    %sub3A_234 = arith.subf %add3A_233, %mul3A_229 : vector<256x256xf32>
    %add3A_235 = arith.constant 9.99999971E-10 : f32
    %add3A_236 = vector.broadcast %add3A_235 : f32 to vector<256x256xf32>
    %add3A_237 = arith.addf %sub3A_234, %add3A_236 : vector<256x256xf32>
    %div3A_238 = arith.divf %mul3A_229, %add3A_237 : vector<256x256xf32>
    %gt3A_239 = arith.constant 0.699999988 : f32
    %gt3A_240 = vector.broadcast %gt3A_239 : f32 to vector<256x256xf32>
    %gt3A_241 = arith.cmpf ogt, %div3A_238, %gt3A_240 : vector<256x256xf32>
    %convert_element_type3A_242 = arith.extui %gt3A_241 : vector<256x256xi1> to vector<256x256xi32>
    %convert_element_type3A_243 = arith.sitofp %convert_element_type3A_242 : vector<256x256xi32> to vector<256x256xf32>
    %dot_general3A = arith.constant dense<0.000000e+00> : vector<1x256xf32>
    %dot_general3A_244 = tpu.matmul %while3A_202#0, %convert_element_type3A_243, %dot_general3A {dimension_numbers = #tpu.dot_dimension_numbers<[1], [0], [0], [1], [0, 0, 1, 1], [], []>, transpose_lhs_hint = false} : vector<1x256xf32>, vector<256x256xf32>, vector<1x256xf32> -> vector<1x256xf32>
    %add3A_245 = arith.addf %broadcast_in_dim3A_204, %dot_general3A_244 : vector<1x256xf32>
    %slice3A_246 = vector.extract_strided_slice %convert_element_type3A_38 {offsets = [0, 256], sizes = [1, 256], strides = [1, 1]} : vector<1x2048xf32> to vector<1x256xf32>
    %eq3A_247 = arith.constant 0.000000e+00 : f32
    %eq3A_248 = vector.broadcast %eq3A_247 : f32 to vector<1x256xf32>
    %eq3A_249 = arith.cmpf oeq, %add3A_245, %eq3A_248 : vector<1x256xf32>
    %convert_element_type3A_250 = arith.extui %eq3A_249 : vector<1x256xi1> to vector<1x256xi32>
    %convert_element_type3A_251 = arith.sitofp %convert_element_type3A_250 : vector<1x256xi32> to vector<1x256xf32>
    %mul3A_252 = arith.mulf %slice3A_246, %convert_element_type3A_251 : vector<1x256xf32>
    %slice3A_253 = vector.extract_strided_slice %min3A_7 {offsets = [0, 256], sizes = [1, 256], strides = [1, 1]} : vector<1x2048xf32> to vector<1x256xf32>
    %max3A_254 = vector.broadcast %slice3A_60 : vector<256x1xf32> to vector<256x256xf32>
    %max3A_255 = vector.broadcast %slice3A_253 : vector<1x256xf32> to vector<256x256xf32>
    %max3A_256 = arith.maximumf %max3A_254, %max3A_255 : vector<256x256xf32>
    %slice3A_257 = vector.extract_strided_slice %min3A_14 {offsets = [0, 256], sizes = [1, 256], strides = [1, 1]} : vector<1x2048xf32> to vector<1x256xf32>
    %max3A_258 = vector.broadcast %slice3A_61 : vector<256x1xf32> to vector<256x256xf32>
    %max3A_259 = vector.broadcast %slice3A_257 : vector<1x256xf32> to vector<256x256xf32>
    %max3A_260 = arith.maximumf %max3A_258, %max3A_259 : vector<256x256xf32>
    %slice3A_261 = vector.extract_strided_slice %min3A_21 {offsets = [0, 256], sizes = [1, 256], strides = [1, 1]} : vector<1x2048xf32> to vector<1x256xf32>
    %min3A_262 = vector.broadcast %slice3A_62 : vector<256x1xf32> to vector<256x256xf32>
    %min3A_263 = vector.broadcast %slice3A_261 : vector<1x256xf32> to vector<256x256xf32>
    %min3A_264 = arith.minimumf %min3A_262, %min3A_263 : vector<256x256xf32>
    %slice3A_265 = vector.extract_strided_slice %min3A_28 {offsets = [0, 256], sizes = [1, 256], strides = [1, 1]} : vector<1x2048xf32> to vector<1x256xf32>
    %min3A_266 = vector.broadcast %slice3A_63 : vector<256x1xf32> to vector<256x256xf32>
    %min3A_267 = vector.broadcast %slice3A_265 : vector<1x256xf32> to vector<256x256xf32>
    %min3A_268 = arith.minimumf %min3A_266, %min3A_267 : vector<256x256xf32>
    %sub3A_269 = arith.subf %min3A_264, %max3A_256 : vector<256x256xf32>
    %max3A_270 = arith.constant 0.000000e+00 : f32
    %max3A_271 = vector.broadcast %max3A_270 : f32 to vector<256x256xf32>
    %max3A_272 = arith.maximumf %sub3A_269, %max3A_271 : vector<256x256xf32>
    %sub3A_273 = arith.subf %min3A_268, %max3A_260 : vector<256x256xf32>
    %max3A_274 = arith.constant 0.000000e+00 : f32
    %max3A_275 = vector.broadcast %max3A_274 : f32 to vector<256x256xf32>
    %max3A_276 = arith.maximumf %sub3A_273, %max3A_275 : vector<256x256xf32>
    %mul3A_277 = arith.mulf %max3A_272, %max3A_276 : vector<256x256xf32>
    %slice3A_278 = vector.extract_strided_slice %mul3A {offsets = [0, 256], sizes = [1, 256], strides = [1, 1]} : vector<1x2048xf32> to vector<1x256xf32>
    %add3A_279 = vector.broadcast %mul3A_66 : vector<256x1xf32> to vector<256x256xf32>
    %add3A_280 = vector.broadcast %slice3A_278 : vector<1x256xf32> to vector<256x256xf32>
    %add3A_281 = arith.addf %add3A_279, %add3A_280 : vector<256x256xf32>
    %sub3A_282 = arith.subf %add3A_281, %mul3A_277 : vector<256x256xf32>
    %add3A_283 = arith.constant 9.99999971E-10 : f32
    %add3A_284 = vector.broadcast %add3A_283 : f32 to vector<256x256xf32>
    %add3A_285 = arith.addf %sub3A_282, %add3A_284 : vector<256x256xf32>
    %div3A_286 = arith.divf %mul3A_277, %add3A_285 : vector<256x256xf32>
    %gt3A_287 = arith.constant 0.699999988 : f32
    %gt3A_288 = vector.broadcast %gt3A_287 : f32 to vector<256x256xf32>
    %gt3A_289 = arith.cmpf ogt, %div3A_286, %gt3A_288 : vector<256x256xf32>
    %convert_element_type3A_290 = arith.extui %gt3A_289 : vector<256x256xi1> to vector<256x256xi32>
    %convert_element_type3A_291 = arith.sitofp %convert_element_type3A_290 : vector<256x256xi32> to vector<256x256xf32>
    %mul3A_292 = arith.mulf %convert_element_type3A_291, %convert_element_type3A_155 : vector<256x256xf32>
    %while3A_293 = arith.constant true
    %while3A_294:2 = scf.while (%while3A_1893 = %mul3A_252, %while3A_1894 = %while3A_293) : (vector<1x256xf32>, i1) -> (vector<1x256xf32>, i1) {
      scf.condition(%while3A_1894) %while3A_1893, %while3A_1894 : vector<1x256xf32>, i1
    } do {
    ^bb0(%while3A_1893: vector<1x256xf32>, %while3A_1894: i1):
      %dot_general3A_1895 = arith.constant dense<0.000000e+00> : vector<1x256xf32>
      %dot_general3A_1896 = tpu.matmul %while3A_1893, %mul3A_292, %dot_general3A_1895 {dimension_numbers = #tpu.dot_dimension_numbers<[1], [0], [0], [1], [0, 0, 1, 1], [], []>, transpose_lhs_hint = false} : vector<1x256xf32>, vector<256x256xf32>, vector<1x256xf32> -> vector<1x256xf32>
      %eq3A_1897 = arith.constant 0.000000e+00 : f32
      %eq3A_1898 = vector.broadcast %eq3A_1897 : f32 to vector<1x256xf32>
      %eq3A_1899 = arith.cmpf oeq, %dot_general3A_1896, %eq3A_1898 : vector<1x256xf32>
      %convert_element_type3A_1900 = arith.extui %eq3A_1899 : vector<1x256xi1> to vector<1x256xi32>
      %convert_element_type3A_1901 = arith.sitofp %convert_element_type3A_1900 : vector<1x256xi32> to vector<1x256xf32>
      %mul3A_1902 = arith.mulf %mul3A_252, %convert_element_type3A_1901 : vector<1x256xf32>
      %ne3A = arith.cmpf one, %mul3A_1902, %while3A_1893 : vector<1x256xf32>
      %reduce_or3A = arith.constant 1.000000e+00 : f32
      %reduce_or3A_1903 = arith.constant 0.000000e+00 : f32
      %reduce_or3A_1904 = vector.broadcast %reduce_or3A : f32 to vector<1x256xf32>
      %reduce_or3A_1905 = vector.broadcast %reduce_or3A_1903 : f32 to vector<1x256xf32>
      %reduce_or3A_1906 = arith.select %ne3A, %reduce_or3A_1904, %reduce_or3A_1905 : vector<1x256xi1>, vector<1x256xf32>
      %reduce_or3A_1907 = vector.shape_cast %reduce_or3A_1906 : vector<1x256xf32> to vector<1x1x256xf32>
      %reduce_or3A_1908 = arith.constant dense<0xFF800000> : vector<1xf32>
      %reduce_or3A_1909 = vector.multi_reduction <maximumf>, %reduce_or3A_1907, %reduce_or3A_1908 [1, 2] : vector<1x1x256xf32> to vector<1xf32>
      %reduce_or3A_1910 = vector.shape_cast %reduce_or3A_1909 : vector<1xf32> to vector<1x1x1xf32>
      %reduce_or3A_1911 = vector.extract %reduce_or3A_1910[0, 0, 0] : f32 from vector<1x1x1xf32>
      %reduce_or3A_1912 = arith.constant 0.000000e+00 : f32
      %reduce_or3A_1913 = arith.cmpf ogt, %reduce_or3A_1911, %reduce_or3A_1912 : f32
      scf.yield %mul3A_1902, %reduce_or3A_1913 : vector<1x256xf32>, i1
    }
    %broadcast_in_dim3A_295 = arith.constant 0.000000e+00 : f32
    %broadcast_in_dim3A_296 = vector.broadcast %broadcast_in_dim3A_295 : f32 to vector<1x256xf32>
    %slice3A_297 = vector.extract_strided_slice %min3A_7 {offsets = [0, 512], sizes = [1, 256], strides = [1, 1]} : vector<1x2048xf32> to vector<1x256xf32>
    %max3A_298 = vector.broadcast %slice3A_46 : vector<256x1xf32> to vector<256x256xf32>
    %max3A_299 = vector.broadcast %slice3A_297 : vector<1x256xf32> to vector<256x256xf32>
    %max3A_300 = arith.maximumf %max3A_298, %max3A_299 : vector<256x256xf32>
    %slice3A_301 = vector.extract_strided_slice %min3A_14 {offsets = [0, 512], sizes = [1, 256], strides = [1, 1]} : vector<1x2048xf32> to vector<1x256xf32>
    %max3A_302 = vector.broadcast %slice3A_47 : vector<256x1xf32> to vector<256x256xf32>
    %max3A_303 = vector.broadcast %slice3A_301 : vector<1x256xf32> to vector<256x256xf32>
    %max3A_304 = arith.maximumf %max3A_302, %max3A_303 : vector<256x256xf32>
    %slice3A_305 = vector.extract_strided_slice %min3A_21 {offsets = [0, 512], sizes = [1, 256], strides = [1, 1]} : vector<1x2048xf32> to vector<1x256xf32>
    %min3A_306 = vector.broadcast %slice3A_48 : vector<256x1xf32> to vector<256x256xf32>
    %min3A_307 = vector.broadcast %slice3A_305 : vector<1x256xf32> to vector<256x256xf32>
    %min3A_308 = arith.minimumf %min3A_306, %min3A_307 : vector<256x256xf32>
    %slice3A_309 = vector.extract_strided_slice %min3A_28 {offsets = [0, 512], sizes = [1, 256], strides = [1, 1]} : vector<1x2048xf32> to vector<1x256xf32>
    %min3A_310 = vector.broadcast %slice3A_49 : vector<256x1xf32> to vector<256x256xf32>
    %min3A_311 = vector.broadcast %slice3A_309 : vector<1x256xf32> to vector<256x256xf32>
    %min3A_312 = arith.minimumf %min3A_310, %min3A_311 : vector<256x256xf32>
    %sub3A_313 = arith.subf %min3A_308, %max3A_300 : vector<256x256xf32>
    %max3A_314 = arith.constant 0.000000e+00 : f32
    %max3A_315 = vector.broadcast %max3A_314 : f32 to vector<256x256xf32>
    %max3A_316 = arith.maximumf %sub3A_313, %max3A_315 : vector<256x256xf32>
    %sub3A_317 = arith.subf %min3A_312, %max3A_304 : vector<256x256xf32>
    %max3A_318 = arith.constant 0.000000e+00 : f32
    %max3A_319 = vector.broadcast %max3A_318 : f32 to vector<256x256xf32>
    %max3A_320 = arith.maximumf %sub3A_317, %max3A_319 : vector<256x256xf32>
    %mul3A_321 = arith.mulf %max3A_316, %max3A_320 : vector<256x256xf32>
    %slice3A_322 = vector.extract_strided_slice %mul3A {offsets = [0, 512], sizes = [1, 256], strides = [1, 1]} : vector<1x2048xf32> to vector<1x256xf32>
    %add3A_323 = vector.broadcast %mul3A_52 : vector<256x1xf32> to vector<256x256xf32>
    %add3A_324 = vector.broadcast %slice3A_322 : vector<1x256xf32> to vector<256x256xf32>
    %add3A_325 = arith.addf %add3A_323, %add3A_324 : vector<256x256xf32>
    %sub3A_326 = arith.subf %add3A_325, %mul3A_321 : vector<256x256xf32>
    %add3A_327 = arith.constant 9.99999971E-10 : f32
    %add3A_328 = vector.broadcast %add3A_327 : f32 to vector<256x256xf32>
    %add3A_329 = arith.addf %sub3A_326, %add3A_328 : vector<256x256xf32>
    %div3A_330 = arith.divf %mul3A_321, %add3A_329 : vector<256x256xf32>
    %gt3A_331 = arith.constant 0.699999988 : f32
    %gt3A_332 = vector.broadcast %gt3A_331 : f32 to vector<256x256xf32>
    %gt3A_333 = arith.cmpf ogt, %div3A_330, %gt3A_332 : vector<256x256xf32>
    %convert_element_type3A_334 = arith.extui %gt3A_333 : vector<256x256xi1> to vector<256x256xi32>
    %convert_element_type3A_335 = arith.sitofp %convert_element_type3A_334 : vector<256x256xi32> to vector<256x256xf32>
    %dot_general3A_336 = arith.constant dense<0.000000e+00> : vector<1x256xf32>
    %dot_general3A_337 = tpu.matmul %while3A_202#0, %convert_element_type3A_335, %dot_general3A_336 {dimension_numbers = #tpu.dot_dimension_numbers<[1], [0], [0], [1], [0, 0, 1, 1], [], []>, transpose_lhs_hint = false} : vector<1x256xf32>, vector<256x256xf32>, vector<1x256xf32> -> vector<1x256xf32>
    %add3A_338 = arith.addf %broadcast_in_dim3A_296, %dot_general3A_337 : vector<1x256xf32>
    %slice3A_339 = vector.extract_strided_slice %min3A_7 {offsets = [0, 512], sizes = [1, 256], strides = [1, 1]} : vector<1x2048xf32> to vector<1x256xf32>
    %max3A_340 = vector.broadcast %slice3A_60 : vector<256x1xf32> to vector<256x256xf32>
    %max3A_341 = vector.broadcast %slice3A_339 : vector<1x256xf32> to vector<256x256xf32>
    %max3A_342 = arith.maximumf %max3A_340, %max3A_341 : vector<256x256xf32>
    %slice3A_343 = vector.extract_strided_slice %min3A_14 {offsets = [0, 512], sizes = [1, 256], strides = [1, 1]} : vector<1x2048xf32> to vector<1x256xf32>
    %max3A_344 = vector.broadcast %slice3A_61 : vector<256x1xf32> to vector<256x256xf32>
    %max3A_345 = vector.broadcast %slice3A_343 : vector<1x256xf32> to vector<256x256xf32>
    %max3A_346 = arith.maximumf %max3A_344, %max3A_345 : vector<256x256xf32>
    %slice3A_347 = vector.extract_strided_slice %min3A_21 {offsets = [0, 512], sizes = [1, 256], strides = [1, 1]} : vector<1x2048xf32> to vector<1x256xf32>
    %min3A_348 = vector.broadcast %slice3A_62 : vector<256x1xf32> to vector<256x256xf32>
    %min3A_349 = vector.broadcast %slice3A_347 : vector<1x256xf32> to vector<256x256xf32>
    %min3A_350 = arith.minimumf %min3A_348, %min3A_349 : vector<256x256xf32>
    %slice3A_351 = vector.extract_strided_slice %min3A_28 {offsets = [0, 512], sizes = [1, 256], strides = [1, 1]} : vector<1x2048xf32> to vector<1x256xf32>
    %min3A_352 = vector.broadcast %slice3A_63 : vector<256x1xf32> to vector<256x256xf32>
    %min3A_353 = vector.broadcast %slice3A_351 : vector<1x256xf32> to vector<256x256xf32>
    %min3A_354 = arith.minimumf %min3A_352, %min3A_353 : vector<256x256xf32>
    %sub3A_355 = arith.subf %min3A_350, %max3A_342 : vector<256x256xf32>
    %max3A_356 = arith.constant 0.000000e+00 : f32
    %max3A_357 = vector.broadcast %max3A_356 : f32 to vector<256x256xf32>
    %max3A_358 = arith.maximumf %sub3A_355, %max3A_357 : vector<256x256xf32>
    %sub3A_359 = arith.subf %min3A_354, %max3A_346 : vector<256x256xf32>
    %max3A_360 = arith.constant 0.000000e+00 : f32
    %max3A_361 = vector.broadcast %max3A_360 : f32 to vector<256x256xf32>
    %max3A_362 = arith.maximumf %sub3A_359, %max3A_361 : vector<256x256xf32>
    %mul3A_363 = arith.mulf %max3A_358, %max3A_362 : vector<256x256xf32>
    %slice3A_364 = vector.extract_strided_slice %mul3A {offsets = [0, 512], sizes = [1, 256], strides = [1, 1]} : vector<1x2048xf32> to vector<1x256xf32>
    %add3A_365 = vector.broadcast %mul3A_66 : vector<256x1xf32> to vector<256x256xf32>
    %add3A_366 = vector.broadcast %slice3A_364 : vector<1x256xf32> to vector<256x256xf32>
    %add3A_367 = arith.addf %add3A_365, %add3A_366 : vector<256x256xf32>
    %sub3A_368 = arith.subf %add3A_367, %mul3A_363 : vector<256x256xf32>
    %add3A_369 = arith.constant 9.99999971E-10 : f32
    %add3A_370 = vector.broadcast %add3A_369 : f32 to vector<256x256xf32>
    %add3A_371 = arith.addf %sub3A_368, %add3A_370 : vector<256x256xf32>
    %div3A_372 = arith.divf %mul3A_363, %add3A_371 : vector<256x256xf32>
    %gt3A_373 = arith.constant 0.699999988 : f32
    %gt3A_374 = vector.broadcast %gt3A_373 : f32 to vector<256x256xf32>
    %gt3A_375 = arith.cmpf ogt, %div3A_372, %gt3A_374 : vector<256x256xf32>
    %convert_element_type3A_376 = arith.extui %gt3A_375 : vector<256x256xi1> to vector<256x256xi32>
    %convert_element_type3A_377 = arith.sitofp %convert_element_type3A_376 : vector<256x256xi32> to vector<256x256xf32>
    %dot_general3A_378 = arith.constant dense<0.000000e+00> : vector<1x256xf32>
    %dot_general3A_379 = tpu.matmul %while3A_294#0, %convert_element_type3A_377, %dot_general3A_378 {dimension_numbers = #tpu.dot_dimension_numbers<[1], [0], [0], [1], [0, 0, 1, 1], [], []>, transpose_lhs_hint = false} : vector<1x256xf32>, vector<256x256xf32>, vector<1x256xf32> -> vector<1x256xf32>
    %add3A_380 = arith.addf %add3A_338, %dot_general3A_379 : vector<1x256xf32>
    %slice3A_381 = vector.extract_strided_slice %convert_element_type3A_38 {offsets = [0, 512], sizes = [1, 256], strides = [1, 1]} : vector<1x2048xf32> to vector<1x256xf32>
    %eq3A_382 = arith.constant 0.000000e+00 : f32
    %eq3A_383 = vector.broadcast %eq3A_382 : f32 to vector<1x256xf32>
    %eq3A_384 = arith.cmpf oeq, %add3A_380, %eq3A_383 : vector<1x256xf32>
    %convert_element_type3A_385 = arith.extui %eq3A_384 : vector<1x256xi1> to vector<1x256xi32>
    %convert_element_type3A_386 = arith.sitofp %convert_element_type3A_385 : vector<1x256xi32> to vector<1x256xf32>
    %mul3A_387 = arith.mulf %slice3A_381, %convert_element_type3A_386 : vector<1x256xf32>
    %slice3A_388 = vector.extract_strided_slice %min3A_7 {offsets = [0, 512], sizes = [1, 256], strides = [1, 1]} : vector<1x2048xf32> to vector<1x256xf32>
    %max3A_389 = vector.broadcast %slice3A_74 : vector<256x1xf32> to vector<256x256xf32>
    %max3A_390 = vector.broadcast %slice3A_388 : vector<1x256xf32> to vector<256x256xf32>
    %max3A_391 = arith.maximumf %max3A_389, %max3A_390 : vector<256x256xf32>
    %slice3A_392 = vector.extract_strided_slice %min3A_14 {offsets = [0, 512], sizes = [1, 256], strides = [1, 1]} : vector<1x2048xf32> to vector<1x256xf32>
    %max3A_393 = vector.broadcast %slice3A_75 : vector<256x1xf32> to vector<256x256xf32>
    %max3A_394 = vector.broadcast %slice3A_392 : vector<1x256xf32> to vector<256x256xf32>
    %max3A_395 = arith.maximumf %max3A_393, %max3A_394 : vector<256x256xf32>
    %slice3A_396 = vector.extract_strided_slice %min3A_21 {offsets = [0, 512], sizes = [1, 256], strides = [1, 1]} : vector<1x2048xf32> to vector<1x256xf32>
    %min3A_397 = vector.broadcast %slice3A_76 : vector<256x1xf32> to vector<256x256xf32>
    %min3A_398 = vector.broadcast %slice3A_396 : vector<1x256xf32> to vector<256x256xf32>
    %min3A_399 = arith.minimumf %min3A_397, %min3A_398 : vector<256x256xf32>
    %slice3A_400 = vector.extract_strided_slice %min3A_28 {offsets = [0, 512], sizes = [1, 256], strides = [1, 1]} : vector<1x2048xf32> to vector<1x256xf32>
    %min3A_401 = vector.broadcast %slice3A_77 : vector<256x1xf32> to vector<256x256xf32>
    %min3A_402 = vector.broadcast %slice3A_400 : vector<1x256xf32> to vector<256x256xf32>
    %min3A_403 = arith.minimumf %min3A_401, %min3A_402 : vector<256x256xf32>
    %sub3A_404 = arith.subf %min3A_399, %max3A_391 : vector<256x256xf32>
    %max3A_405 = arith.constant 0.000000e+00 : f32
    %max3A_406 = vector.broadcast %max3A_405 : f32 to vector<256x256xf32>
    %max3A_407 = arith.maximumf %sub3A_404, %max3A_406 : vector<256x256xf32>
    %sub3A_408 = arith.subf %min3A_403, %max3A_395 : vector<256x256xf32>
    %max3A_409 = arith.constant 0.000000e+00 : f32
    %max3A_410 = vector.broadcast %max3A_409 : f32 to vector<256x256xf32>
    %max3A_411 = arith.maximumf %sub3A_408, %max3A_410 : vector<256x256xf32>
    %mul3A_412 = arith.mulf %max3A_407, %max3A_411 : vector<256x256xf32>
    %slice3A_413 = vector.extract_strided_slice %mul3A {offsets = [0, 512], sizes = [1, 256], strides = [1, 1]} : vector<1x2048xf32> to vector<1x256xf32>
    %add3A_414 = vector.broadcast %mul3A_80 : vector<256x1xf32> to vector<256x256xf32>
    %add3A_415 = vector.broadcast %slice3A_413 : vector<1x256xf32> to vector<256x256xf32>
    %add3A_416 = arith.addf %add3A_414, %add3A_415 : vector<256x256xf32>
    %sub3A_417 = arith.subf %add3A_416, %mul3A_412 : vector<256x256xf32>
    %add3A_418 = arith.constant 9.99999971E-10 : f32
    %add3A_419 = vector.broadcast %add3A_418 : f32 to vector<256x256xf32>
    %add3A_420 = arith.addf %sub3A_417, %add3A_419 : vector<256x256xf32>
    %div3A_421 = arith.divf %mul3A_412, %add3A_420 : vector<256x256xf32>
    %gt3A_422 = arith.constant 0.699999988 : f32
    %gt3A_423 = vector.broadcast %gt3A_422 : f32 to vector<256x256xf32>
    %gt3A_424 = arith.cmpf ogt, %div3A_421, %gt3A_423 : vector<256x256xf32>
    %convert_element_type3A_425 = arith.extui %gt3A_424 : vector<256x256xi1> to vector<256x256xi32>
    %convert_element_type3A_426 = arith.sitofp %convert_element_type3A_425 : vector<256x256xi32> to vector<256x256xf32>
    %mul3A_427 = arith.mulf %convert_element_type3A_426, %convert_element_type3A_155 : vector<256x256xf32>
    %while3A_428 = arith.constant true
    %while3A_429:2 = scf.while (%while3A_1893 = %mul3A_387, %while3A_1894 = %while3A_428) : (vector<1x256xf32>, i1) -> (vector<1x256xf32>, i1) {
      scf.condition(%while3A_1894) %while3A_1893, %while3A_1894 : vector<1x256xf32>, i1
    } do {
    ^bb0(%while3A_1893: vector<1x256xf32>, %while3A_1894: i1):
      %dot_general3A_1895 = arith.constant dense<0.000000e+00> : vector<1x256xf32>
      %dot_general3A_1896 = tpu.matmul %while3A_1893, %mul3A_427, %dot_general3A_1895 {dimension_numbers = #tpu.dot_dimension_numbers<[1], [0], [0], [1], [0, 0, 1, 1], [], []>, transpose_lhs_hint = false} : vector<1x256xf32>, vector<256x256xf32>, vector<1x256xf32> -> vector<1x256xf32>
      %eq3A_1897 = arith.constant 0.000000e+00 : f32
      %eq3A_1898 = vector.broadcast %eq3A_1897 : f32 to vector<1x256xf32>
      %eq3A_1899 = arith.cmpf oeq, %dot_general3A_1896, %eq3A_1898 : vector<1x256xf32>
      %convert_element_type3A_1900 = arith.extui %eq3A_1899 : vector<1x256xi1> to vector<1x256xi32>
      %convert_element_type3A_1901 = arith.sitofp %convert_element_type3A_1900 : vector<1x256xi32> to vector<1x256xf32>
      %mul3A_1902 = arith.mulf %mul3A_387, %convert_element_type3A_1901 : vector<1x256xf32>
      %ne3A = arith.cmpf one, %mul3A_1902, %while3A_1893 : vector<1x256xf32>
      %reduce_or3A = arith.constant 1.000000e+00 : f32
      %reduce_or3A_1903 = arith.constant 0.000000e+00 : f32
      %reduce_or3A_1904 = vector.broadcast %reduce_or3A : f32 to vector<1x256xf32>
      %reduce_or3A_1905 = vector.broadcast %reduce_or3A_1903 : f32 to vector<1x256xf32>
      %reduce_or3A_1906 = arith.select %ne3A, %reduce_or3A_1904, %reduce_or3A_1905 : vector<1x256xi1>, vector<1x256xf32>
      %reduce_or3A_1907 = vector.shape_cast %reduce_or3A_1906 : vector<1x256xf32> to vector<1x1x256xf32>
      %reduce_or3A_1908 = arith.constant dense<0xFF800000> : vector<1xf32>
      %reduce_or3A_1909 = vector.multi_reduction <maximumf>, %reduce_or3A_1907, %reduce_or3A_1908 [1, 2] : vector<1x1x256xf32> to vector<1xf32>
      %reduce_or3A_1910 = vector.shape_cast %reduce_or3A_1909 : vector<1xf32> to vector<1x1x1xf32>
      %reduce_or3A_1911 = vector.extract %reduce_or3A_1910[0, 0, 0] : f32 from vector<1x1x1xf32>
      %reduce_or3A_1912 = arith.constant 0.000000e+00 : f32
      %reduce_or3A_1913 = arith.cmpf ogt, %reduce_or3A_1911, %reduce_or3A_1912 : f32
      scf.yield %mul3A_1902, %reduce_or3A_1913 : vector<1x256xf32>, i1
    }
    %broadcast_in_dim3A_430 = arith.constant 0.000000e+00 : f32
    %broadcast_in_dim3A_431 = vector.broadcast %broadcast_in_dim3A_430 : f32 to vector<1x256xf32>
    %slice3A_432 = vector.extract_strided_slice %min3A_7 {offsets = [0, 768], sizes = [1, 256], strides = [1, 1]} : vector<1x2048xf32> to vector<1x256xf32>
    %max3A_433 = vector.broadcast %slice3A_46 : vector<256x1xf32> to vector<256x256xf32>
    %max3A_434 = vector.broadcast %slice3A_432 : vector<1x256xf32> to vector<256x256xf32>
    %max3A_435 = arith.maximumf %max3A_433, %max3A_434 : vector<256x256xf32>
    %slice3A_436 = vector.extract_strided_slice %min3A_14 {offsets = [0, 768], sizes = [1, 256], strides = [1, 1]} : vector<1x2048xf32> to vector<1x256xf32>
    %max3A_437 = vector.broadcast %slice3A_47 : vector<256x1xf32> to vector<256x256xf32>
    %max3A_438 = vector.broadcast %slice3A_436 : vector<1x256xf32> to vector<256x256xf32>
    %max3A_439 = arith.maximumf %max3A_437, %max3A_438 : vector<256x256xf32>
    %slice3A_440 = vector.extract_strided_slice %min3A_21 {offsets = [0, 768], sizes = [1, 256], strides = [1, 1]} : vector<1x2048xf32> to vector<1x256xf32>
    %min3A_441 = vector.broadcast %slice3A_48 : vector<256x1xf32> to vector<256x256xf32>
    %min3A_442 = vector.broadcast %slice3A_440 : vector<1x256xf32> to vector<256x256xf32>
    %min3A_443 = arith.minimumf %min3A_441, %min3A_442 : vector<256x256xf32>
    %slice3A_444 = vector.extract_strided_slice %min3A_28 {offsets = [0, 768], sizes = [1, 256], strides = [1, 1]} : vector<1x2048xf32> to vector<1x256xf32>
    %min3A_445 = vector.broadcast %slice3A_49 : vector<256x1xf32> to vector<256x256xf32>
    %min3A_446 = vector.broadcast %slice3A_444 : vector<1x256xf32> to vector<256x256xf32>
    %min3A_447 = arith.minimumf %min3A_445, %min3A_446 : vector<256x256xf32>
    %sub3A_448 = arith.subf %min3A_443, %max3A_435 : vector<256x256xf32>
    %max3A_449 = arith.constant 0.000000e+00 : f32
    %max3A_450 = vector.broadcast %max3A_449 : f32 to vector<256x256xf32>
    %max3A_451 = arith.maximumf %sub3A_448, %max3A_450 : vector<256x256xf32>
    %sub3A_452 = arith.subf %min3A_447, %max3A_439 : vector<256x256xf32>
    %max3A_453 = arith.constant 0.000000e+00 : f32
    %max3A_454 = vector.broadcast %max3A_453 : f32 to vector<256x256xf32>
    %max3A_455 = arith.maximumf %sub3A_452, %max3A_454 : vector<256x256xf32>
    %mul3A_456 = arith.mulf %max3A_451, %max3A_455 : vector<256x256xf32>
    %slice3A_457 = vector.extract_strided_slice %mul3A {offsets = [0, 768], sizes = [1, 256], strides = [1, 1]} : vector<1x2048xf32> to vector<1x256xf32>
    %add3A_458 = vector.broadcast %mul3A_52 : vector<256x1xf32> to vector<256x256xf32>
    %add3A_459 = vector.broadcast %slice3A_457 : vector<1x256xf32> to vector<256x256xf32>
    %add3A_460 = arith.addf %add3A_458, %add3A_459 : vector<256x256xf32>
    %sub3A_461 = arith.subf %add3A_460, %mul3A_456 : vector<256x256xf32>
    %add3A_462 = arith.constant 9.99999971E-10 : f32
    %add3A_463 = vector.broadcast %add3A_462 : f32 to vector<256x256xf32>
    %add3A_464 = arith.addf %sub3A_461, %add3A_463 : vector<256x256xf32>
    %div3A_465 = arith.divf %mul3A_456, %add3A_464 : vector<256x256xf32>
    %gt3A_466 = arith.constant 0.699999988 : f32
    %gt3A_467 = vector.broadcast %gt3A_466 : f32 to vector<256x256xf32>
    %gt3A_468 = arith.cmpf ogt, %div3A_465, %gt3A_467 : vector<256x256xf32>
    %convert_element_type3A_469 = arith.extui %gt3A_468 : vector<256x256xi1> to vector<256x256xi32>
    %convert_element_type3A_470 = arith.sitofp %convert_element_type3A_469 : vector<256x256xi32> to vector<256x256xf32>
    %dot_general3A_471 = arith.constant dense<0.000000e+00> : vector<1x256xf32>
    %dot_general3A_472 = tpu.matmul %while3A_202#0, %convert_element_type3A_470, %dot_general3A_471 {dimension_numbers = #tpu.dot_dimension_numbers<[1], [0], [0], [1], [0, 0, 1, 1], [], []>, transpose_lhs_hint = false} : vector<1x256xf32>, vector<256x256xf32>, vector<1x256xf32> -> vector<1x256xf32>
    %add3A_473 = arith.addf %broadcast_in_dim3A_431, %dot_general3A_472 : vector<1x256xf32>
    %slice3A_474 = vector.extract_strided_slice %min3A_7 {offsets = [0, 768], sizes = [1, 256], strides = [1, 1]} : vector<1x2048xf32> to vector<1x256xf32>
    %max3A_475 = vector.broadcast %slice3A_60 : vector<256x1xf32> to vector<256x256xf32>
    %max3A_476 = vector.broadcast %slice3A_474 : vector<1x256xf32> to vector<256x256xf32>
    %max3A_477 = arith.maximumf %max3A_475, %max3A_476 : vector<256x256xf32>
    %slice3A_478 = vector.extract_strided_slice %min3A_14 {offsets = [0, 768], sizes = [1, 256], strides = [1, 1]} : vector<1x2048xf32> to vector<1x256xf32>
    %max3A_479 = vector.broadcast %slice3A_61 : vector<256x1xf32> to vector<256x256xf32>
    %max3A_480 = vector.broadcast %slice3A_478 : vector<1x256xf32> to vector<256x256xf32>
    %max3A_481 = arith.maximumf %max3A_479, %max3A_480 : vector<256x256xf32>
    %slice3A_482 = vector.extract_strided_slice %min3A_21 {offsets = [0, 768], sizes = [1, 256], strides = [1, 1]} : vector<1x2048xf32> to vector<1x256xf32>
    %min3A_483 = vector.broadcast %slice3A_62 : vector<256x1xf32> to vector<256x256xf32>
    %min3A_484 = vector.broadcast %slice3A_482 : vector<1x256xf32> to vector<256x256xf32>
    %min3A_485 = arith.minimumf %min3A_483, %min3A_484 : vector<256x256xf32>
    %slice3A_486 = vector.extract_strided_slice %min3A_28 {offsets = [0, 768], sizes = [1, 256], strides = [1, 1]} : vector<1x2048xf32> to vector<1x256xf32>
    %min3A_487 = vector.broadcast %slice3A_63 : vector<256x1xf32> to vector<256x256xf32>
    %min3A_488 = vector.broadcast %slice3A_486 : vector<1x256xf32> to vector<256x256xf32>
    %min3A_489 = arith.minimumf %min3A_487, %min3A_488 : vector<256x256xf32>
    %sub3A_490 = arith.subf %min3A_485, %max3A_477 : vector<256x256xf32>
    %max3A_491 = arith.constant 0.000000e+00 : f32
    %max3A_492 = vector.broadcast %max3A_491 : f32 to vector<256x256xf32>
    %max3A_493 = arith.maximumf %sub3A_490, %max3A_492 : vector<256x256xf32>
    %sub3A_494 = arith.subf %min3A_489, %max3A_481 : vector<256x256xf32>
    %max3A_495 = arith.constant 0.000000e+00 : f32
    %max3A_496 = vector.broadcast %max3A_495 : f32 to vector<256x256xf32>
    %max3A_497 = arith.maximumf %sub3A_494, %max3A_496 : vector<256x256xf32>
    %mul3A_498 = arith.mulf %max3A_493, %max3A_497 : vector<256x256xf32>
    %slice3A_499 = vector.extract_strided_slice %mul3A {offsets = [0, 768], sizes = [1, 256], strides = [1, 1]} : vector<1x2048xf32> to vector<1x256xf32>
    %add3A_500 = vector.broadcast %mul3A_66 : vector<256x1xf32> to vector<256x256xf32>
    %add3A_501 = vector.broadcast %slice3A_499 : vector<1x256xf32> to vector<256x256xf32>
    %add3A_502 = arith.addf %add3A_500, %add3A_501 : vector<256x256xf32>
    %sub3A_503 = arith.subf %add3A_502, %mul3A_498 : vector<256x256xf32>
    %add3A_504 = arith.constant 9.99999971E-10 : f32
    %add3A_505 = vector.broadcast %add3A_504 : f32 to vector<256x256xf32>
    %add3A_506 = arith.addf %sub3A_503, %add3A_505 : vector<256x256xf32>
    %div3A_507 = arith.divf %mul3A_498, %add3A_506 : vector<256x256xf32>
    %gt3A_508 = arith.constant 0.699999988 : f32
    %gt3A_509 = vector.broadcast %gt3A_508 : f32 to vector<256x256xf32>
    %gt3A_510 = arith.cmpf ogt, %div3A_507, %gt3A_509 : vector<256x256xf32>
    %convert_element_type3A_511 = arith.extui %gt3A_510 : vector<256x256xi1> to vector<256x256xi32>
    %convert_element_type3A_512 = arith.sitofp %convert_element_type3A_511 : vector<256x256xi32> to vector<256x256xf32>
    %dot_general3A_513 = arith.constant dense<0.000000e+00> : vector<1x256xf32>
    %dot_general3A_514 = tpu.matmul %while3A_294#0, %convert_element_type3A_512, %dot_general3A_513 {dimension_numbers = #tpu.dot_dimension_numbers<[1], [0], [0], [1], [0, 0, 1, 1], [], []>, transpose_lhs_hint = false} : vector<1x256xf32>, vector<256x256xf32>, vector<1x256xf32> -> vector<1x256xf32>
    %add3A_515 = arith.addf %add3A_473, %dot_general3A_514 : vector<1x256xf32>
    %slice3A_516 = vector.extract_strided_slice %min3A_7 {offsets = [0, 768], sizes = [1, 256], strides = [1, 1]} : vector<1x2048xf32> to vector<1x256xf32>
    %max3A_517 = vector.broadcast %slice3A_74 : vector<256x1xf32> to vector<256x256xf32>
    %max3A_518 = vector.broadcast %slice3A_516 : vector<1x256xf32> to vector<256x256xf32>
    %max3A_519 = arith.maximumf %max3A_517, %max3A_518 : vector<256x256xf32>
    %slice3A_520 = vector.extract_strided_slice %min3A_14 {offsets = [0, 768], sizes = [1, 256], strides = [1, 1]} : vector<1x2048xf32> to vector<1x256xf32>
    %max3A_521 = vector.broadcast %slice3A_75 : vector<256x1xf32> to vector<256x256xf32>
    %max3A_522 = vector.broadcast %slice3A_520 : vector<1x256xf32> to vector<256x256xf32>
    %max3A_523 = arith.maximumf %max3A_521, %max3A_522 : vector<256x256xf32>
    %slice3A_524 = vector.extract_strided_slice %min3A_21 {offsets = [0, 768], sizes = [1, 256], strides = [1, 1]} : vector<1x2048xf32> to vector<1x256xf32>
    %min3A_525 = vector.broadcast %slice3A_76 : vector<256x1xf32> to vector<256x256xf32>
    %min3A_526 = vector.broadcast %slice3A_524 : vector<1x256xf32> to vector<256x256xf32>
    %min3A_527 = arith.minimumf %min3A_525, %min3A_526 : vector<256x256xf32>
    %slice3A_528 = vector.extract_strided_slice %min3A_28 {offsets = [0, 768], sizes = [1, 256], strides = [1, 1]} : vector<1x2048xf32> to vector<1x256xf32>
    %min3A_529 = vector.broadcast %slice3A_77 : vector<256x1xf32> to vector<256x256xf32>
    %min3A_530 = vector.broadcast %slice3A_528 : vector<1x256xf32> to vector<256x256xf32>
    %min3A_531 = arith.minimumf %min3A_529, %min3A_530 : vector<256x256xf32>
    %sub3A_532 = arith.subf %min3A_527, %max3A_519 : vector<256x256xf32>
    %max3A_533 = arith.constant 0.000000e+00 : f32
    %max3A_534 = vector.broadcast %max3A_533 : f32 to vector<256x256xf32>
    %max3A_535 = arith.maximumf %sub3A_532, %max3A_534 : vector<256x256xf32>
    %sub3A_536 = arith.subf %min3A_531, %max3A_523 : vector<256x256xf32>
    %max3A_537 = arith.constant 0.000000e+00 : f32
    %max3A_538 = vector.broadcast %max3A_537 : f32 to vector<256x256xf32>
    %max3A_539 = arith.maximumf %sub3A_536, %max3A_538 : vector<256x256xf32>
    %mul3A_540 = arith.mulf %max3A_535, %max3A_539 : vector<256x256xf32>
    %slice3A_541 = vector.extract_strided_slice %mul3A {offsets = [0, 768], sizes = [1, 256], strides = [1, 1]} : vector<1x2048xf32> to vector<1x256xf32>
    %add3A_542 = vector.broadcast %mul3A_80 : vector<256x1xf32> to vector<256x256xf32>
    %add3A_543 = vector.broadcast %slice3A_541 : vector<1x256xf32> to vector<256x256xf32>
    %add3A_544 = arith.addf %add3A_542, %add3A_543 : vector<256x256xf32>
    %sub3A_545 = arith.subf %add3A_544, %mul3A_540 : vector<256x256xf32>
    %add3A_546 = arith.constant 9.99999971E-10 : f32
    %add3A_547 = vector.broadcast %add3A_546 : f32 to vector<256x256xf32>
    %add3A_548 = arith.addf %sub3A_545, %add3A_547 : vector<256x256xf32>
    %div3A_549 = arith.divf %mul3A_540, %add3A_548 : vector<256x256xf32>
    %gt3A_550 = arith.constant 0.699999988 : f32
    %gt3A_551 = vector.broadcast %gt3A_550 : f32 to vector<256x256xf32>
    %gt3A_552 = arith.cmpf ogt, %div3A_549, %gt3A_551 : vector<256x256xf32>
    %convert_element_type3A_553 = arith.extui %gt3A_552 : vector<256x256xi1> to vector<256x256xi32>
    %convert_element_type3A_554 = arith.sitofp %convert_element_type3A_553 : vector<256x256xi32> to vector<256x256xf32>
    %dot_general3A_555 = arith.constant dense<0.000000e+00> : vector<1x256xf32>
    %dot_general3A_556 = tpu.matmul %while3A_429#0, %convert_element_type3A_554, %dot_general3A_555 {dimension_numbers = #tpu.dot_dimension_numbers<[1], [0], [0], [1], [0, 0, 1, 1], [], []>, transpose_lhs_hint = false} : vector<1x256xf32>, vector<256x256xf32>, vector<1x256xf32> -> vector<1x256xf32>
    %add3A_557 = arith.addf %add3A_515, %dot_general3A_556 : vector<1x256xf32>
    %slice3A_558 = vector.extract_strided_slice %convert_element_type3A_38 {offsets = [0, 768], sizes = [1, 256], strides = [1, 1]} : vector<1x2048xf32> to vector<1x256xf32>
    %eq3A_559 = arith.constant 0.000000e+00 : f32
    %eq3A_560 = vector.broadcast %eq3A_559 : f32 to vector<1x256xf32>
    %eq3A_561 = arith.cmpf oeq, %add3A_557, %eq3A_560 : vector<1x256xf32>
    %convert_element_type3A_562 = arith.extui %eq3A_561 : vector<1x256xi1> to vector<1x256xi32>
    %convert_element_type3A_563 = arith.sitofp %convert_element_type3A_562 : vector<1x256xi32> to vector<1x256xf32>
    %mul3A_564 = arith.mulf %slice3A_558, %convert_element_type3A_563 : vector<1x256xf32>
    %slice3A_565 = vector.extract_strided_slice %min3A_7 {offsets = [0, 768], sizes = [1, 256], strides = [1, 1]} : vector<1x2048xf32> to vector<1x256xf32>
    %max3A_566 = vector.broadcast %slice3A_88 : vector<256x1xf32> to vector<256x256xf32>
    %max3A_567 = vector.broadcast %slice3A_565 : vector<1x256xf32> to vector<256x256xf32>
    %max3A_568 = arith.maximumf %max3A_566, %max3A_567 : vector<256x256xf32>
    %slice3A_569 = vector.extract_strided_slice %min3A_14 {offsets = [0, 768], sizes = [1, 256], strides = [1, 1]} : vector<1x2048xf32> to vector<1x256xf32>
    %max3A_570 = vector.broadcast %slice3A_89 : vector<256x1xf32> to vector<256x256xf32>
    %max3A_571 = vector.broadcast %slice3A_569 : vector<1x256xf32> to vector<256x256xf32>
    %max3A_572 = arith.maximumf %max3A_570, %max3A_571 : vector<256x256xf32>
    %slice3A_573 = vector.extract_strided_slice %min3A_21 {offsets = [0, 768], sizes = [1, 256], strides = [1, 1]} : vector<1x2048xf32> to vector<1x256xf32>
    %min3A_574 = vector.broadcast %slice3A_90 : vector<256x1xf32> to vector<256x256xf32>
    %min3A_575 = vector.broadcast %slice3A_573 : vector<1x256xf32> to vector<256x256xf32>
    %min3A_576 = arith.minimumf %min3A_574, %min3A_575 : vector<256x256xf32>
    %slice3A_577 = vector.extract_strided_slice %min3A_28 {offsets = [0, 768], sizes = [1, 256], strides = [1, 1]} : vector<1x2048xf32> to vector<1x256xf32>
    %min3A_578 = vector.broadcast %slice3A_91 : vector<256x1xf32> to vector<256x256xf32>
    %min3A_579 = vector.broadcast %slice3A_577 : vector<1x256xf32> to vector<256x256xf32>
    %min3A_580 = arith.minimumf %min3A_578, %min3A_579 : vector<256x256xf32>
    %sub3A_581 = arith.subf %min3A_576, %max3A_568 : vector<256x256xf32>
    %max3A_582 = arith.constant 0.000000e+00 : f32
    %max3A_583 = vector.broadcast %max3A_582 : f32 to vector<256x256xf32>
    %max3A_584 = arith.maximumf %sub3A_581, %max3A_583 : vector<256x256xf32>
    %sub3A_585 = arith.subf %min3A_580, %max3A_572 : vector<256x256xf32>
    %max3A_586 = arith.constant 0.000000e+00 : f32
    %max3A_587 = vector.broadcast %max3A_586 : f32 to vector<256x256xf32>
    %max3A_588 = arith.maximumf %sub3A_585, %max3A_587 : vector<256x256xf32>
    %mul3A_589 = arith.mulf %max3A_584, %max3A_588 : vector<256x256xf32>
    %slice3A_590 = vector.extract_strided_slice %mul3A {offsets = [0, 768], sizes = [1, 256], strides = [1, 1]} : vector<1x2048xf32> to vector<1x256xf32>
    %add3A_591 = vector.broadcast %mul3A_94 : vector<256x1xf32> to vector<256x256xf32>
    %add3A_592 = vector.broadcast %slice3A_590 : vector<1x256xf32> to vector<256x256xf32>
    %add3A_593 = arith.addf %add3A_591, %add3A_592 : vector<256x256xf32>
    %sub3A_594 = arith.subf %add3A_593, %mul3A_589 : vector<256x256xf32>
    %add3A_595 = arith.constant 9.99999971E-10 : f32
    %add3A_596 = vector.broadcast %add3A_595 : f32 to vector<256x256xf32>
    %add3A_597 = arith.addf %sub3A_594, %add3A_596 : vector<256x256xf32>
    %div3A_598 = arith.divf %mul3A_589, %add3A_597 : vector<256x256xf32>
    %gt3A_599 = arith.constant 0.699999988 : f32
    %gt3A_600 = vector.broadcast %gt3A_599 : f32 to vector<256x256xf32>
    %gt3A_601 = arith.cmpf ogt, %div3A_598, %gt3A_600 : vector<256x256xf32>
    %convert_element_type3A_602 = arith.extui %gt3A_601 : vector<256x256xi1> to vector<256x256xi32>
    %convert_element_type3A_603 = arith.sitofp %convert_element_type3A_602 : vector<256x256xi32> to vector<256x256xf32>
    %mul3A_604 = arith.mulf %convert_element_type3A_603, %convert_element_type3A_155 : vector<256x256xf32>
    %while3A_605 = arith.constant true
    %while3A_606:2 = scf.while (%while3A_1893 = %mul3A_564, %while3A_1894 = %while3A_605) : (vector<1x256xf32>, i1) -> (vector<1x256xf32>, i1) {
      scf.condition(%while3A_1894) %while3A_1893, %while3A_1894 : vector<1x256xf32>, i1
    } do {
    ^bb0(%while3A_1893: vector<1x256xf32>, %while3A_1894: i1):
      %dot_general3A_1895 = arith.constant dense<0.000000e+00> : vector<1x256xf32>
      %dot_general3A_1896 = tpu.matmul %while3A_1893, %mul3A_604, %dot_general3A_1895 {dimension_numbers = #tpu.dot_dimension_numbers<[1], [0], [0], [1], [0, 0, 1, 1], [], []>, transpose_lhs_hint = false} : vector<1x256xf32>, vector<256x256xf32>, vector<1x256xf32> -> vector<1x256xf32>
      %eq3A_1897 = arith.constant 0.000000e+00 : f32
      %eq3A_1898 = vector.broadcast %eq3A_1897 : f32 to vector<1x256xf32>
      %eq3A_1899 = arith.cmpf oeq, %dot_general3A_1896, %eq3A_1898 : vector<1x256xf32>
      %convert_element_type3A_1900 = arith.extui %eq3A_1899 : vector<1x256xi1> to vector<1x256xi32>
      %convert_element_type3A_1901 = arith.sitofp %convert_element_type3A_1900 : vector<1x256xi32> to vector<1x256xf32>
      %mul3A_1902 = arith.mulf %mul3A_564, %convert_element_type3A_1901 : vector<1x256xf32>
      %ne3A = arith.cmpf one, %mul3A_1902, %while3A_1893 : vector<1x256xf32>
      %reduce_or3A = arith.constant 1.000000e+00 : f32
      %reduce_or3A_1903 = arith.constant 0.000000e+00 : f32
      %reduce_or3A_1904 = vector.broadcast %reduce_or3A : f32 to vector<1x256xf32>
      %reduce_or3A_1905 = vector.broadcast %reduce_or3A_1903 : f32 to vector<1x256xf32>
      %reduce_or3A_1906 = arith.select %ne3A, %reduce_or3A_1904, %reduce_or3A_1905 : vector<1x256xi1>, vector<1x256xf32>
      %reduce_or3A_1907 = vector.shape_cast %reduce_or3A_1906 : vector<1x256xf32> to vector<1x1x256xf32>
      %reduce_or3A_1908 = arith.constant dense<0xFF800000> : vector<1xf32>
      %reduce_or3A_1909 = vector.multi_reduction <maximumf>, %reduce_or3A_1907, %reduce_or3A_1908 [1, 2] : vector<1x1x256xf32> to vector<1xf32>
      %reduce_or3A_1910 = vector.shape_cast %reduce_or3A_1909 : vector<1xf32> to vector<1x1x1xf32>
      %reduce_or3A_1911 = vector.extract %reduce_or3A_1910[0, 0, 0] : f32 from vector<1x1x1xf32>
      %reduce_or3A_1912 = arith.constant 0.000000e+00 : f32
      %reduce_or3A_1913 = arith.cmpf ogt, %reduce_or3A_1911, %reduce_or3A_1912 : f32
      scf.yield %mul3A_1902, %reduce_or3A_1913 : vector<1x256xf32>, i1
    }
    %broadcast_in_dim3A_607 = arith.constant 0.000000e+00 : f32
    %broadcast_in_dim3A_608 = vector.broadcast %broadcast_in_dim3A_607 : f32 to vector<1x256xf32>
    %slice3A_609 = vector.extract_strided_slice %min3A_7 {offsets = [0, 1024], sizes = [1, 256], strides = [1, 1]} : vector<1x2048xf32> to vector<1x256xf32>
    %max3A_610 = vector.broadcast %slice3A_46 : vector<256x1xf32> to vector<256x256xf32>
    %max3A_611 = vector.broadcast %slice3A_609 : vector<1x256xf32> to vector<256x256xf32>
    %max3A_612 = arith.maximumf %max3A_610, %max3A_611 : vector<256x256xf32>
    %slice3A_613 = vector.extract_strided_slice %min3A_14 {offsets = [0, 1024], sizes = [1, 256], strides = [1, 1]} : vector<1x2048xf32> to vector<1x256xf32>
    %max3A_614 = vector.broadcast %slice3A_47 : vector<256x1xf32> to vector<256x256xf32>
    %max3A_615 = vector.broadcast %slice3A_613 : vector<1x256xf32> to vector<256x256xf32>
    %max3A_616 = arith.maximumf %max3A_614, %max3A_615 : vector<256x256xf32>
    %slice3A_617 = vector.extract_strided_slice %min3A_21 {offsets = [0, 1024], sizes = [1, 256], strides = [1, 1]} : vector<1x2048xf32> to vector<1x256xf32>
    %min3A_618 = vector.broadcast %slice3A_48 : vector<256x1xf32> to vector<256x256xf32>
    %min3A_619 = vector.broadcast %slice3A_617 : vector<1x256xf32> to vector<256x256xf32>
    %min3A_620 = arith.minimumf %min3A_618, %min3A_619 : vector<256x256xf32>
    %slice3A_621 = vector.extract_strided_slice %min3A_28 {offsets = [0, 1024], sizes = [1, 256], strides = [1, 1]} : vector<1x2048xf32> to vector<1x256xf32>
    %min3A_622 = vector.broadcast %slice3A_49 : vector<256x1xf32> to vector<256x256xf32>
    %min3A_623 = vector.broadcast %slice3A_621 : vector<1x256xf32> to vector<256x256xf32>
    %min3A_624 = arith.minimumf %min3A_622, %min3A_623 : vector<256x256xf32>
    %sub3A_625 = arith.subf %min3A_620, %max3A_612 : vector<256x256xf32>
    %max3A_626 = arith.constant 0.000000e+00 : f32
    %max3A_627 = vector.broadcast %max3A_626 : f32 to vector<256x256xf32>
    %max3A_628 = arith.maximumf %sub3A_625, %max3A_627 : vector<256x256xf32>
    %sub3A_629 = arith.subf %min3A_624, %max3A_616 : vector<256x256xf32>
    %max3A_630 = arith.constant 0.000000e+00 : f32
    %max3A_631 = vector.broadcast %max3A_630 : f32 to vector<256x256xf32>
    %max3A_632 = arith.maximumf %sub3A_629, %max3A_631 : vector<256x256xf32>
    %mul3A_633 = arith.mulf %max3A_628, %max3A_632 : vector<256x256xf32>
    %slice3A_634 = vector.extract_strided_slice %mul3A {offsets = [0, 1024], sizes = [1, 256], strides = [1, 1]} : vector<1x2048xf32> to vector<1x256xf32>
    %add3A_635 = vector.broadcast %mul3A_52 : vector<256x1xf32> to vector<256x256xf32>
    %add3A_636 = vector.broadcast %slice3A_634 : vector<1x256xf32> to vector<256x256xf32>
    %add3A_637 = arith.addf %add3A_635, %add3A_636 : vector<256x256xf32>
    %sub3A_638 = arith.subf %add3A_637, %mul3A_633 : vector<256x256xf32>
    %add3A_639 = arith.constant 9.99999971E-10 : f32
    %add3A_640 = vector.broadcast %add3A_639 : f32 to vector<256x256xf32>
    %add3A_641 = arith.addf %sub3A_638, %add3A_640 : vector<256x256xf32>
    %div3A_642 = arith.divf %mul3A_633, %add3A_641 : vector<256x256xf32>
    %gt3A_643 = arith.constant 0.699999988 : f32
    %gt3A_644 = vector.broadcast %gt3A_643 : f32 to vector<256x256xf32>
    %gt3A_645 = arith.cmpf ogt, %div3A_642, %gt3A_644 : vector<256x256xf32>
    %convert_element_type3A_646 = arith.extui %gt3A_645 : vector<256x256xi1> to vector<256x256xi32>
    %convert_element_type3A_647 = arith.sitofp %convert_element_type3A_646 : vector<256x256xi32> to vector<256x256xf32>
    %dot_general3A_648 = arith.constant dense<0.000000e+00> : vector<1x256xf32>
    %dot_general3A_649 = tpu.matmul %while3A_202#0, %convert_element_type3A_647, %dot_general3A_648 {dimension_numbers = #tpu.dot_dimension_numbers<[1], [0], [0], [1], [0, 0, 1, 1], [], []>, transpose_lhs_hint = false} : vector<1x256xf32>, vector<256x256xf32>, vector<1x256xf32> -> vector<1x256xf32>
    %add3A_650 = arith.addf %broadcast_in_dim3A_608, %dot_general3A_649 : vector<1x256xf32>
    %slice3A_651 = vector.extract_strided_slice %min3A_7 {offsets = [0, 1024], sizes = [1, 256], strides = [1, 1]} : vector<1x2048xf32> to vector<1x256xf32>
    %max3A_652 = vector.broadcast %slice3A_60 : vector<256x1xf32> to vector<256x256xf32>
    %max3A_653 = vector.broadcast %slice3A_651 : vector<1x256xf32> to vector<256x256xf32>
    %max3A_654 = arith.maximumf %max3A_652, %max3A_653 : vector<256x256xf32>
    %slice3A_655 = vector.extract_strided_slice %min3A_14 {offsets = [0, 1024], sizes = [1, 256], strides = [1, 1]} : vector<1x2048xf32> to vector<1x256xf32>
    %max3A_656 = vector.broadcast %slice3A_61 : vector<256x1xf32> to vector<256x256xf32>
    %max3A_657 = vector.broadcast %slice3A_655 : vector<1x256xf32> to vector<256x256xf32>
    %max3A_658 = arith.maximumf %max3A_656, %max3A_657 : vector<256x256xf32>
    %slice3A_659 = vector.extract_strided_slice %min3A_21 {offsets = [0, 1024], sizes = [1, 256], strides = [1, 1]} : vector<1x2048xf32> to vector<1x256xf32>
    %min3A_660 = vector.broadcast %slice3A_62 : vector<256x1xf32> to vector<256x256xf32>
    %min3A_661 = vector.broadcast %slice3A_659 : vector<1x256xf32> to vector<256x256xf32>
    %min3A_662 = arith.minimumf %min3A_660, %min3A_661 : vector<256x256xf32>
    %slice3A_663 = vector.extract_strided_slice %min3A_28 {offsets = [0, 1024], sizes = [1, 256], strides = [1, 1]} : vector<1x2048xf32> to vector<1x256xf32>
    %min3A_664 = vector.broadcast %slice3A_63 : vector<256x1xf32> to vector<256x256xf32>
    %min3A_665 = vector.broadcast %slice3A_663 : vector<1x256xf32> to vector<256x256xf32>
    %min3A_666 = arith.minimumf %min3A_664, %min3A_665 : vector<256x256xf32>
    %sub3A_667 = arith.subf %min3A_662, %max3A_654 : vector<256x256xf32>
    %max3A_668 = arith.constant 0.000000e+00 : f32
    %max3A_669 = vector.broadcast %max3A_668 : f32 to vector<256x256xf32>
    %max3A_670 = arith.maximumf %sub3A_667, %max3A_669 : vector<256x256xf32>
    %sub3A_671 = arith.subf %min3A_666, %max3A_658 : vector<256x256xf32>
    %max3A_672 = arith.constant 0.000000e+00 : f32
    %max3A_673 = vector.broadcast %max3A_672 : f32 to vector<256x256xf32>
    %max3A_674 = arith.maximumf %sub3A_671, %max3A_673 : vector<256x256xf32>
    %mul3A_675 = arith.mulf %max3A_670, %max3A_674 : vector<256x256xf32>
    %slice3A_676 = vector.extract_strided_slice %mul3A {offsets = [0, 1024], sizes = [1, 256], strides = [1, 1]} : vector<1x2048xf32> to vector<1x256xf32>
    %add3A_677 = vector.broadcast %mul3A_66 : vector<256x1xf32> to vector<256x256xf32>
    %add3A_678 = vector.broadcast %slice3A_676 : vector<1x256xf32> to vector<256x256xf32>
    %add3A_679 = arith.addf %add3A_677, %add3A_678 : vector<256x256xf32>
    %sub3A_680 = arith.subf %add3A_679, %mul3A_675 : vector<256x256xf32>
    %add3A_681 = arith.constant 9.99999971E-10 : f32
    %add3A_682 = vector.broadcast %add3A_681 : f32 to vector<256x256xf32>
    %add3A_683 = arith.addf %sub3A_680, %add3A_682 : vector<256x256xf32>
    %div3A_684 = arith.divf %mul3A_675, %add3A_683 : vector<256x256xf32>
    %gt3A_685 = arith.constant 0.699999988 : f32
    %gt3A_686 = vector.broadcast %gt3A_685 : f32 to vector<256x256xf32>
    %gt3A_687 = arith.cmpf ogt, %div3A_684, %gt3A_686 : vector<256x256xf32>
    %convert_element_type3A_688 = arith.extui %gt3A_687 : vector<256x256xi1> to vector<256x256xi32>
    %convert_element_type3A_689 = arith.sitofp %convert_element_type3A_688 : vector<256x256xi32> to vector<256x256xf32>
    %dot_general3A_690 = arith.constant dense<0.000000e+00> : vector<1x256xf32>
    %dot_general3A_691 = tpu.matmul %while3A_294#0, %convert_element_type3A_689, %dot_general3A_690 {dimension_numbers = #tpu.dot_dimension_numbers<[1], [0], [0], [1], [0, 0, 1, 1], [], []>, transpose_lhs_hint = false} : vector<1x256xf32>, vector<256x256xf32>, vector<1x256xf32> -> vector<1x256xf32>
    %add3A_692 = arith.addf %add3A_650, %dot_general3A_691 : vector<1x256xf32>
    %slice3A_693 = vector.extract_strided_slice %min3A_7 {offsets = [0, 1024], sizes = [1, 256], strides = [1, 1]} : vector<1x2048xf32> to vector<1x256xf32>
    %max3A_694 = vector.broadcast %slice3A_74 : vector<256x1xf32> to vector<256x256xf32>
    %max3A_695 = vector.broadcast %slice3A_693 : vector<1x256xf32> to vector<256x256xf32>
    %max3A_696 = arith.maximumf %max3A_694, %max3A_695 : vector<256x256xf32>
    %slice3A_697 = vector.extract_strided_slice %min3A_14 {offsets = [0, 1024], sizes = [1, 256], strides = [1, 1]} : vector<1x2048xf32> to vector<1x256xf32>
    %max3A_698 = vector.broadcast %slice3A_75 : vector<256x1xf32> to vector<256x256xf32>
    %max3A_699 = vector.broadcast %slice3A_697 : vector<1x256xf32> to vector<256x256xf32>
    %max3A_700 = arith.maximumf %max3A_698, %max3A_699 : vector<256x256xf32>
    %slice3A_701 = vector.extract_strided_slice %min3A_21 {offsets = [0, 1024], sizes = [1, 256], strides = [1, 1]} : vector<1x2048xf32> to vector<1x256xf32>
    %min3A_702 = vector.broadcast %slice3A_76 : vector<256x1xf32> to vector<256x256xf32>
    %min3A_703 = vector.broadcast %slice3A_701 : vector<1x256xf32> to vector<256x256xf32>
    %min3A_704 = arith.minimumf %min3A_702, %min3A_703 : vector<256x256xf32>
    %slice3A_705 = vector.extract_strided_slice %min3A_28 {offsets = [0, 1024], sizes = [1, 256], strides = [1, 1]} : vector<1x2048xf32> to vector<1x256xf32>
    %min3A_706 = vector.broadcast %slice3A_77 : vector<256x1xf32> to vector<256x256xf32>
    %min3A_707 = vector.broadcast %slice3A_705 : vector<1x256xf32> to vector<256x256xf32>
    %min3A_708 = arith.minimumf %min3A_706, %min3A_707 : vector<256x256xf32>
    %sub3A_709 = arith.subf %min3A_704, %max3A_696 : vector<256x256xf32>
    %max3A_710 = arith.constant 0.000000e+00 : f32
    %max3A_711 = vector.broadcast %max3A_710 : f32 to vector<256x256xf32>
    %max3A_712 = arith.maximumf %sub3A_709, %max3A_711 : vector<256x256xf32>
    %sub3A_713 = arith.subf %min3A_708, %max3A_700 : vector<256x256xf32>
    %max3A_714 = arith.constant 0.000000e+00 : f32
    %max3A_715 = vector.broadcast %max3A_714 : f32 to vector<256x256xf32>
    %max3A_716 = arith.maximumf %sub3A_713, %max3A_715 : vector<256x256xf32>
    %mul3A_717 = arith.mulf %max3A_712, %max3A_716 : vector<256x256xf32>
    %slice3A_718 = vector.extract_strided_slice %mul3A {offsets = [0, 1024], sizes = [1, 256], strides = [1, 1]} : vector<1x2048xf32> to vector<1x256xf32>
    %add3A_719 = vector.broadcast %mul3A_80 : vector<256x1xf32> to vector<256x256xf32>
    %add3A_720 = vector.broadcast %slice3A_718 : vector<1x256xf32> to vector<256x256xf32>
    %add3A_721 = arith.addf %add3A_719, %add3A_720 : vector<256x256xf32>
    %sub3A_722 = arith.subf %add3A_721, %mul3A_717 : vector<256x256xf32>
    %add3A_723 = arith.constant 9.99999971E-10 : f32
    %add3A_724 = vector.broadcast %add3A_723 : f32 to vector<256x256xf32>
    %add3A_725 = arith.addf %sub3A_722, %add3A_724 : vector<256x256xf32>
    %div3A_726 = arith.divf %mul3A_717, %add3A_725 : vector<256x256xf32>
    %gt3A_727 = arith.constant 0.699999988 : f32
    %gt3A_728 = vector.broadcast %gt3A_727 : f32 to vector<256x256xf32>
    %gt3A_729 = arith.cmpf ogt, %div3A_726, %gt3A_728 : vector<256x256xf32>
    %convert_element_type3A_730 = arith.extui %gt3A_729 : vector<256x256xi1> to vector<256x256xi32>
    %convert_element_type3A_731 = arith.sitofp %convert_element_type3A_730 : vector<256x256xi32> to vector<256x256xf32>
    %dot_general3A_732 = arith.constant dense<0.000000e+00> : vector<1x256xf32>
    %dot_general3A_733 = tpu.matmul %while3A_429#0, %convert_element_type3A_731, %dot_general3A_732 {dimension_numbers = #tpu.dot_dimension_numbers<[1], [0], [0], [1], [0, 0, 1, 1], [], []>, transpose_lhs_hint = false} : vector<1x256xf32>, vector<256x256xf32>, vector<1x256xf32> -> vector<1x256xf32>
    %add3A_734 = arith.addf %add3A_692, %dot_general3A_733 : vector<1x256xf32>
    %slice3A_735 = vector.extract_strided_slice %min3A_7 {offsets = [0, 1024], sizes = [1, 256], strides = [1, 1]} : vector<1x2048xf32> to vector<1x256xf32>
    %max3A_736 = vector.broadcast %slice3A_88 : vector<256x1xf32> to vector<256x256xf32>
    %max3A_737 = vector.broadcast %slice3A_735 : vector<1x256xf32> to vector<256x256xf32>
    %max3A_738 = arith.maximumf %max3A_736, %max3A_737 : vector<256x256xf32>
    %slice3A_739 = vector.extract_strided_slice %min3A_14 {offsets = [0, 1024], sizes = [1, 256], strides = [1, 1]} : vector<1x2048xf32> to vector<1x256xf32>
    %max3A_740 = vector.broadcast %slice3A_89 : vector<256x1xf32> to vector<256x256xf32>
    %max3A_741 = vector.broadcast %slice3A_739 : vector<1x256xf32> to vector<256x256xf32>
    %max3A_742 = arith.maximumf %max3A_740, %max3A_741 : vector<256x256xf32>
    %slice3A_743 = vector.extract_strided_slice %min3A_21 {offsets = [0, 1024], sizes = [1, 256], strides = [1, 1]} : vector<1x2048xf32> to vector<1x256xf32>
    %min3A_744 = vector.broadcast %slice3A_90 : vector<256x1xf32> to vector<256x256xf32>
    %min3A_745 = vector.broadcast %slice3A_743 : vector<1x256xf32> to vector<256x256xf32>
    %min3A_746 = arith.minimumf %min3A_744, %min3A_745 : vector<256x256xf32>
    %slice3A_747 = vector.extract_strided_slice %min3A_28 {offsets = [0, 1024], sizes = [1, 256], strides = [1, 1]} : vector<1x2048xf32> to vector<1x256xf32>
    %min3A_748 = vector.broadcast %slice3A_91 : vector<256x1xf32> to vector<256x256xf32>
    %min3A_749 = vector.broadcast %slice3A_747 : vector<1x256xf32> to vector<256x256xf32>
    %min3A_750 = arith.minimumf %min3A_748, %min3A_749 : vector<256x256xf32>
    %sub3A_751 = arith.subf %min3A_746, %max3A_738 : vector<256x256xf32>
    %max3A_752 = arith.constant 0.000000e+00 : f32
    %max3A_753 = vector.broadcast %max3A_752 : f32 to vector<256x256xf32>
    %max3A_754 = arith.maximumf %sub3A_751, %max3A_753 : vector<256x256xf32>
    %sub3A_755 = arith.subf %min3A_750, %max3A_742 : vector<256x256xf32>
    %max3A_756 = arith.constant 0.000000e+00 : f32
    %max3A_757 = vector.broadcast %max3A_756 : f32 to vector<256x256xf32>
    %max3A_758 = arith.maximumf %sub3A_755, %max3A_757 : vector<256x256xf32>
    %mul3A_759 = arith.mulf %max3A_754, %max3A_758 : vector<256x256xf32>
    %slice3A_760 = vector.extract_strided_slice %mul3A {offsets = [0, 1024], sizes = [1, 256], strides = [1, 1]} : vector<1x2048xf32> to vector<1x256xf32>
    %add3A_761 = vector.broadcast %mul3A_94 : vector<256x1xf32> to vector<256x256xf32>
    %add3A_762 = vector.broadcast %slice3A_760 : vector<1x256xf32> to vector<256x256xf32>
    %add3A_763 = arith.addf %add3A_761, %add3A_762 : vector<256x256xf32>
    %sub3A_764 = arith.subf %add3A_763, %mul3A_759 : vector<256x256xf32>
    %add3A_765 = arith.constant 9.99999971E-10 : f32
    %add3A_766 = vector.broadcast %add3A_765 : f32 to vector<256x256xf32>
    %add3A_767 = arith.addf %sub3A_764, %add3A_766 : vector<256x256xf32>
    %div3A_768 = arith.divf %mul3A_759, %add3A_767 : vector<256x256xf32>
    %gt3A_769 = arith.constant 0.699999988 : f32
    %gt3A_770 = vector.broadcast %gt3A_769 : f32 to vector<256x256xf32>
    %gt3A_771 = arith.cmpf ogt, %div3A_768, %gt3A_770 : vector<256x256xf32>
    %convert_element_type3A_772 = arith.extui %gt3A_771 : vector<256x256xi1> to vector<256x256xi32>
    %convert_element_type3A_773 = arith.sitofp %convert_element_type3A_772 : vector<256x256xi32> to vector<256x256xf32>
    %dot_general3A_774 = arith.constant dense<0.000000e+00> : vector<1x256xf32>
    %dot_general3A_775 = tpu.matmul %while3A_606#0, %convert_element_type3A_773, %dot_general3A_774 {dimension_numbers = #tpu.dot_dimension_numbers<[1], [0], [0], [1], [0, 0, 1, 1], [], []>, transpose_lhs_hint = false} : vector<1x256xf32>, vector<256x256xf32>, vector<1x256xf32> -> vector<1x256xf32>
    %add3A_776 = arith.addf %add3A_734, %dot_general3A_775 : vector<1x256xf32>
    %slice3A_777 = vector.extract_strided_slice %convert_element_type3A_38 {offsets = [0, 1024], sizes = [1, 256], strides = [1, 1]} : vector<1x2048xf32> to vector<1x256xf32>
    %eq3A_778 = arith.constant 0.000000e+00 : f32
    %eq3A_779 = vector.broadcast %eq3A_778 : f32 to vector<1x256xf32>
    %eq3A_780 = arith.cmpf oeq, %add3A_776, %eq3A_779 : vector<1x256xf32>
    %convert_element_type3A_781 = arith.extui %eq3A_780 : vector<1x256xi1> to vector<1x256xi32>
    %convert_element_type3A_782 = arith.sitofp %convert_element_type3A_781 : vector<1x256xi32> to vector<1x256xf32>
    %mul3A_783 = arith.mulf %slice3A_777, %convert_element_type3A_782 : vector<1x256xf32>
    %slice3A_784 = vector.extract_strided_slice %min3A_7 {offsets = [0, 1024], sizes = [1, 256], strides = [1, 1]} : vector<1x2048xf32> to vector<1x256xf32>
    %max3A_785 = vector.broadcast %slice3A_102 : vector<256x1xf32> to vector<256x256xf32>
    %max3A_786 = vector.broadcast %slice3A_784 : vector<1x256xf32> to vector<256x256xf32>
    %max3A_787 = arith.maximumf %max3A_785, %max3A_786 : vector<256x256xf32>
    %slice3A_788 = vector.extract_strided_slice %min3A_14 {offsets = [0, 1024], sizes = [1, 256], strides = [1, 1]} : vector<1x2048xf32> to vector<1x256xf32>
    %max3A_789 = vector.broadcast %slice3A_103 : vector<256x1xf32> to vector<256x256xf32>
    %max3A_790 = vector.broadcast %slice3A_788 : vector<1x256xf32> to vector<256x256xf32>
    %max3A_791 = arith.maximumf %max3A_789, %max3A_790 : vector<256x256xf32>
    %slice3A_792 = vector.extract_strided_slice %min3A_21 {offsets = [0, 1024], sizes = [1, 256], strides = [1, 1]} : vector<1x2048xf32> to vector<1x256xf32>
    %min3A_793 = vector.broadcast %slice3A_104 : vector<256x1xf32> to vector<256x256xf32>
    %min3A_794 = vector.broadcast %slice3A_792 : vector<1x256xf32> to vector<256x256xf32>
    %min3A_795 = arith.minimumf %min3A_793, %min3A_794 : vector<256x256xf32>
    %slice3A_796 = vector.extract_strided_slice %min3A_28 {offsets = [0, 1024], sizes = [1, 256], strides = [1, 1]} : vector<1x2048xf32> to vector<1x256xf32>
    %min3A_797 = vector.broadcast %slice3A_105 : vector<256x1xf32> to vector<256x256xf32>
    %min3A_798 = vector.broadcast %slice3A_796 : vector<1x256xf32> to vector<256x256xf32>
    %min3A_799 = arith.minimumf %min3A_797, %min3A_798 : vector<256x256xf32>
    %sub3A_800 = arith.subf %min3A_795, %max3A_787 : vector<256x256xf32>
    %max3A_801 = arith.constant 0.000000e+00 : f32
    %max3A_802 = vector.broadcast %max3A_801 : f32 to vector<256x256xf32>
    %max3A_803 = arith.maximumf %sub3A_800, %max3A_802 : vector<256x256xf32>
    %sub3A_804 = arith.subf %min3A_799, %max3A_791 : vector<256x256xf32>
    %max3A_805 = arith.constant 0.000000e+00 : f32
    %max3A_806 = vector.broadcast %max3A_805 : f32 to vector<256x256xf32>
    %max3A_807 = arith.maximumf %sub3A_804, %max3A_806 : vector<256x256xf32>
    %mul3A_808 = arith.mulf %max3A_803, %max3A_807 : vector<256x256xf32>
    %slice3A_809 = vector.extract_strided_slice %mul3A {offsets = [0, 1024], sizes = [1, 256], strides = [1, 1]} : vector<1x2048xf32> to vector<1x256xf32>
    %add3A_810 = vector.broadcast %mul3A_108 : vector<256x1xf32> to vector<256x256xf32>
    %add3A_811 = vector.broadcast %slice3A_809 : vector<1x256xf32> to vector<256x256xf32>
    %add3A_812 = arith.addf %add3A_810, %add3A_811 : vector<256x256xf32>
    %sub3A_813 = arith.subf %add3A_812, %mul3A_808 : vector<256x256xf32>
    %add3A_814 = arith.constant 9.99999971E-10 : f32
    %add3A_815 = vector.broadcast %add3A_814 : f32 to vector<256x256xf32>
    %add3A_816 = arith.addf %sub3A_813, %add3A_815 : vector<256x256xf32>
    %div3A_817 = arith.divf %mul3A_808, %add3A_816 : vector<256x256xf32>
    %gt3A_818 = arith.constant 0.699999988 : f32
    %gt3A_819 = vector.broadcast %gt3A_818 : f32 to vector<256x256xf32>
    %gt3A_820 = arith.cmpf ogt, %div3A_817, %gt3A_819 : vector<256x256xf32>
    %convert_element_type3A_821 = arith.extui %gt3A_820 : vector<256x256xi1> to vector<256x256xi32>
    %convert_element_type3A_822 = arith.sitofp %convert_element_type3A_821 : vector<256x256xi32> to vector<256x256xf32>
    %mul3A_823 = arith.mulf %convert_element_type3A_822, %convert_element_type3A_155 : vector<256x256xf32>
    %while3A_824 = arith.constant true
    %while3A_825:2 = scf.while (%while3A_1893 = %mul3A_783, %while3A_1894 = %while3A_824) : (vector<1x256xf32>, i1) -> (vector<1x256xf32>, i1) {
      scf.condition(%while3A_1894) %while3A_1893, %while3A_1894 : vector<1x256xf32>, i1
    } do {
    ^bb0(%while3A_1893: vector<1x256xf32>, %while3A_1894: i1):
      %dot_general3A_1895 = arith.constant dense<0.000000e+00> : vector<1x256xf32>
      %dot_general3A_1896 = tpu.matmul %while3A_1893, %mul3A_823, %dot_general3A_1895 {dimension_numbers = #tpu.dot_dimension_numbers<[1], [0], [0], [1], [0, 0, 1, 1], [], []>, transpose_lhs_hint = false} : vector<1x256xf32>, vector<256x256xf32>, vector<1x256xf32> -> vector<1x256xf32>
      %eq3A_1897 = arith.constant 0.000000e+00 : f32
      %eq3A_1898 = vector.broadcast %eq3A_1897 : f32 to vector<1x256xf32>
      %eq3A_1899 = arith.cmpf oeq, %dot_general3A_1896, %eq3A_1898 : vector<1x256xf32>
      %convert_element_type3A_1900 = arith.extui %eq3A_1899 : vector<1x256xi1> to vector<1x256xi32>
      %convert_element_type3A_1901 = arith.sitofp %convert_element_type3A_1900 : vector<1x256xi32> to vector<1x256xf32>
      %mul3A_1902 = arith.mulf %mul3A_783, %convert_element_type3A_1901 : vector<1x256xf32>
      %ne3A = arith.cmpf one, %mul3A_1902, %while3A_1893 : vector<1x256xf32>
      %reduce_or3A = arith.constant 1.000000e+00 : f32
      %reduce_or3A_1903 = arith.constant 0.000000e+00 : f32
      %reduce_or3A_1904 = vector.broadcast %reduce_or3A : f32 to vector<1x256xf32>
      %reduce_or3A_1905 = vector.broadcast %reduce_or3A_1903 : f32 to vector<1x256xf32>
      %reduce_or3A_1906 = arith.select %ne3A, %reduce_or3A_1904, %reduce_or3A_1905 : vector<1x256xi1>, vector<1x256xf32>
      %reduce_or3A_1907 = vector.shape_cast %reduce_or3A_1906 : vector<1x256xf32> to vector<1x1x256xf32>
      %reduce_or3A_1908 = arith.constant dense<0xFF800000> : vector<1xf32>
      %reduce_or3A_1909 = vector.multi_reduction <maximumf>, %reduce_or3A_1907, %reduce_or3A_1908 [1, 2] : vector<1x1x256xf32> to vector<1xf32>
      %reduce_or3A_1910 = vector.shape_cast %reduce_or3A_1909 : vector<1xf32> to vector<1x1x1xf32>
      %reduce_or3A_1911 = vector.extract %reduce_or3A_1910[0, 0, 0] : f32 from vector<1x1x1xf32>
      %reduce_or3A_1912 = arith.constant 0.000000e+00 : f32
      %reduce_or3A_1913 = arith.cmpf ogt, %reduce_or3A_1911, %reduce_or3A_1912 : f32
      scf.yield %mul3A_1902, %reduce_or3A_1913 : vector<1x256xf32>, i1
    }
    %broadcast_in_dim3A_826 = arith.constant 0.000000e+00 : f32
    %broadcast_in_dim3A_827 = vector.broadcast %broadcast_in_dim3A_826 : f32 to vector<1x256xf32>
    %slice3A_828 = vector.extract_strided_slice %min3A_7 {offsets = [0, 1280], sizes = [1, 256], strides = [1, 1]} : vector<1x2048xf32> to vector<1x256xf32>
    %max3A_829 = vector.broadcast %slice3A_46 : vector<256x1xf32> to vector<256x256xf32>
    %max3A_830 = vector.broadcast %slice3A_828 : vector<1x256xf32> to vector<256x256xf32>
    %max3A_831 = arith.maximumf %max3A_829, %max3A_830 : vector<256x256xf32>
    %slice3A_832 = vector.extract_strided_slice %min3A_14 {offsets = [0, 1280], sizes = [1, 256], strides = [1, 1]} : vector<1x2048xf32> to vector<1x256xf32>
    %max3A_833 = vector.broadcast %slice3A_47 : vector<256x1xf32> to vector<256x256xf32>
    %max3A_834 = vector.broadcast %slice3A_832 : vector<1x256xf32> to vector<256x256xf32>
    %max3A_835 = arith.maximumf %max3A_833, %max3A_834 : vector<256x256xf32>
    %slice3A_836 = vector.extract_strided_slice %min3A_21 {offsets = [0, 1280], sizes = [1, 256], strides = [1, 1]} : vector<1x2048xf32> to vector<1x256xf32>
    %min3A_837 = vector.broadcast %slice3A_48 : vector<256x1xf32> to vector<256x256xf32>
    %min3A_838 = vector.broadcast %slice3A_836 : vector<1x256xf32> to vector<256x256xf32>
    %min3A_839 = arith.minimumf %min3A_837, %min3A_838 : vector<256x256xf32>
    %slice3A_840 = vector.extract_strided_slice %min3A_28 {offsets = [0, 1280], sizes = [1, 256], strides = [1, 1]} : vector<1x2048xf32> to vector<1x256xf32>
    %min3A_841 = vector.broadcast %slice3A_49 : vector<256x1xf32> to vector<256x256xf32>
    %min3A_842 = vector.broadcast %slice3A_840 : vector<1x256xf32> to vector<256x256xf32>
    %min3A_843 = arith.minimumf %min3A_841, %min3A_842 : vector<256x256xf32>
    %sub3A_844 = arith.subf %min3A_839, %max3A_831 : vector<256x256xf32>
    %max3A_845 = arith.constant 0.000000e+00 : f32
    %max3A_846 = vector.broadcast %max3A_845 : f32 to vector<256x256xf32>
    %max3A_847 = arith.maximumf %sub3A_844, %max3A_846 : vector<256x256xf32>
    %sub3A_848 = arith.subf %min3A_843, %max3A_835 : vector<256x256xf32>
    %max3A_849 = arith.constant 0.000000e+00 : f32
    %max3A_850 = vector.broadcast %max3A_849 : f32 to vector<256x256xf32>
    %max3A_851 = arith.maximumf %sub3A_848, %max3A_850 : vector<256x256xf32>
    %mul3A_852 = arith.mulf %max3A_847, %max3A_851 : vector<256x256xf32>
    %slice3A_853 = vector.extract_strided_slice %mul3A {offsets = [0, 1280], sizes = [1, 256], strides = [1, 1]} : vector<1x2048xf32> to vector<1x256xf32>
    %add3A_854 = vector.broadcast %mul3A_52 : vector<256x1xf32> to vector<256x256xf32>
    %add3A_855 = vector.broadcast %slice3A_853 : vector<1x256xf32> to vector<256x256xf32>
    %add3A_856 = arith.addf %add3A_854, %add3A_855 : vector<256x256xf32>
    %sub3A_857 = arith.subf %add3A_856, %mul3A_852 : vector<256x256xf32>
    %add3A_858 = arith.constant 9.99999971E-10 : f32
    %add3A_859 = vector.broadcast %add3A_858 : f32 to vector<256x256xf32>
    %add3A_860 = arith.addf %sub3A_857, %add3A_859 : vector<256x256xf32>
    %div3A_861 = arith.divf %mul3A_852, %add3A_860 : vector<256x256xf32>
    %gt3A_862 = arith.constant 0.699999988 : f32
    %gt3A_863 = vector.broadcast %gt3A_862 : f32 to vector<256x256xf32>
    %gt3A_864 = arith.cmpf ogt, %div3A_861, %gt3A_863 : vector<256x256xf32>
    %convert_element_type3A_865 = arith.extui %gt3A_864 : vector<256x256xi1> to vector<256x256xi32>
    %convert_element_type3A_866 = arith.sitofp %convert_element_type3A_865 : vector<256x256xi32> to vector<256x256xf32>
    %dot_general3A_867 = arith.constant dense<0.000000e+00> : vector<1x256xf32>
    %dot_general3A_868 = tpu.matmul %while3A_202#0, %convert_element_type3A_866, %dot_general3A_867 {dimension_numbers = #tpu.dot_dimension_numbers<[1], [0], [0], [1], [0, 0, 1, 1], [], []>, transpose_lhs_hint = false} : vector<1x256xf32>, vector<256x256xf32>, vector<1x256xf32> -> vector<1x256xf32>
    %add3A_869 = arith.addf %broadcast_in_dim3A_827, %dot_general3A_868 : vector<1x256xf32>
    %slice3A_870 = vector.extract_strided_slice %min3A_7 {offsets = [0, 1280], sizes = [1, 256], strides = [1, 1]} : vector<1x2048xf32> to vector<1x256xf32>
    %max3A_871 = vector.broadcast %slice3A_60 : vector<256x1xf32> to vector<256x256xf32>
    %max3A_872 = vector.broadcast %slice3A_870 : vector<1x256xf32> to vector<256x256xf32>
    %max3A_873 = arith.maximumf %max3A_871, %max3A_872 : vector<256x256xf32>
    %slice3A_874 = vector.extract_strided_slice %min3A_14 {offsets = [0, 1280], sizes = [1, 256], strides = [1, 1]} : vector<1x2048xf32> to vector<1x256xf32>
    %max3A_875 = vector.broadcast %slice3A_61 : vector<256x1xf32> to vector<256x256xf32>
    %max3A_876 = vector.broadcast %slice3A_874 : vector<1x256xf32> to vector<256x256xf32>
    %max3A_877 = arith.maximumf %max3A_875, %max3A_876 : vector<256x256xf32>
    %slice3A_878 = vector.extract_strided_slice %min3A_21 {offsets = [0, 1280], sizes = [1, 256], strides = [1, 1]} : vector<1x2048xf32> to vector<1x256xf32>
    %min3A_879 = vector.broadcast %slice3A_62 : vector<256x1xf32> to vector<256x256xf32>
    %min3A_880 = vector.broadcast %slice3A_878 : vector<1x256xf32> to vector<256x256xf32>
    %min3A_881 = arith.minimumf %min3A_879, %min3A_880 : vector<256x256xf32>
    %slice3A_882 = vector.extract_strided_slice %min3A_28 {offsets = [0, 1280], sizes = [1, 256], strides = [1, 1]} : vector<1x2048xf32> to vector<1x256xf32>
    %min3A_883 = vector.broadcast %slice3A_63 : vector<256x1xf32> to vector<256x256xf32>
    %min3A_884 = vector.broadcast %slice3A_882 : vector<1x256xf32> to vector<256x256xf32>
    %min3A_885 = arith.minimumf %min3A_883, %min3A_884 : vector<256x256xf32>
    %sub3A_886 = arith.subf %min3A_881, %max3A_873 : vector<256x256xf32>
    %max3A_887 = arith.constant 0.000000e+00 : f32
    %max3A_888 = vector.broadcast %max3A_887 : f32 to vector<256x256xf32>
    %max3A_889 = arith.maximumf %sub3A_886, %max3A_888 : vector<256x256xf32>
    %sub3A_890 = arith.subf %min3A_885, %max3A_877 : vector<256x256xf32>
    %max3A_891 = arith.constant 0.000000e+00 : f32
    %max3A_892 = vector.broadcast %max3A_891 : f32 to vector<256x256xf32>
    %max3A_893 = arith.maximumf %sub3A_890, %max3A_892 : vector<256x256xf32>
    %mul3A_894 = arith.mulf %max3A_889, %max3A_893 : vector<256x256xf32>
    %slice3A_895 = vector.extract_strided_slice %mul3A {offsets = [0, 1280], sizes = [1, 256], strides = [1, 1]} : vector<1x2048xf32> to vector<1x256xf32>
    %add3A_896 = vector.broadcast %mul3A_66 : vector<256x1xf32> to vector<256x256xf32>
    %add3A_897 = vector.broadcast %slice3A_895 : vector<1x256xf32> to vector<256x256xf32>
    %add3A_898 = arith.addf %add3A_896, %add3A_897 : vector<256x256xf32>
    %sub3A_899 = arith.subf %add3A_898, %mul3A_894 : vector<256x256xf32>
    %add3A_900 = arith.constant 9.99999971E-10 : f32
    %add3A_901 = vector.broadcast %add3A_900 : f32 to vector<256x256xf32>
    %add3A_902 = arith.addf %sub3A_899, %add3A_901 : vector<256x256xf32>
    %div3A_903 = arith.divf %mul3A_894, %add3A_902 : vector<256x256xf32>
    %gt3A_904 = arith.constant 0.699999988 : f32
    %gt3A_905 = vector.broadcast %gt3A_904 : f32 to vector<256x256xf32>
    %gt3A_906 = arith.cmpf ogt, %div3A_903, %gt3A_905 : vector<256x256xf32>
    %convert_element_type3A_907 = arith.extui %gt3A_906 : vector<256x256xi1> to vector<256x256xi32>
    %convert_element_type3A_908 = arith.sitofp %convert_element_type3A_907 : vector<256x256xi32> to vector<256x256xf32>
    %dot_general3A_909 = arith.constant dense<0.000000e+00> : vector<1x256xf32>
    %dot_general3A_910 = tpu.matmul %while3A_294#0, %convert_element_type3A_908, %dot_general3A_909 {dimension_numbers = #tpu.dot_dimension_numbers<[1], [0], [0], [1], [0, 0, 1, 1], [], []>, transpose_lhs_hint = false} : vector<1x256xf32>, vector<256x256xf32>, vector<1x256xf32> -> vector<1x256xf32>
    %add3A_911 = arith.addf %add3A_869, %dot_general3A_910 : vector<1x256xf32>
    %slice3A_912 = vector.extract_strided_slice %min3A_7 {offsets = [0, 1280], sizes = [1, 256], strides = [1, 1]} : vector<1x2048xf32> to vector<1x256xf32>
    %max3A_913 = vector.broadcast %slice3A_74 : vector<256x1xf32> to vector<256x256xf32>
    %max3A_914 = vector.broadcast %slice3A_912 : vector<1x256xf32> to vector<256x256xf32>
    %max3A_915 = arith.maximumf %max3A_913, %max3A_914 : vector<256x256xf32>
    %slice3A_916 = vector.extract_strided_slice %min3A_14 {offsets = [0, 1280], sizes = [1, 256], strides = [1, 1]} : vector<1x2048xf32> to vector<1x256xf32>
    %max3A_917 = vector.broadcast %slice3A_75 : vector<256x1xf32> to vector<256x256xf32>
    %max3A_918 = vector.broadcast %slice3A_916 : vector<1x256xf32> to vector<256x256xf32>
    %max3A_919 = arith.maximumf %max3A_917, %max3A_918 : vector<256x256xf32>
    %slice3A_920 = vector.extract_strided_slice %min3A_21 {offsets = [0, 1280], sizes = [1, 256], strides = [1, 1]} : vector<1x2048xf32> to vector<1x256xf32>
    %min3A_921 = vector.broadcast %slice3A_76 : vector<256x1xf32> to vector<256x256xf32>
    %min3A_922 = vector.broadcast %slice3A_920 : vector<1x256xf32> to vector<256x256xf32>
    %min3A_923 = arith.minimumf %min3A_921, %min3A_922 : vector<256x256xf32>
    %slice3A_924 = vector.extract_strided_slice %min3A_28 {offsets = [0, 1280], sizes = [1, 256], strides = [1, 1]} : vector<1x2048xf32> to vector<1x256xf32>
    %min3A_925 = vector.broadcast %slice3A_77 : vector<256x1xf32> to vector<256x256xf32>
    %min3A_926 = vector.broadcast %slice3A_924 : vector<1x256xf32> to vector<256x256xf32>
    %min3A_927 = arith.minimumf %min3A_925, %min3A_926 : vector<256x256xf32>
    %sub3A_928 = arith.subf %min3A_923, %max3A_915 : vector<256x256xf32>
    %max3A_929 = arith.constant 0.000000e+00 : f32
    %max3A_930 = vector.broadcast %max3A_929 : f32 to vector<256x256xf32>
    %max3A_931 = arith.maximumf %sub3A_928, %max3A_930 : vector<256x256xf32>
    %sub3A_932 = arith.subf %min3A_927, %max3A_919 : vector<256x256xf32>
    %max3A_933 = arith.constant 0.000000e+00 : f32
    %max3A_934 = vector.broadcast %max3A_933 : f32 to vector<256x256xf32>
    %max3A_935 = arith.maximumf %sub3A_932, %max3A_934 : vector<256x256xf32>
    %mul3A_936 = arith.mulf %max3A_931, %max3A_935 : vector<256x256xf32>
    %slice3A_937 = vector.extract_strided_slice %mul3A {offsets = [0, 1280], sizes = [1, 256], strides = [1, 1]} : vector<1x2048xf32> to vector<1x256xf32>
    %add3A_938 = vector.broadcast %mul3A_80 : vector<256x1xf32> to vector<256x256xf32>
    %add3A_939 = vector.broadcast %slice3A_937 : vector<1x256xf32> to vector<256x256xf32>
    %add3A_940 = arith.addf %add3A_938, %add3A_939 : vector<256x256xf32>
    %sub3A_941 = arith.subf %add3A_940, %mul3A_936 : vector<256x256xf32>
    %add3A_942 = arith.constant 9.99999971E-10 : f32
    %add3A_943 = vector.broadcast %add3A_942 : f32 to vector<256x256xf32>
    %add3A_944 = arith.addf %sub3A_941, %add3A_943 : vector<256x256xf32>
    %div3A_945 = arith.divf %mul3A_936, %add3A_944 : vector<256x256xf32>
    %gt3A_946 = arith.constant 0.699999988 : f32
    %gt3A_947 = vector.broadcast %gt3A_946 : f32 to vector<256x256xf32>
    %gt3A_948 = arith.cmpf ogt, %div3A_945, %gt3A_947 : vector<256x256xf32>
    %convert_element_type3A_949 = arith.extui %gt3A_948 : vector<256x256xi1> to vector<256x256xi32>
    %convert_element_type3A_950 = arith.sitofp %convert_element_type3A_949 : vector<256x256xi32> to vector<256x256xf32>
    %dot_general3A_951 = arith.constant dense<0.000000e+00> : vector<1x256xf32>
    %dot_general3A_952 = tpu.matmul %while3A_429#0, %convert_element_type3A_950, %dot_general3A_951 {dimension_numbers = #tpu.dot_dimension_numbers<[1], [0], [0], [1], [0, 0, 1, 1], [], []>, transpose_lhs_hint = false} : vector<1x256xf32>, vector<256x256xf32>, vector<1x256xf32> -> vector<1x256xf32>
    %add3A_953 = arith.addf %add3A_911, %dot_general3A_952 : vector<1x256xf32>
    %slice3A_954 = vector.extract_strided_slice %min3A_7 {offsets = [0, 1280], sizes = [1, 256], strides = [1, 1]} : vector<1x2048xf32> to vector<1x256xf32>
    %max3A_955 = vector.broadcast %slice3A_88 : vector<256x1xf32> to vector<256x256xf32>
    %max3A_956 = vector.broadcast %slice3A_954 : vector<1x256xf32> to vector<256x256xf32>
    %max3A_957 = arith.maximumf %max3A_955, %max3A_956 : vector<256x256xf32>
    %slice3A_958 = vector.extract_strided_slice %min3A_14 {offsets = [0, 1280], sizes = [1, 256], strides = [1, 1]} : vector<1x2048xf32> to vector<1x256xf32>
    %max3A_959 = vector.broadcast %slice3A_89 : vector<256x1xf32> to vector<256x256xf32>
    %max3A_960 = vector.broadcast %slice3A_958 : vector<1x256xf32> to vector<256x256xf32>
    %max3A_961 = arith.maximumf %max3A_959, %max3A_960 : vector<256x256xf32>
    %slice3A_962 = vector.extract_strided_slice %min3A_21 {offsets = [0, 1280], sizes = [1, 256], strides = [1, 1]} : vector<1x2048xf32> to vector<1x256xf32>
    %min3A_963 = vector.broadcast %slice3A_90 : vector<256x1xf32> to vector<256x256xf32>
    %min3A_964 = vector.broadcast %slice3A_962 : vector<1x256xf32> to vector<256x256xf32>
    %min3A_965 = arith.minimumf %min3A_963, %min3A_964 : vector<256x256xf32>
    %slice3A_966 = vector.extract_strided_slice %min3A_28 {offsets = [0, 1280], sizes = [1, 256], strides = [1, 1]} : vector<1x2048xf32> to vector<1x256xf32>
    %min3A_967 = vector.broadcast %slice3A_91 : vector<256x1xf32> to vector<256x256xf32>
    %min3A_968 = vector.broadcast %slice3A_966 : vector<1x256xf32> to vector<256x256xf32>
    %min3A_969 = arith.minimumf %min3A_967, %min3A_968 : vector<256x256xf32>
    %sub3A_970 = arith.subf %min3A_965, %max3A_957 : vector<256x256xf32>
    %max3A_971 = arith.constant 0.000000e+00 : f32
    %max3A_972 = vector.broadcast %max3A_971 : f32 to vector<256x256xf32>
    %max3A_973 = arith.maximumf %sub3A_970, %max3A_972 : vector<256x256xf32>
    %sub3A_974 = arith.subf %min3A_969, %max3A_961 : vector<256x256xf32>
    %max3A_975 = arith.constant 0.000000e+00 : f32
    %max3A_976 = vector.broadcast %max3A_975 : f32 to vector<256x256xf32>
    %max3A_977 = arith.maximumf %sub3A_974, %max3A_976 : vector<256x256xf32>
    %mul3A_978 = arith.mulf %max3A_973, %max3A_977 : vector<256x256xf32>
    %slice3A_979 = vector.extract_strided_slice %mul3A {offsets = [0, 1280], sizes = [1, 256], strides = [1, 1]} : vector<1x2048xf32> to vector<1x256xf32>
    %add3A_980 = vector.broadcast %mul3A_94 : vector<256x1xf32> to vector<256x256xf32>
    %add3A_981 = vector.broadcast %slice3A_979 : vector<1x256xf32> to vector<256x256xf32>
    %add3A_982 = arith.addf %add3A_980, %add3A_981 : vector<256x256xf32>
    %sub3A_983 = arith.subf %add3A_982, %mul3A_978 : vector<256x256xf32>
    %add3A_984 = arith.constant 9.99999971E-10 : f32
    %add3A_985 = vector.broadcast %add3A_984 : f32 to vector<256x256xf32>
    %add3A_986 = arith.addf %sub3A_983, %add3A_985 : vector<256x256xf32>
    %div3A_987 = arith.divf %mul3A_978, %add3A_986 : vector<256x256xf32>
    %gt3A_988 = arith.constant 0.699999988 : f32
    %gt3A_989 = vector.broadcast %gt3A_988 : f32 to vector<256x256xf32>
    %gt3A_990 = arith.cmpf ogt, %div3A_987, %gt3A_989 : vector<256x256xf32>
    %convert_element_type3A_991 = arith.extui %gt3A_990 : vector<256x256xi1> to vector<256x256xi32>
    %convert_element_type3A_992 = arith.sitofp %convert_element_type3A_991 : vector<256x256xi32> to vector<256x256xf32>
    %dot_general3A_993 = arith.constant dense<0.000000e+00> : vector<1x256xf32>
    %dot_general3A_994 = tpu.matmul %while3A_606#0, %convert_element_type3A_992, %dot_general3A_993 {dimension_numbers = #tpu.dot_dimension_numbers<[1], [0], [0], [1], [0, 0, 1, 1], [], []>, transpose_lhs_hint = false} : vector<1x256xf32>, vector<256x256xf32>, vector<1x256xf32> -> vector<1x256xf32>
    %add3A_995 = arith.addf %add3A_953, %dot_general3A_994 : vector<1x256xf32>
    %slice3A_996 = vector.extract_strided_slice %min3A_7 {offsets = [0, 1280], sizes = [1, 256], strides = [1, 1]} : vector<1x2048xf32> to vector<1x256xf32>
    %max3A_997 = vector.broadcast %slice3A_102 : vector<256x1xf32> to vector<256x256xf32>
    %max3A_998 = vector.broadcast %slice3A_996 : vector<1x256xf32> to vector<256x256xf32>
    %max3A_999 = arith.maximumf %max3A_997, %max3A_998 : vector<256x256xf32>
    %slice3A_1000 = vector.extract_strided_slice %min3A_14 {offsets = [0, 1280], sizes = [1, 256], strides = [1, 1]} : vector<1x2048xf32> to vector<1x256xf32>
    %max3A_1001 = vector.broadcast %slice3A_103 : vector<256x1xf32> to vector<256x256xf32>
    %max3A_1002 = vector.broadcast %slice3A_1000 : vector<1x256xf32> to vector<256x256xf32>
    %max3A_1003 = arith.maximumf %max3A_1001, %max3A_1002 : vector<256x256xf32>
    %slice3A_1004 = vector.extract_strided_slice %min3A_21 {offsets = [0, 1280], sizes = [1, 256], strides = [1, 1]} : vector<1x2048xf32> to vector<1x256xf32>
    %min3A_1005 = vector.broadcast %slice3A_104 : vector<256x1xf32> to vector<256x256xf32>
    %min3A_1006 = vector.broadcast %slice3A_1004 : vector<1x256xf32> to vector<256x256xf32>
    %min3A_1007 = arith.minimumf %min3A_1005, %min3A_1006 : vector<256x256xf32>
    %slice3A_1008 = vector.extract_strided_slice %min3A_28 {offsets = [0, 1280], sizes = [1, 256], strides = [1, 1]} : vector<1x2048xf32> to vector<1x256xf32>
    %min3A_1009 = vector.broadcast %slice3A_105 : vector<256x1xf32> to vector<256x256xf32>
    %min3A_1010 = vector.broadcast %slice3A_1008 : vector<1x256xf32> to vector<256x256xf32>
    %min3A_1011 = arith.minimumf %min3A_1009, %min3A_1010 : vector<256x256xf32>
    %sub3A_1012 = arith.subf %min3A_1007, %max3A_999 : vector<256x256xf32>
    %max3A_1013 = arith.constant 0.000000e+00 : f32
    %max3A_1014 = vector.broadcast %max3A_1013 : f32 to vector<256x256xf32>
    %max3A_1015 = arith.maximumf %sub3A_1012, %max3A_1014 : vector<256x256xf32>
    %sub3A_1016 = arith.subf %min3A_1011, %max3A_1003 : vector<256x256xf32>
    %max3A_1017 = arith.constant 0.000000e+00 : f32
    %max3A_1018 = vector.broadcast %max3A_1017 : f32 to vector<256x256xf32>
    %max3A_1019 = arith.maximumf %sub3A_1016, %max3A_1018 : vector<256x256xf32>
    %mul3A_1020 = arith.mulf %max3A_1015, %max3A_1019 : vector<256x256xf32>
    %slice3A_1021 = vector.extract_strided_slice %mul3A {offsets = [0, 1280], sizes = [1, 256], strides = [1, 1]} : vector<1x2048xf32> to vector<1x256xf32>
    %add3A_1022 = vector.broadcast %mul3A_108 : vector<256x1xf32> to vector<256x256xf32>
    %add3A_1023 = vector.broadcast %slice3A_1021 : vector<1x256xf32> to vector<256x256xf32>
    %add3A_1024 = arith.addf %add3A_1022, %add3A_1023 : vector<256x256xf32>
    %sub3A_1025 = arith.subf %add3A_1024, %mul3A_1020 : vector<256x256xf32>
    %add3A_1026 = arith.constant 9.99999971E-10 : f32
    %add3A_1027 = vector.broadcast %add3A_1026 : f32 to vector<256x256xf32>
    %add3A_1028 = arith.addf %sub3A_1025, %add3A_1027 : vector<256x256xf32>
    %div3A_1029 = arith.divf %mul3A_1020, %add3A_1028 : vector<256x256xf32>
    %gt3A_1030 = arith.constant 0.699999988 : f32
    %gt3A_1031 = vector.broadcast %gt3A_1030 : f32 to vector<256x256xf32>
    %gt3A_1032 = arith.cmpf ogt, %div3A_1029, %gt3A_1031 : vector<256x256xf32>
    %convert_element_type3A_1033 = arith.extui %gt3A_1032 : vector<256x256xi1> to vector<256x256xi32>
    %convert_element_type3A_1034 = arith.sitofp %convert_element_type3A_1033 : vector<256x256xi32> to vector<256x256xf32>
    %dot_general3A_1035 = arith.constant dense<0.000000e+00> : vector<1x256xf32>
    %dot_general3A_1036 = tpu.matmul %while3A_825#0, %convert_element_type3A_1034, %dot_general3A_1035 {dimension_numbers = #tpu.dot_dimension_numbers<[1], [0], [0], [1], [0, 0, 1, 1], [], []>, transpose_lhs_hint = false} : vector<1x256xf32>, vector<256x256xf32>, vector<1x256xf32> -> vector<1x256xf32>
    %add3A_1037 = arith.addf %add3A_995, %dot_general3A_1036 : vector<1x256xf32>
    %slice3A_1038 = vector.extract_strided_slice %convert_element_type3A_38 {offsets = [0, 1280], sizes = [1, 256], strides = [1, 1]} : vector<1x2048xf32> to vector<1x256xf32>
    %eq3A_1039 = arith.constant 0.000000e+00 : f32
    %eq3A_1040 = vector.broadcast %eq3A_1039 : f32 to vector<1x256xf32>
    %eq3A_1041 = arith.cmpf oeq, %add3A_1037, %eq3A_1040 : vector<1x256xf32>
    %convert_element_type3A_1042 = arith.extui %eq3A_1041 : vector<1x256xi1> to vector<1x256xi32>
    %convert_element_type3A_1043 = arith.sitofp %convert_element_type3A_1042 : vector<1x256xi32> to vector<1x256xf32>
    %mul3A_1044 = arith.mulf %slice3A_1038, %convert_element_type3A_1043 : vector<1x256xf32>
    %slice3A_1045 = vector.extract_strided_slice %min3A_7 {offsets = [0, 1280], sizes = [1, 256], strides = [1, 1]} : vector<1x2048xf32> to vector<1x256xf32>
    %max3A_1046 = vector.broadcast %slice3A_116 : vector<256x1xf32> to vector<256x256xf32>
    %max3A_1047 = vector.broadcast %slice3A_1045 : vector<1x256xf32> to vector<256x256xf32>
    %max3A_1048 = arith.maximumf %max3A_1046, %max3A_1047 : vector<256x256xf32>
    %slice3A_1049 = vector.extract_strided_slice %min3A_14 {offsets = [0, 1280], sizes = [1, 256], strides = [1, 1]} : vector<1x2048xf32> to vector<1x256xf32>
    %max3A_1050 = vector.broadcast %slice3A_117 : vector<256x1xf32> to vector<256x256xf32>
    %max3A_1051 = vector.broadcast %slice3A_1049 : vector<1x256xf32> to vector<256x256xf32>
    %max3A_1052 = arith.maximumf %max3A_1050, %max3A_1051 : vector<256x256xf32>
    %slice3A_1053 = vector.extract_strided_slice %min3A_21 {offsets = [0, 1280], sizes = [1, 256], strides = [1, 1]} : vector<1x2048xf32> to vector<1x256xf32>
    %min3A_1054 = vector.broadcast %slice3A_118 : vector<256x1xf32> to vector<256x256xf32>
    %min3A_1055 = vector.broadcast %slice3A_1053 : vector<1x256xf32> to vector<256x256xf32>
    %min3A_1056 = arith.minimumf %min3A_1054, %min3A_1055 : vector<256x256xf32>
    %slice3A_1057 = vector.extract_strided_slice %min3A_28 {offsets = [0, 1280], sizes = [1, 256], strides = [1, 1]} : vector<1x2048xf32> to vector<1x256xf32>
    %min3A_1058 = vector.broadcast %slice3A_119 : vector<256x1xf32> to vector<256x256xf32>
    %min3A_1059 = vector.broadcast %slice3A_1057 : vector<1x256xf32> to vector<256x256xf32>
    %min3A_1060 = arith.minimumf %min3A_1058, %min3A_1059 : vector<256x256xf32>
    %sub3A_1061 = arith.subf %min3A_1056, %max3A_1048 : vector<256x256xf32>
    %max3A_1062 = arith.constant 0.000000e+00 : f32
    %max3A_1063 = vector.broadcast %max3A_1062 : f32 to vector<256x256xf32>
    %max3A_1064 = arith.maximumf %sub3A_1061, %max3A_1063 : vector<256x256xf32>
    %sub3A_1065 = arith.subf %min3A_1060, %max3A_1052 : vector<256x256xf32>
    %max3A_1066 = arith.constant 0.000000e+00 : f32
    %max3A_1067 = vector.broadcast %max3A_1066 : f32 to vector<256x256xf32>
    %max3A_1068 = arith.maximumf %sub3A_1065, %max3A_1067 : vector<256x256xf32>
    %mul3A_1069 = arith.mulf %max3A_1064, %max3A_1068 : vector<256x256xf32>
    %slice3A_1070 = vector.extract_strided_slice %mul3A {offsets = [0, 1280], sizes = [1, 256], strides = [1, 1]} : vector<1x2048xf32> to vector<1x256xf32>
    %add3A_1071 = vector.broadcast %mul3A_122 : vector<256x1xf32> to vector<256x256xf32>
    %add3A_1072 = vector.broadcast %slice3A_1070 : vector<1x256xf32> to vector<256x256xf32>
    %add3A_1073 = arith.addf %add3A_1071, %add3A_1072 : vector<256x256xf32>
    %sub3A_1074 = arith.subf %add3A_1073, %mul3A_1069 : vector<256x256xf32>
    %add3A_1075 = arith.constant 9.99999971E-10 : f32
    %add3A_1076 = vector.broadcast %add3A_1075 : f32 to vector<256x256xf32>
    %add3A_1077 = arith.addf %sub3A_1074, %add3A_1076 : vector<256x256xf32>
    %div3A_1078 = arith.divf %mul3A_1069, %add3A_1077 : vector<256x256xf32>
    %gt3A_1079 = arith.constant 0.699999988 : f32
    %gt3A_1080 = vector.broadcast %gt3A_1079 : f32 to vector<256x256xf32>
    %gt3A_1081 = arith.cmpf ogt, %div3A_1078, %gt3A_1080 : vector<256x256xf32>
    %convert_element_type3A_1082 = arith.extui %gt3A_1081 : vector<256x256xi1> to vector<256x256xi32>
    %convert_element_type3A_1083 = arith.sitofp %convert_element_type3A_1082 : vector<256x256xi32> to vector<256x256xf32>
    %mul3A_1084 = arith.mulf %convert_element_type3A_1083, %convert_element_type3A_155 : vector<256x256xf32>
    %while3A_1085 = arith.constant true
    %while3A_1086:2 = scf.while (%while3A_1893 = %mul3A_1044, %while3A_1894 = %while3A_1085) : (vector<1x256xf32>, i1) -> (vector<1x256xf32>, i1) {
      scf.condition(%while3A_1894) %while3A_1893, %while3A_1894 : vector<1x256xf32>, i1
    } do {
    ^bb0(%while3A_1893: vector<1x256xf32>, %while3A_1894: i1):
      %dot_general3A_1895 = arith.constant dense<0.000000e+00> : vector<1x256xf32>
      %dot_general3A_1896 = tpu.matmul %while3A_1893, %mul3A_1084, %dot_general3A_1895 {dimension_numbers = #tpu.dot_dimension_numbers<[1], [0], [0], [1], [0, 0, 1, 1], [], []>, transpose_lhs_hint = false} : vector<1x256xf32>, vector<256x256xf32>, vector<1x256xf32> -> vector<1x256xf32>
      %eq3A_1897 = arith.constant 0.000000e+00 : f32
      %eq3A_1898 = vector.broadcast %eq3A_1897 : f32 to vector<1x256xf32>
      %eq3A_1899 = arith.cmpf oeq, %dot_general3A_1896, %eq3A_1898 : vector<1x256xf32>
      %convert_element_type3A_1900 = arith.extui %eq3A_1899 : vector<1x256xi1> to vector<1x256xi32>
      %convert_element_type3A_1901 = arith.sitofp %convert_element_type3A_1900 : vector<1x256xi32> to vector<1x256xf32>
      %mul3A_1902 = arith.mulf %mul3A_1044, %convert_element_type3A_1901 : vector<1x256xf32>
      %ne3A = arith.cmpf one, %mul3A_1902, %while3A_1893 : vector<1x256xf32>
      %reduce_or3A = arith.constant 1.000000e+00 : f32
      %reduce_or3A_1903 = arith.constant 0.000000e+00 : f32
      %reduce_or3A_1904 = vector.broadcast %reduce_or3A : f32 to vector<1x256xf32>
      %reduce_or3A_1905 = vector.broadcast %reduce_or3A_1903 : f32 to vector<1x256xf32>
      %reduce_or3A_1906 = arith.select %ne3A, %reduce_or3A_1904, %reduce_or3A_1905 : vector<1x256xi1>, vector<1x256xf32>
      %reduce_or3A_1907 = vector.shape_cast %reduce_or3A_1906 : vector<1x256xf32> to vector<1x1x256xf32>
      %reduce_or3A_1908 = arith.constant dense<0xFF800000> : vector<1xf32>
      %reduce_or3A_1909 = vector.multi_reduction <maximumf>, %reduce_or3A_1907, %reduce_or3A_1908 [1, 2] : vector<1x1x256xf32> to vector<1xf32>
      %reduce_or3A_1910 = vector.shape_cast %reduce_or3A_1909 : vector<1xf32> to vector<1x1x1xf32>
      %reduce_or3A_1911 = vector.extract %reduce_or3A_1910[0, 0, 0] : f32 from vector<1x1x1xf32>
      %reduce_or3A_1912 = arith.constant 0.000000e+00 : f32
      %reduce_or3A_1913 = arith.cmpf ogt, %reduce_or3A_1911, %reduce_or3A_1912 : f32
      scf.yield %mul3A_1902, %reduce_or3A_1913 : vector<1x256xf32>, i1
    }
    %broadcast_in_dim3A_1087 = arith.constant 0.000000e+00 : f32
    %broadcast_in_dim3A_1088 = vector.broadcast %broadcast_in_dim3A_1087 : f32 to vector<1x256xf32>
    %slice3A_1089 = vector.extract_strided_slice %min3A_7 {offsets = [0, 1536], sizes = [1, 256], strides = [1, 1]} : vector<1x2048xf32> to vector<1x256xf32>
    %max3A_1090 = vector.broadcast %slice3A_46 : vector<256x1xf32> to vector<256x256xf32>
    %max3A_1091 = vector.broadcast %slice3A_1089 : vector<1x256xf32> to vector<256x256xf32>
    %max3A_1092 = arith.maximumf %max3A_1090, %max3A_1091 : vector<256x256xf32>
    %slice3A_1093 = vector.extract_strided_slice %min3A_14 {offsets = [0, 1536], sizes = [1, 256], strides = [1, 1]} : vector<1x2048xf32> to vector<1x256xf32>
    %max3A_1094 = vector.broadcast %slice3A_47 : vector<256x1xf32> to vector<256x256xf32>
    %max3A_1095 = vector.broadcast %slice3A_1093 : vector<1x256xf32> to vector<256x256xf32>
    %max3A_1096 = arith.maximumf %max3A_1094, %max3A_1095 : vector<256x256xf32>
    %slice3A_1097 = vector.extract_strided_slice %min3A_21 {offsets = [0, 1536], sizes = [1, 256], strides = [1, 1]} : vector<1x2048xf32> to vector<1x256xf32>
    %min3A_1098 = vector.broadcast %slice3A_48 : vector<256x1xf32> to vector<256x256xf32>
    %min3A_1099 = vector.broadcast %slice3A_1097 : vector<1x256xf32> to vector<256x256xf32>
    %min3A_1100 = arith.minimumf %min3A_1098, %min3A_1099 : vector<256x256xf32>
    %slice3A_1101 = vector.extract_strided_slice %min3A_28 {offsets = [0, 1536], sizes = [1, 256], strides = [1, 1]} : vector<1x2048xf32> to vector<1x256xf32>
    %min3A_1102 = vector.broadcast %slice3A_49 : vector<256x1xf32> to vector<256x256xf32>
    %min3A_1103 = vector.broadcast %slice3A_1101 : vector<1x256xf32> to vector<256x256xf32>
    %min3A_1104 = arith.minimumf %min3A_1102, %min3A_1103 : vector<256x256xf32>
    %sub3A_1105 = arith.subf %min3A_1100, %max3A_1092 : vector<256x256xf32>
    %max3A_1106 = arith.constant 0.000000e+00 : f32
    %max3A_1107 = vector.broadcast %max3A_1106 : f32 to vector<256x256xf32>
    %max3A_1108 = arith.maximumf %sub3A_1105, %max3A_1107 : vector<256x256xf32>
    %sub3A_1109 = arith.subf %min3A_1104, %max3A_1096 : vector<256x256xf32>
    %max3A_1110 = arith.constant 0.000000e+00 : f32
    %max3A_1111 = vector.broadcast %max3A_1110 : f32 to vector<256x256xf32>
    %max3A_1112 = arith.maximumf %sub3A_1109, %max3A_1111 : vector<256x256xf32>
    %mul3A_1113 = arith.mulf %max3A_1108, %max3A_1112 : vector<256x256xf32>
    %slice3A_1114 = vector.extract_strided_slice %mul3A {offsets = [0, 1536], sizes = [1, 256], strides = [1, 1]} : vector<1x2048xf32> to vector<1x256xf32>
    %add3A_1115 = vector.broadcast %mul3A_52 : vector<256x1xf32> to vector<256x256xf32>
    %add3A_1116 = vector.broadcast %slice3A_1114 : vector<1x256xf32> to vector<256x256xf32>
    %add3A_1117 = arith.addf %add3A_1115, %add3A_1116 : vector<256x256xf32>
    %sub3A_1118 = arith.subf %add3A_1117, %mul3A_1113 : vector<256x256xf32>
    %add3A_1119 = arith.constant 9.99999971E-10 : f32
    %add3A_1120 = vector.broadcast %add3A_1119 : f32 to vector<256x256xf32>
    %add3A_1121 = arith.addf %sub3A_1118, %add3A_1120 : vector<256x256xf32>
    %div3A_1122 = arith.divf %mul3A_1113, %add3A_1121 : vector<256x256xf32>
    %gt3A_1123 = arith.constant 0.699999988 : f32
    %gt3A_1124 = vector.broadcast %gt3A_1123 : f32 to vector<256x256xf32>
    %gt3A_1125 = arith.cmpf ogt, %div3A_1122, %gt3A_1124 : vector<256x256xf32>
    %convert_element_type3A_1126 = arith.extui %gt3A_1125 : vector<256x256xi1> to vector<256x256xi32>
    %convert_element_type3A_1127 = arith.sitofp %convert_element_type3A_1126 : vector<256x256xi32> to vector<256x256xf32>
    %dot_general3A_1128 = arith.constant dense<0.000000e+00> : vector<1x256xf32>
    %dot_general3A_1129 = tpu.matmul %while3A_202#0, %convert_element_type3A_1127, %dot_general3A_1128 {dimension_numbers = #tpu.dot_dimension_numbers<[1], [0], [0], [1], [0, 0, 1, 1], [], []>, transpose_lhs_hint = false} : vector<1x256xf32>, vector<256x256xf32>, vector<1x256xf32> -> vector<1x256xf32>
    %add3A_1130 = arith.addf %broadcast_in_dim3A_1088, %dot_general3A_1129 : vector<1x256xf32>
    %slice3A_1131 = vector.extract_strided_slice %min3A_7 {offsets = [0, 1536], sizes = [1, 256], strides = [1, 1]} : vector<1x2048xf32> to vector<1x256xf32>
    %max3A_1132 = vector.broadcast %slice3A_60 : vector<256x1xf32> to vector<256x256xf32>
    %max3A_1133 = vector.broadcast %slice3A_1131 : vector<1x256xf32> to vector<256x256xf32>
    %max3A_1134 = arith.maximumf %max3A_1132, %max3A_1133 : vector<256x256xf32>
    %slice3A_1135 = vector.extract_strided_slice %min3A_14 {offsets = [0, 1536], sizes = [1, 256], strides = [1, 1]} : vector<1x2048xf32> to vector<1x256xf32>
    %max3A_1136 = vector.broadcast %slice3A_61 : vector<256x1xf32> to vector<256x256xf32>
    %max3A_1137 = vector.broadcast %slice3A_1135 : vector<1x256xf32> to vector<256x256xf32>
    %max3A_1138 = arith.maximumf %max3A_1136, %max3A_1137 : vector<256x256xf32>
    %slice3A_1139 = vector.extract_strided_slice %min3A_21 {offsets = [0, 1536], sizes = [1, 256], strides = [1, 1]} : vector<1x2048xf32> to vector<1x256xf32>
    %min3A_1140 = vector.broadcast %slice3A_62 : vector<256x1xf32> to vector<256x256xf32>
    %min3A_1141 = vector.broadcast %slice3A_1139 : vector<1x256xf32> to vector<256x256xf32>
    %min3A_1142 = arith.minimumf %min3A_1140, %min3A_1141 : vector<256x256xf32>
    %slice3A_1143 = vector.extract_strided_slice %min3A_28 {offsets = [0, 1536], sizes = [1, 256], strides = [1, 1]} : vector<1x2048xf32> to vector<1x256xf32>
    %min3A_1144 = vector.broadcast %slice3A_63 : vector<256x1xf32> to vector<256x256xf32>
    %min3A_1145 = vector.broadcast %slice3A_1143 : vector<1x256xf32> to vector<256x256xf32>
    %min3A_1146 = arith.minimumf %min3A_1144, %min3A_1145 : vector<256x256xf32>
    %sub3A_1147 = arith.subf %min3A_1142, %max3A_1134 : vector<256x256xf32>
    %max3A_1148 = arith.constant 0.000000e+00 : f32
    %max3A_1149 = vector.broadcast %max3A_1148 : f32 to vector<256x256xf32>
    %max3A_1150 = arith.maximumf %sub3A_1147, %max3A_1149 : vector<256x256xf32>
    %sub3A_1151 = arith.subf %min3A_1146, %max3A_1138 : vector<256x256xf32>
    %max3A_1152 = arith.constant 0.000000e+00 : f32
    %max3A_1153 = vector.broadcast %max3A_1152 : f32 to vector<256x256xf32>
    %max3A_1154 = arith.maximumf %sub3A_1151, %max3A_1153 : vector<256x256xf32>
    %mul3A_1155 = arith.mulf %max3A_1150, %max3A_1154 : vector<256x256xf32>
    %slice3A_1156 = vector.extract_strided_slice %mul3A {offsets = [0, 1536], sizes = [1, 256], strides = [1, 1]} : vector<1x2048xf32> to vector<1x256xf32>
    %add3A_1157 = vector.broadcast %mul3A_66 : vector<256x1xf32> to vector<256x256xf32>
    %add3A_1158 = vector.broadcast %slice3A_1156 : vector<1x256xf32> to vector<256x256xf32>
    %add3A_1159 = arith.addf %add3A_1157, %add3A_1158 : vector<256x256xf32>
    %sub3A_1160 = arith.subf %add3A_1159, %mul3A_1155 : vector<256x256xf32>
    %add3A_1161 = arith.constant 9.99999971E-10 : f32
    %add3A_1162 = vector.broadcast %add3A_1161 : f32 to vector<256x256xf32>
    %add3A_1163 = arith.addf %sub3A_1160, %add3A_1162 : vector<256x256xf32>
    %div3A_1164 = arith.divf %mul3A_1155, %add3A_1163 : vector<256x256xf32>
    %gt3A_1165 = arith.constant 0.699999988 : f32
    %gt3A_1166 = vector.broadcast %gt3A_1165 : f32 to vector<256x256xf32>
    %gt3A_1167 = arith.cmpf ogt, %div3A_1164, %gt3A_1166 : vector<256x256xf32>
    %convert_element_type3A_1168 = arith.extui %gt3A_1167 : vector<256x256xi1> to vector<256x256xi32>
    %convert_element_type3A_1169 = arith.sitofp %convert_element_type3A_1168 : vector<256x256xi32> to vector<256x256xf32>
    %dot_general3A_1170 = arith.constant dense<0.000000e+00> : vector<1x256xf32>
    %dot_general3A_1171 = tpu.matmul %while3A_294#0, %convert_element_type3A_1169, %dot_general3A_1170 {dimension_numbers = #tpu.dot_dimension_numbers<[1], [0], [0], [1], [0, 0, 1, 1], [], []>, transpose_lhs_hint = false} : vector<1x256xf32>, vector<256x256xf32>, vector<1x256xf32> -> vector<1x256xf32>
    %add3A_1172 = arith.addf %add3A_1130, %dot_general3A_1171 : vector<1x256xf32>
    %slice3A_1173 = vector.extract_strided_slice %min3A_7 {offsets = [0, 1536], sizes = [1, 256], strides = [1, 1]} : vector<1x2048xf32> to vector<1x256xf32>
    %max3A_1174 = vector.broadcast %slice3A_74 : vector<256x1xf32> to vector<256x256xf32>
    %max3A_1175 = vector.broadcast %slice3A_1173 : vector<1x256xf32> to vector<256x256xf32>
    %max3A_1176 = arith.maximumf %max3A_1174, %max3A_1175 : vector<256x256xf32>
    %slice3A_1177 = vector.extract_strided_slice %min3A_14 {offsets = [0, 1536], sizes = [1, 256], strides = [1, 1]} : vector<1x2048xf32> to vector<1x256xf32>
    %max3A_1178 = vector.broadcast %slice3A_75 : vector<256x1xf32> to vector<256x256xf32>
    %max3A_1179 = vector.broadcast %slice3A_1177 : vector<1x256xf32> to vector<256x256xf32>
    %max3A_1180 = arith.maximumf %max3A_1178, %max3A_1179 : vector<256x256xf32>
    %slice3A_1181 = vector.extract_strided_slice %min3A_21 {offsets = [0, 1536], sizes = [1, 256], strides = [1, 1]} : vector<1x2048xf32> to vector<1x256xf32>
    %min3A_1182 = vector.broadcast %slice3A_76 : vector<256x1xf32> to vector<256x256xf32>
    %min3A_1183 = vector.broadcast %slice3A_1181 : vector<1x256xf32> to vector<256x256xf32>
    %min3A_1184 = arith.minimumf %min3A_1182, %min3A_1183 : vector<256x256xf32>
    %slice3A_1185 = vector.extract_strided_slice %min3A_28 {offsets = [0, 1536], sizes = [1, 256], strides = [1, 1]} : vector<1x2048xf32> to vector<1x256xf32>
    %min3A_1186 = vector.broadcast %slice3A_77 : vector<256x1xf32> to vector<256x256xf32>
    %min3A_1187 = vector.broadcast %slice3A_1185 : vector<1x256xf32> to vector<256x256xf32>
    %min3A_1188 = arith.minimumf %min3A_1186, %min3A_1187 : vector<256x256xf32>
    %sub3A_1189 = arith.subf %min3A_1184, %max3A_1176 : vector<256x256xf32>
    %max3A_1190 = arith.constant 0.000000e+00 : f32
    %max3A_1191 = vector.broadcast %max3A_1190 : f32 to vector<256x256xf32>
    %max3A_1192 = arith.maximumf %sub3A_1189, %max3A_1191 : vector<256x256xf32>
    %sub3A_1193 = arith.subf %min3A_1188, %max3A_1180 : vector<256x256xf32>
    %max3A_1194 = arith.constant 0.000000e+00 : f32
    %max3A_1195 = vector.broadcast %max3A_1194 : f32 to vector<256x256xf32>
    %max3A_1196 = arith.maximumf %sub3A_1193, %max3A_1195 : vector<256x256xf32>
    %mul3A_1197 = arith.mulf %max3A_1192, %max3A_1196 : vector<256x256xf32>
    %slice3A_1198 = vector.extract_strided_slice %mul3A {offsets = [0, 1536], sizes = [1, 256], strides = [1, 1]} : vector<1x2048xf32> to vector<1x256xf32>
    %add3A_1199 = vector.broadcast %mul3A_80 : vector<256x1xf32> to vector<256x256xf32>
    %add3A_1200 = vector.broadcast %slice3A_1198 : vector<1x256xf32> to vector<256x256xf32>
    %add3A_1201 = arith.addf %add3A_1199, %add3A_1200 : vector<256x256xf32>
    %sub3A_1202 = arith.subf %add3A_1201, %mul3A_1197 : vector<256x256xf32>
    %add3A_1203 = arith.constant 9.99999971E-10 : f32
    %add3A_1204 = vector.broadcast %add3A_1203 : f32 to vector<256x256xf32>
    %add3A_1205 = arith.addf %sub3A_1202, %add3A_1204 : vector<256x256xf32>
    %div3A_1206 = arith.divf %mul3A_1197, %add3A_1205 : vector<256x256xf32>
    %gt3A_1207 = arith.constant 0.699999988 : f32
    %gt3A_1208 = vector.broadcast %gt3A_1207 : f32 to vector<256x256xf32>
    %gt3A_1209 = arith.cmpf ogt, %div3A_1206, %gt3A_1208 : vector<256x256xf32>
    %convert_element_type3A_1210 = arith.extui %gt3A_1209 : vector<256x256xi1> to vector<256x256xi32>
    %convert_element_type3A_1211 = arith.sitofp %convert_element_type3A_1210 : vector<256x256xi32> to vector<256x256xf32>
    %dot_general3A_1212 = arith.constant dense<0.000000e+00> : vector<1x256xf32>
    %dot_general3A_1213 = tpu.matmul %while3A_429#0, %convert_element_type3A_1211, %dot_general3A_1212 {dimension_numbers = #tpu.dot_dimension_numbers<[1], [0], [0], [1], [0, 0, 1, 1], [], []>, transpose_lhs_hint = false} : vector<1x256xf32>, vector<256x256xf32>, vector<1x256xf32> -> vector<1x256xf32>
    %add3A_1214 = arith.addf %add3A_1172, %dot_general3A_1213 : vector<1x256xf32>
    %slice3A_1215 = vector.extract_strided_slice %min3A_7 {offsets = [0, 1536], sizes = [1, 256], strides = [1, 1]} : vector<1x2048xf32> to vector<1x256xf32>
    %max3A_1216 = vector.broadcast %slice3A_88 : vector<256x1xf32> to vector<256x256xf32>
    %max3A_1217 = vector.broadcast %slice3A_1215 : vector<1x256xf32> to vector<256x256xf32>
    %max3A_1218 = arith.maximumf %max3A_1216, %max3A_1217 : vector<256x256xf32>
    %slice3A_1219 = vector.extract_strided_slice %min3A_14 {offsets = [0, 1536], sizes = [1, 256], strides = [1, 1]} : vector<1x2048xf32> to vector<1x256xf32>
    %max3A_1220 = vector.broadcast %slice3A_89 : vector<256x1xf32> to vector<256x256xf32>
    %max3A_1221 = vector.broadcast %slice3A_1219 : vector<1x256xf32> to vector<256x256xf32>
    %max3A_1222 = arith.maximumf %max3A_1220, %max3A_1221 : vector<256x256xf32>
    %slice3A_1223 = vector.extract_strided_slice %min3A_21 {offsets = [0, 1536], sizes = [1, 256], strides = [1, 1]} : vector<1x2048xf32> to vector<1x256xf32>
    %min3A_1224 = vector.broadcast %slice3A_90 : vector<256x1xf32> to vector<256x256xf32>
    %min3A_1225 = vector.broadcast %slice3A_1223 : vector<1x256xf32> to vector<256x256xf32>
    %min3A_1226 = arith.minimumf %min3A_1224, %min3A_1225 : vector<256x256xf32>
    %slice3A_1227 = vector.extract_strided_slice %min3A_28 {offsets = [0, 1536], sizes = [1, 256], strides = [1, 1]} : vector<1x2048xf32> to vector<1x256xf32>
    %min3A_1228 = vector.broadcast %slice3A_91 : vector<256x1xf32> to vector<256x256xf32>
    %min3A_1229 = vector.broadcast %slice3A_1227 : vector<1x256xf32> to vector<256x256xf32>
    %min3A_1230 = arith.minimumf %min3A_1228, %min3A_1229 : vector<256x256xf32>
    %sub3A_1231 = arith.subf %min3A_1226, %max3A_1218 : vector<256x256xf32>
    %max3A_1232 = arith.constant 0.000000e+00 : f32
    %max3A_1233 = vector.broadcast %max3A_1232 : f32 to vector<256x256xf32>
    %max3A_1234 = arith.maximumf %sub3A_1231, %max3A_1233 : vector<256x256xf32>
    %sub3A_1235 = arith.subf %min3A_1230, %max3A_1222 : vector<256x256xf32>
    %max3A_1236 = arith.constant 0.000000e+00 : f32
    %max3A_1237 = vector.broadcast %max3A_1236 : f32 to vector<256x256xf32>
    %max3A_1238 = arith.maximumf %sub3A_1235, %max3A_1237 : vector<256x256xf32>
    %mul3A_1239 = arith.mulf %max3A_1234, %max3A_1238 : vector<256x256xf32>
    %slice3A_1240 = vector.extract_strided_slice %mul3A {offsets = [0, 1536], sizes = [1, 256], strides = [1, 1]} : vector<1x2048xf32> to vector<1x256xf32>
    %add3A_1241 = vector.broadcast %mul3A_94 : vector<256x1xf32> to vector<256x256xf32>
    %add3A_1242 = vector.broadcast %slice3A_1240 : vector<1x256xf32> to vector<256x256xf32>
    %add3A_1243 = arith.addf %add3A_1241, %add3A_1242 : vector<256x256xf32>
    %sub3A_1244 = arith.subf %add3A_1243, %mul3A_1239 : vector<256x256xf32>
    %add3A_1245 = arith.constant 9.99999971E-10 : f32
    %add3A_1246 = vector.broadcast %add3A_1245 : f32 to vector<256x256xf32>
    %add3A_1247 = arith.addf %sub3A_1244, %add3A_1246 : vector<256x256xf32>
    %div3A_1248 = arith.divf %mul3A_1239, %add3A_1247 : vector<256x256xf32>
    %gt3A_1249 = arith.constant 0.699999988 : f32
    %gt3A_1250 = vector.broadcast %gt3A_1249 : f32 to vector<256x256xf32>
    %gt3A_1251 = arith.cmpf ogt, %div3A_1248, %gt3A_1250 : vector<256x256xf32>
    %convert_element_type3A_1252 = arith.extui %gt3A_1251 : vector<256x256xi1> to vector<256x256xi32>
    %convert_element_type3A_1253 = arith.sitofp %convert_element_type3A_1252 : vector<256x256xi32> to vector<256x256xf32>
    %dot_general3A_1254 = arith.constant dense<0.000000e+00> : vector<1x256xf32>
    %dot_general3A_1255 = tpu.matmul %while3A_606#0, %convert_element_type3A_1253, %dot_general3A_1254 {dimension_numbers = #tpu.dot_dimension_numbers<[1], [0], [0], [1], [0, 0, 1, 1], [], []>, transpose_lhs_hint = false} : vector<1x256xf32>, vector<256x256xf32>, vector<1x256xf32> -> vector<1x256xf32>
    %add3A_1256 = arith.addf %add3A_1214, %dot_general3A_1255 : vector<1x256xf32>
    %slice3A_1257 = vector.extract_strided_slice %min3A_7 {offsets = [0, 1536], sizes = [1, 256], strides = [1, 1]} : vector<1x2048xf32> to vector<1x256xf32>
    %max3A_1258 = vector.broadcast %slice3A_102 : vector<256x1xf32> to vector<256x256xf32>
    %max3A_1259 = vector.broadcast %slice3A_1257 : vector<1x256xf32> to vector<256x256xf32>
    %max3A_1260 = arith.maximumf %max3A_1258, %max3A_1259 : vector<256x256xf32>
    %slice3A_1261 = vector.extract_strided_slice %min3A_14 {offsets = [0, 1536], sizes = [1, 256], strides = [1, 1]} : vector<1x2048xf32> to vector<1x256xf32>
    %max3A_1262 = vector.broadcast %slice3A_103 : vector<256x1xf32> to vector<256x256xf32>
    %max3A_1263 = vector.broadcast %slice3A_1261 : vector<1x256xf32> to vector<256x256xf32>
    %max3A_1264 = arith.maximumf %max3A_1262, %max3A_1263 : vector<256x256xf32>
    %slice3A_1265 = vector.extract_strided_slice %min3A_21 {offsets = [0, 1536], sizes = [1, 256], strides = [1, 1]} : vector<1x2048xf32> to vector<1x256xf32>
    %min3A_1266 = vector.broadcast %slice3A_104 : vector<256x1xf32> to vector<256x256xf32>
    %min3A_1267 = vector.broadcast %slice3A_1265 : vector<1x256xf32> to vector<256x256xf32>
    %min3A_1268 = arith.minimumf %min3A_1266, %min3A_1267 : vector<256x256xf32>
    %slice3A_1269 = vector.extract_strided_slice %min3A_28 {offsets = [0, 1536], sizes = [1, 256], strides = [1, 1]} : vector<1x2048xf32> to vector<1x256xf32>
    %min3A_1270 = vector.broadcast %slice3A_105 : vector<256x1xf32> to vector<256x256xf32>
    %min3A_1271 = vector.broadcast %slice3A_1269 : vector<1x256xf32> to vector<256x256xf32>
    %min3A_1272 = arith.minimumf %min3A_1270, %min3A_1271 : vector<256x256xf32>
    %sub3A_1273 = arith.subf %min3A_1268, %max3A_1260 : vector<256x256xf32>
    %max3A_1274 = arith.constant 0.000000e+00 : f32
    %max3A_1275 = vector.broadcast %max3A_1274 : f32 to vector<256x256xf32>
    %max3A_1276 = arith.maximumf %sub3A_1273, %max3A_1275 : vector<256x256xf32>
    %sub3A_1277 = arith.subf %min3A_1272, %max3A_1264 : vector<256x256xf32>
    %max3A_1278 = arith.constant 0.000000e+00 : f32
    %max3A_1279 = vector.broadcast %max3A_1278 : f32 to vector<256x256xf32>
    %max3A_1280 = arith.maximumf %sub3A_1277, %max3A_1279 : vector<256x256xf32>
    %mul3A_1281 = arith.mulf %max3A_1276, %max3A_1280 : vector<256x256xf32>
    %slice3A_1282 = vector.extract_strided_slice %mul3A {offsets = [0, 1536], sizes = [1, 256], strides = [1, 1]} : vector<1x2048xf32> to vector<1x256xf32>
    %add3A_1283 = vector.broadcast %mul3A_108 : vector<256x1xf32> to vector<256x256xf32>
    %add3A_1284 = vector.broadcast %slice3A_1282 : vector<1x256xf32> to vector<256x256xf32>
    %add3A_1285 = arith.addf %add3A_1283, %add3A_1284 : vector<256x256xf32>
    %sub3A_1286 = arith.subf %add3A_1285, %mul3A_1281 : vector<256x256xf32>
    %add3A_1287 = arith.constant 9.99999971E-10 : f32
    %add3A_1288 = vector.broadcast %add3A_1287 : f32 to vector<256x256xf32>
    %add3A_1289 = arith.addf %sub3A_1286, %add3A_1288 : vector<256x256xf32>
    %div3A_1290 = arith.divf %mul3A_1281, %add3A_1289 : vector<256x256xf32>
    %gt3A_1291 = arith.constant 0.699999988 : f32
    %gt3A_1292 = vector.broadcast %gt3A_1291 : f32 to vector<256x256xf32>
    %gt3A_1293 = arith.cmpf ogt, %div3A_1290, %gt3A_1292 : vector<256x256xf32>
    %convert_element_type3A_1294 = arith.extui %gt3A_1293 : vector<256x256xi1> to vector<256x256xi32>
    %convert_element_type3A_1295 = arith.sitofp %convert_element_type3A_1294 : vector<256x256xi32> to vector<256x256xf32>
    %dot_general3A_1296 = arith.constant dense<0.000000e+00> : vector<1x256xf32>
    %dot_general3A_1297 = tpu.matmul %while3A_825#0, %convert_element_type3A_1295, %dot_general3A_1296 {dimension_numbers = #tpu.dot_dimension_numbers<[1], [0], [0], [1], [0, 0, 1, 1], [], []>, transpose_lhs_hint = false} : vector<1x256xf32>, vector<256x256xf32>, vector<1x256xf32> -> vector<1x256xf32>
    %add3A_1298 = arith.addf %add3A_1256, %dot_general3A_1297 : vector<1x256xf32>
    %slice3A_1299 = vector.extract_strided_slice %min3A_7 {offsets = [0, 1536], sizes = [1, 256], strides = [1, 1]} : vector<1x2048xf32> to vector<1x256xf32>
    %max3A_1300 = vector.broadcast %slice3A_116 : vector<256x1xf32> to vector<256x256xf32>
    %max3A_1301 = vector.broadcast %slice3A_1299 : vector<1x256xf32> to vector<256x256xf32>
    %max3A_1302 = arith.maximumf %max3A_1300, %max3A_1301 : vector<256x256xf32>
    %slice3A_1303 = vector.extract_strided_slice %min3A_14 {offsets = [0, 1536], sizes = [1, 256], strides = [1, 1]} : vector<1x2048xf32> to vector<1x256xf32>
    %max3A_1304 = vector.broadcast %slice3A_117 : vector<256x1xf32> to vector<256x256xf32>
    %max3A_1305 = vector.broadcast %slice3A_1303 : vector<1x256xf32> to vector<256x256xf32>
    %max3A_1306 = arith.maximumf %max3A_1304, %max3A_1305 : vector<256x256xf32>
    %slice3A_1307 = vector.extract_strided_slice %min3A_21 {offsets = [0, 1536], sizes = [1, 256], strides = [1, 1]} : vector<1x2048xf32> to vector<1x256xf32>
    %min3A_1308 = vector.broadcast %slice3A_118 : vector<256x1xf32> to vector<256x256xf32>
    %min3A_1309 = vector.broadcast %slice3A_1307 : vector<1x256xf32> to vector<256x256xf32>
    %min3A_1310 = arith.minimumf %min3A_1308, %min3A_1309 : vector<256x256xf32>
    %slice3A_1311 = vector.extract_strided_slice %min3A_28 {offsets = [0, 1536], sizes = [1, 256], strides = [1, 1]} : vector<1x2048xf32> to vector<1x256xf32>
    %min3A_1312 = vector.broadcast %slice3A_119 : vector<256x1xf32> to vector<256x256xf32>
    %min3A_1313 = vector.broadcast %slice3A_1311 : vector<1x256xf32> to vector<256x256xf32>
    %min3A_1314 = arith.minimumf %min3A_1312, %min3A_1313 : vector<256x256xf32>
    %sub3A_1315 = arith.subf %min3A_1310, %max3A_1302 : vector<256x256xf32>
    %max3A_1316 = arith.constant 0.000000e+00 : f32
    %max3A_1317 = vector.broadcast %max3A_1316 : f32 to vector<256x256xf32>
    %max3A_1318 = arith.maximumf %sub3A_1315, %max3A_1317 : vector<256x256xf32>
    %sub3A_1319 = arith.subf %min3A_1314, %max3A_1306 : vector<256x256xf32>
    %max3A_1320 = arith.constant 0.000000e+00 : f32
    %max3A_1321 = vector.broadcast %max3A_1320 : f32 to vector<256x256xf32>
    %max3A_1322 = arith.maximumf %sub3A_1319, %max3A_1321 : vector<256x256xf32>
    %mul3A_1323 = arith.mulf %max3A_1318, %max3A_1322 : vector<256x256xf32>
    %slice3A_1324 = vector.extract_strided_slice %mul3A {offsets = [0, 1536], sizes = [1, 256], strides = [1, 1]} : vector<1x2048xf32> to vector<1x256xf32>
    %add3A_1325 = vector.broadcast %mul3A_122 : vector<256x1xf32> to vector<256x256xf32>
    %add3A_1326 = vector.broadcast %slice3A_1324 : vector<1x256xf32> to vector<256x256xf32>
    %add3A_1327 = arith.addf %add3A_1325, %add3A_1326 : vector<256x256xf32>
    %sub3A_1328 = arith.subf %add3A_1327, %mul3A_1323 : vector<256x256xf32>
    %add3A_1329 = arith.constant 9.99999971E-10 : f32
    %add3A_1330 = vector.broadcast %add3A_1329 : f32 to vector<256x256xf32>
    %add3A_1331 = arith.addf %sub3A_1328, %add3A_1330 : vector<256x256xf32>
    %div3A_1332 = arith.divf %mul3A_1323, %add3A_1331 : vector<256x256xf32>
    %gt3A_1333 = arith.constant 0.699999988 : f32
    %gt3A_1334 = vector.broadcast %gt3A_1333 : f32 to vector<256x256xf32>
    %gt3A_1335 = arith.cmpf ogt, %div3A_1332, %gt3A_1334 : vector<256x256xf32>
    %convert_element_type3A_1336 = arith.extui %gt3A_1335 : vector<256x256xi1> to vector<256x256xi32>
    %convert_element_type3A_1337 = arith.sitofp %convert_element_type3A_1336 : vector<256x256xi32> to vector<256x256xf32>
    %dot_general3A_1338 = arith.constant dense<0.000000e+00> : vector<1x256xf32>
    %dot_general3A_1339 = tpu.matmul %while3A_1086#0, %convert_element_type3A_1337, %dot_general3A_1338 {dimension_numbers = #tpu.dot_dimension_numbers<[1], [0], [0], [1], [0, 0, 1, 1], [], []>, transpose_lhs_hint = false} : vector<1x256xf32>, vector<256x256xf32>, vector<1x256xf32> -> vector<1x256xf32>
    %add3A_1340 = arith.addf %add3A_1298, %dot_general3A_1339 : vector<1x256xf32>
    %slice3A_1341 = vector.extract_strided_slice %convert_element_type3A_38 {offsets = [0, 1536], sizes = [1, 256], strides = [1, 1]} : vector<1x2048xf32> to vector<1x256xf32>
    %eq3A_1342 = arith.constant 0.000000e+00 : f32
    %eq3A_1343 = vector.broadcast %eq3A_1342 : f32 to vector<1x256xf32>
    %eq3A_1344 = arith.cmpf oeq, %add3A_1340, %eq3A_1343 : vector<1x256xf32>
    %convert_element_type3A_1345 = arith.extui %eq3A_1344 : vector<1x256xi1> to vector<1x256xi32>
    %convert_element_type3A_1346 = arith.sitofp %convert_element_type3A_1345 : vector<1x256xi32> to vector<1x256xf32>
    %mul3A_1347 = arith.mulf %slice3A_1341, %convert_element_type3A_1346 : vector<1x256xf32>
    %slice3A_1348 = vector.extract_strided_slice %min3A_7 {offsets = [0, 1536], sizes = [1, 256], strides = [1, 1]} : vector<1x2048xf32> to vector<1x256xf32>
    %max3A_1349 = vector.broadcast %slice3A_130 : vector<256x1xf32> to vector<256x256xf32>
    %max3A_1350 = vector.broadcast %slice3A_1348 : vector<1x256xf32> to vector<256x256xf32>
    %max3A_1351 = arith.maximumf %max3A_1349, %max3A_1350 : vector<256x256xf32>
    %slice3A_1352 = vector.extract_strided_slice %min3A_14 {offsets = [0, 1536], sizes = [1, 256], strides = [1, 1]} : vector<1x2048xf32> to vector<1x256xf32>
    %max3A_1353 = vector.broadcast %slice3A_131 : vector<256x1xf32> to vector<256x256xf32>
    %max3A_1354 = vector.broadcast %slice3A_1352 : vector<1x256xf32> to vector<256x256xf32>
    %max3A_1355 = arith.maximumf %max3A_1353, %max3A_1354 : vector<256x256xf32>
    %slice3A_1356 = vector.extract_strided_slice %min3A_21 {offsets = [0, 1536], sizes = [1, 256], strides = [1, 1]} : vector<1x2048xf32> to vector<1x256xf32>
    %min3A_1357 = vector.broadcast %slice3A_132 : vector<256x1xf32> to vector<256x256xf32>
    %min3A_1358 = vector.broadcast %slice3A_1356 : vector<1x256xf32> to vector<256x256xf32>
    %min3A_1359 = arith.minimumf %min3A_1357, %min3A_1358 : vector<256x256xf32>
    %slice3A_1360 = vector.extract_strided_slice %min3A_28 {offsets = [0, 1536], sizes = [1, 256], strides = [1, 1]} : vector<1x2048xf32> to vector<1x256xf32>
    %min3A_1361 = vector.broadcast %slice3A_133 : vector<256x1xf32> to vector<256x256xf32>
    %min3A_1362 = vector.broadcast %slice3A_1360 : vector<1x256xf32> to vector<256x256xf32>
    %min3A_1363 = arith.minimumf %min3A_1361, %min3A_1362 : vector<256x256xf32>
    %sub3A_1364 = arith.subf %min3A_1359, %max3A_1351 : vector<256x256xf32>
    %max3A_1365 = arith.constant 0.000000e+00 : f32
    %max3A_1366 = vector.broadcast %max3A_1365 : f32 to vector<256x256xf32>
    %max3A_1367 = arith.maximumf %sub3A_1364, %max3A_1366 : vector<256x256xf32>
    %sub3A_1368 = arith.subf %min3A_1363, %max3A_1355 : vector<256x256xf32>
    %max3A_1369 = arith.constant 0.000000e+00 : f32
    %max3A_1370 = vector.broadcast %max3A_1369 : f32 to vector<256x256xf32>
    %max3A_1371 = arith.maximumf %sub3A_1368, %max3A_1370 : vector<256x256xf32>
    %mul3A_1372 = arith.mulf %max3A_1367, %max3A_1371 : vector<256x256xf32>
    %slice3A_1373 = vector.extract_strided_slice %mul3A {offsets = [0, 1536], sizes = [1, 256], strides = [1, 1]} : vector<1x2048xf32> to vector<1x256xf32>
    %add3A_1374 = vector.broadcast %mul3A_136 : vector<256x1xf32> to vector<256x256xf32>
    %add3A_1375 = vector.broadcast %slice3A_1373 : vector<1x256xf32> to vector<256x256xf32>
    %add3A_1376 = arith.addf %add3A_1374, %add3A_1375 : vector<256x256xf32>
    %sub3A_1377 = arith.subf %add3A_1376, %mul3A_1372 : vector<256x256xf32>
    %add3A_1378 = arith.constant 9.99999971E-10 : f32
    %add3A_1379 = vector.broadcast %add3A_1378 : f32 to vector<256x256xf32>
    %add3A_1380 = arith.addf %sub3A_1377, %add3A_1379 : vector<256x256xf32>
    %div3A_1381 = arith.divf %mul3A_1372, %add3A_1380 : vector<256x256xf32>
    %gt3A_1382 = arith.constant 0.699999988 : f32
    %gt3A_1383 = vector.broadcast %gt3A_1382 : f32 to vector<256x256xf32>
    %gt3A_1384 = arith.cmpf ogt, %div3A_1381, %gt3A_1383 : vector<256x256xf32>
    %convert_element_type3A_1385 = arith.extui %gt3A_1384 : vector<256x256xi1> to vector<256x256xi32>
    %convert_element_type3A_1386 = arith.sitofp %convert_element_type3A_1385 : vector<256x256xi32> to vector<256x256xf32>
    %mul3A_1387 = arith.mulf %convert_element_type3A_1386, %convert_element_type3A_155 : vector<256x256xf32>
    %while3A_1388 = arith.constant true
    %while3A_1389:2 = scf.while (%while3A_1893 = %mul3A_1347, %while3A_1894 = %while3A_1388) : (vector<1x256xf32>, i1) -> (vector<1x256xf32>, i1) {
      scf.condition(%while3A_1894) %while3A_1893, %while3A_1894 : vector<1x256xf32>, i1
    } do {
    ^bb0(%while3A_1893: vector<1x256xf32>, %while3A_1894: i1):
      %dot_general3A_1895 = arith.constant dense<0.000000e+00> : vector<1x256xf32>
      %dot_general3A_1896 = tpu.matmul %while3A_1893, %mul3A_1387, %dot_general3A_1895 {dimension_numbers = #tpu.dot_dimension_numbers<[1], [0], [0], [1], [0, 0, 1, 1], [], []>, transpose_lhs_hint = false} : vector<1x256xf32>, vector<256x256xf32>, vector<1x256xf32> -> vector<1x256xf32>
      %eq3A_1897 = arith.constant 0.000000e+00 : f32
      %eq3A_1898 = vector.broadcast %eq3A_1897 : f32 to vector<1x256xf32>
      %eq3A_1899 = arith.cmpf oeq, %dot_general3A_1896, %eq3A_1898 : vector<1x256xf32>
      %convert_element_type3A_1900 = arith.extui %eq3A_1899 : vector<1x256xi1> to vector<1x256xi32>
      %convert_element_type3A_1901 = arith.sitofp %convert_element_type3A_1900 : vector<1x256xi32> to vector<1x256xf32>
      %mul3A_1902 = arith.mulf %mul3A_1347, %convert_element_type3A_1901 : vector<1x256xf32>
      %ne3A = arith.cmpf one, %mul3A_1902, %while3A_1893 : vector<1x256xf32>
      %reduce_or3A = arith.constant 1.000000e+00 : f32
      %reduce_or3A_1903 = arith.constant 0.000000e+00 : f32
      %reduce_or3A_1904 = vector.broadcast %reduce_or3A : f32 to vector<1x256xf32>
      %reduce_or3A_1905 = vector.broadcast %reduce_or3A_1903 : f32 to vector<1x256xf32>
      %reduce_or3A_1906 = arith.select %ne3A, %reduce_or3A_1904, %reduce_or3A_1905 : vector<1x256xi1>, vector<1x256xf32>
      %reduce_or3A_1907 = vector.shape_cast %reduce_or3A_1906 : vector<1x256xf32> to vector<1x1x256xf32>
      %reduce_or3A_1908 = arith.constant dense<0xFF800000> : vector<1xf32>
      %reduce_or3A_1909 = vector.multi_reduction <maximumf>, %reduce_or3A_1907, %reduce_or3A_1908 [1, 2] : vector<1x1x256xf32> to vector<1xf32>
      %reduce_or3A_1910 = vector.shape_cast %reduce_or3A_1909 : vector<1xf32> to vector<1x1x1xf32>
      %reduce_or3A_1911 = vector.extract %reduce_or3A_1910[0, 0, 0] : f32 from vector<1x1x1xf32>
      %reduce_or3A_1912 = arith.constant 0.000000e+00 : f32
      %reduce_or3A_1913 = arith.cmpf ogt, %reduce_or3A_1911, %reduce_or3A_1912 : f32
      scf.yield %mul3A_1902, %reduce_or3A_1913 : vector<1x256xf32>, i1
    }
    %broadcast_in_dim3A_1390 = arith.constant 0.000000e+00 : f32
    %broadcast_in_dim3A_1391 = vector.broadcast %broadcast_in_dim3A_1390 : f32 to vector<1x256xf32>
    %slice3A_1392 = vector.extract_strided_slice %min3A_7 {offsets = [0, 1792], sizes = [1, 256], strides = [1, 1]} : vector<1x2048xf32> to vector<1x256xf32>
    %max3A_1393 = vector.broadcast %slice3A_46 : vector<256x1xf32> to vector<256x256xf32>
    %max3A_1394 = vector.broadcast %slice3A_1392 : vector<1x256xf32> to vector<256x256xf32>
    %max3A_1395 = arith.maximumf %max3A_1393, %max3A_1394 : vector<256x256xf32>
    %slice3A_1396 = vector.extract_strided_slice %min3A_14 {offsets = [0, 1792], sizes = [1, 256], strides = [1, 1]} : vector<1x2048xf32> to vector<1x256xf32>
    %max3A_1397 = vector.broadcast %slice3A_47 : vector<256x1xf32> to vector<256x256xf32>
    %max3A_1398 = vector.broadcast %slice3A_1396 : vector<1x256xf32> to vector<256x256xf32>
    %max3A_1399 = arith.maximumf %max3A_1397, %max3A_1398 : vector<256x256xf32>
    %slice3A_1400 = vector.extract_strided_slice %min3A_21 {offsets = [0, 1792], sizes = [1, 256], strides = [1, 1]} : vector<1x2048xf32> to vector<1x256xf32>
    %min3A_1401 = vector.broadcast %slice3A_48 : vector<256x1xf32> to vector<256x256xf32>
    %min3A_1402 = vector.broadcast %slice3A_1400 : vector<1x256xf32> to vector<256x256xf32>
    %min3A_1403 = arith.minimumf %min3A_1401, %min3A_1402 : vector<256x256xf32>
    %slice3A_1404 = vector.extract_strided_slice %min3A_28 {offsets = [0, 1792], sizes = [1, 256], strides = [1, 1]} : vector<1x2048xf32> to vector<1x256xf32>
    %min3A_1405 = vector.broadcast %slice3A_49 : vector<256x1xf32> to vector<256x256xf32>
    %min3A_1406 = vector.broadcast %slice3A_1404 : vector<1x256xf32> to vector<256x256xf32>
    %min3A_1407 = arith.minimumf %min3A_1405, %min3A_1406 : vector<256x256xf32>
    %sub3A_1408 = arith.subf %min3A_1403, %max3A_1395 : vector<256x256xf32>
    %max3A_1409 = arith.constant 0.000000e+00 : f32
    %max3A_1410 = vector.broadcast %max3A_1409 : f32 to vector<256x256xf32>
    %max3A_1411 = arith.maximumf %sub3A_1408, %max3A_1410 : vector<256x256xf32>
    %sub3A_1412 = arith.subf %min3A_1407, %max3A_1399 : vector<256x256xf32>
    %max3A_1413 = arith.constant 0.000000e+00 : f32
    %max3A_1414 = vector.broadcast %max3A_1413 : f32 to vector<256x256xf32>
    %max3A_1415 = arith.maximumf %sub3A_1412, %max3A_1414 : vector<256x256xf32>
    %mul3A_1416 = arith.mulf %max3A_1411, %max3A_1415 : vector<256x256xf32>
    %slice3A_1417 = vector.extract_strided_slice %mul3A {offsets = [0, 1792], sizes = [1, 256], strides = [1, 1]} : vector<1x2048xf32> to vector<1x256xf32>
    %add3A_1418 = vector.broadcast %mul3A_52 : vector<256x1xf32> to vector<256x256xf32>
    %add3A_1419 = vector.broadcast %slice3A_1417 : vector<1x256xf32> to vector<256x256xf32>
    %add3A_1420 = arith.addf %add3A_1418, %add3A_1419 : vector<256x256xf32>
    %sub3A_1421 = arith.subf %add3A_1420, %mul3A_1416 : vector<256x256xf32>
    %add3A_1422 = arith.constant 9.99999971E-10 : f32
    %add3A_1423 = vector.broadcast %add3A_1422 : f32 to vector<256x256xf32>
    %add3A_1424 = arith.addf %sub3A_1421, %add3A_1423 : vector<256x256xf32>
    %div3A_1425 = arith.divf %mul3A_1416, %add3A_1424 : vector<256x256xf32>
    %gt3A_1426 = arith.constant 0.699999988 : f32
    %gt3A_1427 = vector.broadcast %gt3A_1426 : f32 to vector<256x256xf32>
    %gt3A_1428 = arith.cmpf ogt, %div3A_1425, %gt3A_1427 : vector<256x256xf32>
    %convert_element_type3A_1429 = arith.extui %gt3A_1428 : vector<256x256xi1> to vector<256x256xi32>
    %convert_element_type3A_1430 = arith.sitofp %convert_element_type3A_1429 : vector<256x256xi32> to vector<256x256xf32>
    %dot_general3A_1431 = arith.constant dense<0.000000e+00> : vector<1x256xf32>
    %dot_general3A_1432 = tpu.matmul %while3A_202#0, %convert_element_type3A_1430, %dot_general3A_1431 {dimension_numbers = #tpu.dot_dimension_numbers<[1], [0], [0], [1], [0, 0, 1, 1], [], []>, transpose_lhs_hint = false} : vector<1x256xf32>, vector<256x256xf32>, vector<1x256xf32> -> vector<1x256xf32>
    %add3A_1433 = arith.addf %broadcast_in_dim3A_1391, %dot_general3A_1432 : vector<1x256xf32>
    %slice3A_1434 = vector.extract_strided_slice %min3A_7 {offsets = [0, 1792], sizes = [1, 256], strides = [1, 1]} : vector<1x2048xf32> to vector<1x256xf32>
    %max3A_1435 = vector.broadcast %slice3A_60 : vector<256x1xf32> to vector<256x256xf32>
    %max3A_1436 = vector.broadcast %slice3A_1434 : vector<1x256xf32> to vector<256x256xf32>
    %max3A_1437 = arith.maximumf %max3A_1435, %max3A_1436 : vector<256x256xf32>
    %slice3A_1438 = vector.extract_strided_slice %min3A_14 {offsets = [0, 1792], sizes = [1, 256], strides = [1, 1]} : vector<1x2048xf32> to vector<1x256xf32>
    %max3A_1439 = vector.broadcast %slice3A_61 : vector<256x1xf32> to vector<256x256xf32>
    %max3A_1440 = vector.broadcast %slice3A_1438 : vector<1x256xf32> to vector<256x256xf32>
    %max3A_1441 = arith.maximumf %max3A_1439, %max3A_1440 : vector<256x256xf32>
    %slice3A_1442 = vector.extract_strided_slice %min3A_21 {offsets = [0, 1792], sizes = [1, 256], strides = [1, 1]} : vector<1x2048xf32> to vector<1x256xf32>
    %min3A_1443 = vector.broadcast %slice3A_62 : vector<256x1xf32> to vector<256x256xf32>
    %min3A_1444 = vector.broadcast %slice3A_1442 : vector<1x256xf32> to vector<256x256xf32>
    %min3A_1445 = arith.minimumf %min3A_1443, %min3A_1444 : vector<256x256xf32>
    %slice3A_1446 = vector.extract_strided_slice %min3A_28 {offsets = [0, 1792], sizes = [1, 256], strides = [1, 1]} : vector<1x2048xf32> to vector<1x256xf32>
    %min3A_1447 = vector.broadcast %slice3A_63 : vector<256x1xf32> to vector<256x256xf32>
    %min3A_1448 = vector.broadcast %slice3A_1446 : vector<1x256xf32> to vector<256x256xf32>
    %min3A_1449 = arith.minimumf %min3A_1447, %min3A_1448 : vector<256x256xf32>
    %sub3A_1450 = arith.subf %min3A_1445, %max3A_1437 : vector<256x256xf32>
    %max3A_1451 = arith.constant 0.000000e+00 : f32
    %max3A_1452 = vector.broadcast %max3A_1451 : f32 to vector<256x256xf32>
    %max3A_1453 = arith.maximumf %sub3A_1450, %max3A_1452 : vector<256x256xf32>
    %sub3A_1454 = arith.subf %min3A_1449, %max3A_1441 : vector<256x256xf32>
    %max3A_1455 = arith.constant 0.000000e+00 : f32
    %max3A_1456 = vector.broadcast %max3A_1455 : f32 to vector<256x256xf32>
    %max3A_1457 = arith.maximumf %sub3A_1454, %max3A_1456 : vector<256x256xf32>
    %mul3A_1458 = arith.mulf %max3A_1453, %max3A_1457 : vector<256x256xf32>
    %slice3A_1459 = vector.extract_strided_slice %mul3A {offsets = [0, 1792], sizes = [1, 256], strides = [1, 1]} : vector<1x2048xf32> to vector<1x256xf32>
    %add3A_1460 = vector.broadcast %mul3A_66 : vector<256x1xf32> to vector<256x256xf32>
    %add3A_1461 = vector.broadcast %slice3A_1459 : vector<1x256xf32> to vector<256x256xf32>
    %add3A_1462 = arith.addf %add3A_1460, %add3A_1461 : vector<256x256xf32>
    %sub3A_1463 = arith.subf %add3A_1462, %mul3A_1458 : vector<256x256xf32>
    %add3A_1464 = arith.constant 9.99999971E-10 : f32
    %add3A_1465 = vector.broadcast %add3A_1464 : f32 to vector<256x256xf32>
    %add3A_1466 = arith.addf %sub3A_1463, %add3A_1465 : vector<256x256xf32>
    %div3A_1467 = arith.divf %mul3A_1458, %add3A_1466 : vector<256x256xf32>
    %gt3A_1468 = arith.constant 0.699999988 : f32
    %gt3A_1469 = vector.broadcast %gt3A_1468 : f32 to vector<256x256xf32>
    %gt3A_1470 = arith.cmpf ogt, %div3A_1467, %gt3A_1469 : vector<256x256xf32>
    %convert_element_type3A_1471 = arith.extui %gt3A_1470 : vector<256x256xi1> to vector<256x256xi32>
    %convert_element_type3A_1472 = arith.sitofp %convert_element_type3A_1471 : vector<256x256xi32> to vector<256x256xf32>
    %dot_general3A_1473 = arith.constant dense<0.000000e+00> : vector<1x256xf32>
    %dot_general3A_1474 = tpu.matmul %while3A_294#0, %convert_element_type3A_1472, %dot_general3A_1473 {dimension_numbers = #tpu.dot_dimension_numbers<[1], [0], [0], [1], [0, 0, 1, 1], [], []>, transpose_lhs_hint = false} : vector<1x256xf32>, vector<256x256xf32>, vector<1x256xf32> -> vector<1x256xf32>
    %add3A_1475 = arith.addf %add3A_1433, %dot_general3A_1474 : vector<1x256xf32>
    %slice3A_1476 = vector.extract_strided_slice %min3A_7 {offsets = [0, 1792], sizes = [1, 256], strides = [1, 1]} : vector<1x2048xf32> to vector<1x256xf32>
    %max3A_1477 = vector.broadcast %slice3A_74 : vector<256x1xf32> to vector<256x256xf32>
    %max3A_1478 = vector.broadcast %slice3A_1476 : vector<1x256xf32> to vector<256x256xf32>
    %max3A_1479 = arith.maximumf %max3A_1477, %max3A_1478 : vector<256x256xf32>
    %slice3A_1480 = vector.extract_strided_slice %min3A_14 {offsets = [0, 1792], sizes = [1, 256], strides = [1, 1]} : vector<1x2048xf32> to vector<1x256xf32>
    %max3A_1481 = vector.broadcast %slice3A_75 : vector<256x1xf32> to vector<256x256xf32>
    %max3A_1482 = vector.broadcast %slice3A_1480 : vector<1x256xf32> to vector<256x256xf32>
    %max3A_1483 = arith.maximumf %max3A_1481, %max3A_1482 : vector<256x256xf32>
    %slice3A_1484 = vector.extract_strided_slice %min3A_21 {offsets = [0, 1792], sizes = [1, 256], strides = [1, 1]} : vector<1x2048xf32> to vector<1x256xf32>
    %min3A_1485 = vector.broadcast %slice3A_76 : vector<256x1xf32> to vector<256x256xf32>
    %min3A_1486 = vector.broadcast %slice3A_1484 : vector<1x256xf32> to vector<256x256xf32>
    %min3A_1487 = arith.minimumf %min3A_1485, %min3A_1486 : vector<256x256xf32>
    %slice3A_1488 = vector.extract_strided_slice %min3A_28 {offsets = [0, 1792], sizes = [1, 256], strides = [1, 1]} : vector<1x2048xf32> to vector<1x256xf32>
    %min3A_1489 = vector.broadcast %slice3A_77 : vector<256x1xf32> to vector<256x256xf32>
    %min3A_1490 = vector.broadcast %slice3A_1488 : vector<1x256xf32> to vector<256x256xf32>
    %min3A_1491 = arith.minimumf %min3A_1489, %min3A_1490 : vector<256x256xf32>
    %sub3A_1492 = arith.subf %min3A_1487, %max3A_1479 : vector<256x256xf32>
    %max3A_1493 = arith.constant 0.000000e+00 : f32
    %max3A_1494 = vector.broadcast %max3A_1493 : f32 to vector<256x256xf32>
    %max3A_1495 = arith.maximumf %sub3A_1492, %max3A_1494 : vector<256x256xf32>
    %sub3A_1496 = arith.subf %min3A_1491, %max3A_1483 : vector<256x256xf32>
    %max3A_1497 = arith.constant 0.000000e+00 : f32
    %max3A_1498 = vector.broadcast %max3A_1497 : f32 to vector<256x256xf32>
    %max3A_1499 = arith.maximumf %sub3A_1496, %max3A_1498 : vector<256x256xf32>
    %mul3A_1500 = arith.mulf %max3A_1495, %max3A_1499 : vector<256x256xf32>
    %slice3A_1501 = vector.extract_strided_slice %mul3A {offsets = [0, 1792], sizes = [1, 256], strides = [1, 1]} : vector<1x2048xf32> to vector<1x256xf32>
    %add3A_1502 = vector.broadcast %mul3A_80 : vector<256x1xf32> to vector<256x256xf32>
    %add3A_1503 = vector.broadcast %slice3A_1501 : vector<1x256xf32> to vector<256x256xf32>
    %add3A_1504 = arith.addf %add3A_1502, %add3A_1503 : vector<256x256xf32>
    %sub3A_1505 = arith.subf %add3A_1504, %mul3A_1500 : vector<256x256xf32>
    %add3A_1506 = arith.constant 9.99999971E-10 : f32
    %add3A_1507 = vector.broadcast %add3A_1506 : f32 to vector<256x256xf32>
    %add3A_1508 = arith.addf %sub3A_1505, %add3A_1507 : vector<256x256xf32>
    %div3A_1509 = arith.divf %mul3A_1500, %add3A_1508 : vector<256x256xf32>
    %gt3A_1510 = arith.constant 0.699999988 : f32
    %gt3A_1511 = vector.broadcast %gt3A_1510 : f32 to vector<256x256xf32>
    %gt3A_1512 = arith.cmpf ogt, %div3A_1509, %gt3A_1511 : vector<256x256xf32>
    %convert_element_type3A_1513 = arith.extui %gt3A_1512 : vector<256x256xi1> to vector<256x256xi32>
    %convert_element_type3A_1514 = arith.sitofp %convert_element_type3A_1513 : vector<256x256xi32> to vector<256x256xf32>
    %dot_general3A_1515 = arith.constant dense<0.000000e+00> : vector<1x256xf32>
    %dot_general3A_1516 = tpu.matmul %while3A_429#0, %convert_element_type3A_1514, %dot_general3A_1515 {dimension_numbers = #tpu.dot_dimension_numbers<[1], [0], [0], [1], [0, 0, 1, 1], [], []>, transpose_lhs_hint = false} : vector<1x256xf32>, vector<256x256xf32>, vector<1x256xf32> -> vector<1x256xf32>
    %add3A_1517 = arith.addf %add3A_1475, %dot_general3A_1516 : vector<1x256xf32>
    %slice3A_1518 = vector.extract_strided_slice %min3A_7 {offsets = [0, 1792], sizes = [1, 256], strides = [1, 1]} : vector<1x2048xf32> to vector<1x256xf32>
    %max3A_1519 = vector.broadcast %slice3A_88 : vector<256x1xf32> to vector<256x256xf32>
    %max3A_1520 = vector.broadcast %slice3A_1518 : vector<1x256xf32> to vector<256x256xf32>
    %max3A_1521 = arith.maximumf %max3A_1519, %max3A_1520 : vector<256x256xf32>
    %slice3A_1522 = vector.extract_strided_slice %min3A_14 {offsets = [0, 1792], sizes = [1, 256], strides = [1, 1]} : vector<1x2048xf32> to vector<1x256xf32>
    %max3A_1523 = vector.broadcast %slice3A_89 : vector<256x1xf32> to vector<256x256xf32>
    %max3A_1524 = vector.broadcast %slice3A_1522 : vector<1x256xf32> to vector<256x256xf32>
    %max3A_1525 = arith.maximumf %max3A_1523, %max3A_1524 : vector<256x256xf32>
    %slice3A_1526 = vector.extract_strided_slice %min3A_21 {offsets = [0, 1792], sizes = [1, 256], strides = [1, 1]} : vector<1x2048xf32> to vector<1x256xf32>
    %min3A_1527 = vector.broadcast %slice3A_90 : vector<256x1xf32> to vector<256x256xf32>
    %min3A_1528 = vector.broadcast %slice3A_1526 : vector<1x256xf32> to vector<256x256xf32>
    %min3A_1529 = arith.minimumf %min3A_1527, %min3A_1528 : vector<256x256xf32>
    %slice3A_1530 = vector.extract_strided_slice %min3A_28 {offsets = [0, 1792], sizes = [1, 256], strides = [1, 1]} : vector<1x2048xf32> to vector<1x256xf32>
    %min3A_1531 = vector.broadcast %slice3A_91 : vector<256x1xf32> to vector<256x256xf32>
    %min3A_1532 = vector.broadcast %slice3A_1530 : vector<1x256xf32> to vector<256x256xf32>
    %min3A_1533 = arith.minimumf %min3A_1531, %min3A_1532 : vector<256x256xf32>
    %sub3A_1534 = arith.subf %min3A_1529, %max3A_1521 : vector<256x256xf32>
    %max3A_1535 = arith.constant 0.000000e+00 : f32
    %max3A_1536 = vector.broadcast %max3A_1535 : f32 to vector<256x256xf32>
    %max3A_1537 = arith.maximumf %sub3A_1534, %max3A_1536 : vector<256x256xf32>
    %sub3A_1538 = arith.subf %min3A_1533, %max3A_1525 : vector<256x256xf32>
    %max3A_1539 = arith.constant 0.000000e+00 : f32
    %max3A_1540 = vector.broadcast %max3A_1539 : f32 to vector<256x256xf32>
    %max3A_1541 = arith.maximumf %sub3A_1538, %max3A_1540 : vector<256x256xf32>
    %mul3A_1542 = arith.mulf %max3A_1537, %max3A_1541 : vector<256x256xf32>
    %slice3A_1543 = vector.extract_strided_slice %mul3A {offsets = [0, 1792], sizes = [1, 256], strides = [1, 1]} : vector<1x2048xf32> to vector<1x256xf32>
    %add3A_1544 = vector.broadcast %mul3A_94 : vector<256x1xf32> to vector<256x256xf32>
    %add3A_1545 = vector.broadcast %slice3A_1543 : vector<1x256xf32> to vector<256x256xf32>
    %add3A_1546 = arith.addf %add3A_1544, %add3A_1545 : vector<256x256xf32>
    %sub3A_1547 = arith.subf %add3A_1546, %mul3A_1542 : vector<256x256xf32>
    %add3A_1548 = arith.constant 9.99999971E-10 : f32
    %add3A_1549 = vector.broadcast %add3A_1548 : f32 to vector<256x256xf32>
    %add3A_1550 = arith.addf %sub3A_1547, %add3A_1549 : vector<256x256xf32>
    %div3A_1551 = arith.divf %mul3A_1542, %add3A_1550 : vector<256x256xf32>
    %gt3A_1552 = arith.constant 0.699999988 : f32
    %gt3A_1553 = vector.broadcast %gt3A_1552 : f32 to vector<256x256xf32>
    %gt3A_1554 = arith.cmpf ogt, %div3A_1551, %gt3A_1553 : vector<256x256xf32>
    %convert_element_type3A_1555 = arith.extui %gt3A_1554 : vector<256x256xi1> to vector<256x256xi32>
    %convert_element_type3A_1556 = arith.sitofp %convert_element_type3A_1555 : vector<256x256xi32> to vector<256x256xf32>
    %dot_general3A_1557 = arith.constant dense<0.000000e+00> : vector<1x256xf32>
    %dot_general3A_1558 = tpu.matmul %while3A_606#0, %convert_element_type3A_1556, %dot_general3A_1557 {dimension_numbers = #tpu.dot_dimension_numbers<[1], [0], [0], [1], [0, 0, 1, 1], [], []>, transpose_lhs_hint = false} : vector<1x256xf32>, vector<256x256xf32>, vector<1x256xf32> -> vector<1x256xf32>
    %add3A_1559 = arith.addf %add3A_1517, %dot_general3A_1558 : vector<1x256xf32>
    %slice3A_1560 = vector.extract_strided_slice %min3A_7 {offsets = [0, 1792], sizes = [1, 256], strides = [1, 1]} : vector<1x2048xf32> to vector<1x256xf32>
    %max3A_1561 = vector.broadcast %slice3A_102 : vector<256x1xf32> to vector<256x256xf32>
    %max3A_1562 = vector.broadcast %slice3A_1560 : vector<1x256xf32> to vector<256x256xf32>
    %max3A_1563 = arith.maximumf %max3A_1561, %max3A_1562 : vector<256x256xf32>
    %slice3A_1564 = vector.extract_strided_slice %min3A_14 {offsets = [0, 1792], sizes = [1, 256], strides = [1, 1]} : vector<1x2048xf32> to vector<1x256xf32>
    %max3A_1565 = vector.broadcast %slice3A_103 : vector<256x1xf32> to vector<256x256xf32>
    %max3A_1566 = vector.broadcast %slice3A_1564 : vector<1x256xf32> to vector<256x256xf32>
    %max3A_1567 = arith.maximumf %max3A_1565, %max3A_1566 : vector<256x256xf32>
    %slice3A_1568 = vector.extract_strided_slice %min3A_21 {offsets = [0, 1792], sizes = [1, 256], strides = [1, 1]} : vector<1x2048xf32> to vector<1x256xf32>
    %min3A_1569 = vector.broadcast %slice3A_104 : vector<256x1xf32> to vector<256x256xf32>
    %min3A_1570 = vector.broadcast %slice3A_1568 : vector<1x256xf32> to vector<256x256xf32>
    %min3A_1571 = arith.minimumf %min3A_1569, %min3A_1570 : vector<256x256xf32>
    %slice3A_1572 = vector.extract_strided_slice %min3A_28 {offsets = [0, 1792], sizes = [1, 256], strides = [1, 1]} : vector<1x2048xf32> to vector<1x256xf32>
    %min3A_1573 = vector.broadcast %slice3A_105 : vector<256x1xf32> to vector<256x256xf32>
    %min3A_1574 = vector.broadcast %slice3A_1572 : vector<1x256xf32> to vector<256x256xf32>
    %min3A_1575 = arith.minimumf %min3A_1573, %min3A_1574 : vector<256x256xf32>
    %sub3A_1576 = arith.subf %min3A_1571, %max3A_1563 : vector<256x256xf32>
    %max3A_1577 = arith.constant 0.000000e+00 : f32
    %max3A_1578 = vector.broadcast %max3A_1577 : f32 to vector<256x256xf32>
    %max3A_1579 = arith.maximumf %sub3A_1576, %max3A_1578 : vector<256x256xf32>
    %sub3A_1580 = arith.subf %min3A_1575, %max3A_1567 : vector<256x256xf32>
    %max3A_1581 = arith.constant 0.000000e+00 : f32
    %max3A_1582 = vector.broadcast %max3A_1581 : f32 to vector<256x256xf32>
    %max3A_1583 = arith.maximumf %sub3A_1580, %max3A_1582 : vector<256x256xf32>
    %mul3A_1584 = arith.mulf %max3A_1579, %max3A_1583 : vector<256x256xf32>
    %slice3A_1585 = vector.extract_strided_slice %mul3A {offsets = [0, 1792], sizes = [1, 256], strides = [1, 1]} : vector<1x2048xf32> to vector<1x256xf32>
    %add3A_1586 = vector.broadcast %mul3A_108 : vector<256x1xf32> to vector<256x256xf32>
    %add3A_1587 = vector.broadcast %slice3A_1585 : vector<1x256xf32> to vector<256x256xf32>
    %add3A_1588 = arith.addf %add3A_1586, %add3A_1587 : vector<256x256xf32>
    %sub3A_1589 = arith.subf %add3A_1588, %mul3A_1584 : vector<256x256xf32>
    %add3A_1590 = arith.constant 9.99999971E-10 : f32
    %add3A_1591 = vector.broadcast %add3A_1590 : f32 to vector<256x256xf32>
    %add3A_1592 = arith.addf %sub3A_1589, %add3A_1591 : vector<256x256xf32>
    %div3A_1593 = arith.divf %mul3A_1584, %add3A_1592 : vector<256x256xf32>
    %gt3A_1594 = arith.constant 0.699999988 : f32
    %gt3A_1595 = vector.broadcast %gt3A_1594 : f32 to vector<256x256xf32>
    %gt3A_1596 = arith.cmpf ogt, %div3A_1593, %gt3A_1595 : vector<256x256xf32>
    %convert_element_type3A_1597 = arith.extui %gt3A_1596 : vector<256x256xi1> to vector<256x256xi32>
    %convert_element_type3A_1598 = arith.sitofp %convert_element_type3A_1597 : vector<256x256xi32> to vector<256x256xf32>
    %dot_general3A_1599 = arith.constant dense<0.000000e+00> : vector<1x256xf32>
    %dot_general3A_1600 = tpu.matmul %while3A_825#0, %convert_element_type3A_1598, %dot_general3A_1599 {dimension_numbers = #tpu.dot_dimension_numbers<[1], [0], [0], [1], [0, 0, 1, 1], [], []>, transpose_lhs_hint = false} : vector<1x256xf32>, vector<256x256xf32>, vector<1x256xf32> -> vector<1x256xf32>
    %add3A_1601 = arith.addf %add3A_1559, %dot_general3A_1600 : vector<1x256xf32>
    %slice3A_1602 = vector.extract_strided_slice %min3A_7 {offsets = [0, 1792], sizes = [1, 256], strides = [1, 1]} : vector<1x2048xf32> to vector<1x256xf32>
    %max3A_1603 = vector.broadcast %slice3A_116 : vector<256x1xf32> to vector<256x256xf32>
    %max3A_1604 = vector.broadcast %slice3A_1602 : vector<1x256xf32> to vector<256x256xf32>
    %max3A_1605 = arith.maximumf %max3A_1603, %max3A_1604 : vector<256x256xf32>
    %slice3A_1606 = vector.extract_strided_slice %min3A_14 {offsets = [0, 1792], sizes = [1, 256], strides = [1, 1]} : vector<1x2048xf32> to vector<1x256xf32>
    %max3A_1607 = vector.broadcast %slice3A_117 : vector<256x1xf32> to vector<256x256xf32>
    %max3A_1608 = vector.broadcast %slice3A_1606 : vector<1x256xf32> to vector<256x256xf32>
    %max3A_1609 = arith.maximumf %max3A_1607, %max3A_1608 : vector<256x256xf32>
    %slice3A_1610 = vector.extract_strided_slice %min3A_21 {offsets = [0, 1792], sizes = [1, 256], strides = [1, 1]} : vector<1x2048xf32> to vector<1x256xf32>
    %min3A_1611 = vector.broadcast %slice3A_118 : vector<256x1xf32> to vector<256x256xf32>
    %min3A_1612 = vector.broadcast %slice3A_1610 : vector<1x256xf32> to vector<256x256xf32>
    %min3A_1613 = arith.minimumf %min3A_1611, %min3A_1612 : vector<256x256xf32>
    %slice3A_1614 = vector.extract_strided_slice %min3A_28 {offsets = [0, 1792], sizes = [1, 256], strides = [1, 1]} : vector<1x2048xf32> to vector<1x256xf32>
    %min3A_1615 = vector.broadcast %slice3A_119 : vector<256x1xf32> to vector<256x256xf32>
    %min3A_1616 = vector.broadcast %slice3A_1614 : vector<1x256xf32> to vector<256x256xf32>
    %min3A_1617 = arith.minimumf %min3A_1615, %min3A_1616 : vector<256x256xf32>
    %sub3A_1618 = arith.subf %min3A_1613, %max3A_1605 : vector<256x256xf32>
    %max3A_1619 = arith.constant 0.000000e+00 : f32
    %max3A_1620 = vector.broadcast %max3A_1619 : f32 to vector<256x256xf32>
    %max3A_1621 = arith.maximumf %sub3A_1618, %max3A_1620 : vector<256x256xf32>
    %sub3A_1622 = arith.subf %min3A_1617, %max3A_1609 : vector<256x256xf32>
    %max3A_1623 = arith.constant 0.000000e+00 : f32
    %max3A_1624 = vector.broadcast %max3A_1623 : f32 to vector<256x256xf32>
    %max3A_1625 = arith.maximumf %sub3A_1622, %max3A_1624 : vector<256x256xf32>
    %mul3A_1626 = arith.mulf %max3A_1621, %max3A_1625 : vector<256x256xf32>
    %slice3A_1627 = vector.extract_strided_slice %mul3A {offsets = [0, 1792], sizes = [1, 256], strides = [1, 1]} : vector<1x2048xf32> to vector<1x256xf32>
    %add3A_1628 = vector.broadcast %mul3A_122 : vector<256x1xf32> to vector<256x256xf32>
    %add3A_1629 = vector.broadcast %slice3A_1627 : vector<1x256xf32> to vector<256x256xf32>
    %add3A_1630 = arith.addf %add3A_1628, %add3A_1629 : vector<256x256xf32>
    %sub3A_1631 = arith.subf %add3A_1630, %mul3A_1626 : vector<256x256xf32>
    %add3A_1632 = arith.constant 9.99999971E-10 : f32
    %add3A_1633 = vector.broadcast %add3A_1632 : f32 to vector<256x256xf32>
    %add3A_1634 = arith.addf %sub3A_1631, %add3A_1633 : vector<256x256xf32>
    %div3A_1635 = arith.divf %mul3A_1626, %add3A_1634 : vector<256x256xf32>
    %gt3A_1636 = arith.constant 0.699999988 : f32
    %gt3A_1637 = vector.broadcast %gt3A_1636 : f32 to vector<256x256xf32>
    %gt3A_1638 = arith.cmpf ogt, %div3A_1635, %gt3A_1637 : vector<256x256xf32>
    %convert_element_type3A_1639 = arith.extui %gt3A_1638 : vector<256x256xi1> to vector<256x256xi32>
    %convert_element_type3A_1640 = arith.sitofp %convert_element_type3A_1639 : vector<256x256xi32> to vector<256x256xf32>
    %dot_general3A_1641 = arith.constant dense<0.000000e+00> : vector<1x256xf32>
    %dot_general3A_1642 = tpu.matmul %while3A_1086#0, %convert_element_type3A_1640, %dot_general3A_1641 {dimension_numbers = #tpu.dot_dimension_numbers<[1], [0], [0], [1], [0, 0, 1, 1], [], []>, transpose_lhs_hint = false} : vector<1x256xf32>, vector<256x256xf32>, vector<1x256xf32> -> vector<1x256xf32>
    %add3A_1643 = arith.addf %add3A_1601, %dot_general3A_1642 : vector<1x256xf32>
    %slice3A_1644 = vector.extract_strided_slice %min3A_7 {offsets = [0, 1792], sizes = [1, 256], strides = [1, 1]} : vector<1x2048xf32> to vector<1x256xf32>
    %max3A_1645 = vector.broadcast %slice3A_130 : vector<256x1xf32> to vector<256x256xf32>
    %max3A_1646 = vector.broadcast %slice3A_1644 : vector<1x256xf32> to vector<256x256xf32>
    %max3A_1647 = arith.maximumf %max3A_1645, %max3A_1646 : vector<256x256xf32>
    %slice3A_1648 = vector.extract_strided_slice %min3A_14 {offsets = [0, 1792], sizes = [1, 256], strides = [1, 1]} : vector<1x2048xf32> to vector<1x256xf32>
    %max3A_1649 = vector.broadcast %slice3A_131 : vector<256x1xf32> to vector<256x256xf32>
    %max3A_1650 = vector.broadcast %slice3A_1648 : vector<1x256xf32> to vector<256x256xf32>
    %max3A_1651 = arith.maximumf %max3A_1649, %max3A_1650 : vector<256x256xf32>
    %slice3A_1652 = vector.extract_strided_slice %min3A_21 {offsets = [0, 1792], sizes = [1, 256], strides = [1, 1]} : vector<1x2048xf32> to vector<1x256xf32>
    %min3A_1653 = vector.broadcast %slice3A_132 : vector<256x1xf32> to vector<256x256xf32>
    %min3A_1654 = vector.broadcast %slice3A_1652 : vector<1x256xf32> to vector<256x256xf32>
    %min3A_1655 = arith.minimumf %min3A_1653, %min3A_1654 : vector<256x256xf32>
    %slice3A_1656 = vector.extract_strided_slice %min3A_28 {offsets = [0, 1792], sizes = [1, 256], strides = [1, 1]} : vector<1x2048xf32> to vector<1x256xf32>
    %min3A_1657 = vector.broadcast %slice3A_133 : vector<256x1xf32> to vector<256x256xf32>
    %min3A_1658 = vector.broadcast %slice3A_1656 : vector<1x256xf32> to vector<256x256xf32>
    %min3A_1659 = arith.minimumf %min3A_1657, %min3A_1658 : vector<256x256xf32>
    %sub3A_1660 = arith.subf %min3A_1655, %max3A_1647 : vector<256x256xf32>
    %max3A_1661 = arith.constant 0.000000e+00 : f32
    %max3A_1662 = vector.broadcast %max3A_1661 : f32 to vector<256x256xf32>
    %max3A_1663 = arith.maximumf %sub3A_1660, %max3A_1662 : vector<256x256xf32>
    %sub3A_1664 = arith.subf %min3A_1659, %max3A_1651 : vector<256x256xf32>
    %max3A_1665 = arith.constant 0.000000e+00 : f32
    %max3A_1666 = vector.broadcast %max3A_1665 : f32 to vector<256x256xf32>
    %max3A_1667 = arith.maximumf %sub3A_1664, %max3A_1666 : vector<256x256xf32>
    %mul3A_1668 = arith.mulf %max3A_1663, %max3A_1667 : vector<256x256xf32>
    %slice3A_1669 = vector.extract_strided_slice %mul3A {offsets = [0, 1792], sizes = [1, 256], strides = [1, 1]} : vector<1x2048xf32> to vector<1x256xf32>
    %add3A_1670 = vector.broadcast %mul3A_136 : vector<256x1xf32> to vector<256x256xf32>
    %add3A_1671 = vector.broadcast %slice3A_1669 : vector<1x256xf32> to vector<256x256xf32>
    %add3A_1672 = arith.addf %add3A_1670, %add3A_1671 : vector<256x256xf32>
    %sub3A_1673 = arith.subf %add3A_1672, %mul3A_1668 : vector<256x256xf32>
    %add3A_1674 = arith.constant 9.99999971E-10 : f32
    %add3A_1675 = vector.broadcast %add3A_1674 : f32 to vector<256x256xf32>
    %add3A_1676 = arith.addf %sub3A_1673, %add3A_1675 : vector<256x256xf32>
    %div3A_1677 = arith.divf %mul3A_1668, %add3A_1676 : vector<256x256xf32>
    %gt3A_1678 = arith.constant 0.699999988 : f32
    %gt3A_1679 = vector.broadcast %gt3A_1678 : f32 to vector<256x256xf32>
    %gt3A_1680 = arith.cmpf ogt, %div3A_1677, %gt3A_1679 : vector<256x256xf32>
    %convert_element_type3A_1681 = arith.extui %gt3A_1680 : vector<256x256xi1> to vector<256x256xi32>
    %convert_element_type3A_1682 = arith.sitofp %convert_element_type3A_1681 : vector<256x256xi32> to vector<256x256xf32>
    %dot_general3A_1683 = arith.constant dense<0.000000e+00> : vector<1x256xf32>
    %dot_general3A_1684 = tpu.matmul %while3A_1389#0, %convert_element_type3A_1682, %dot_general3A_1683 {dimension_numbers = #tpu.dot_dimension_numbers<[1], [0], [0], [1], [0, 0, 1, 1], [], []>, transpose_lhs_hint = false} : vector<1x256xf32>, vector<256x256xf32>, vector<1x256xf32> -> vector<1x256xf32>
    %add3A_1685 = arith.addf %add3A_1643, %dot_general3A_1684 : vector<1x256xf32>
    %slice3A_1686 = vector.extract_strided_slice %convert_element_type3A_38 {offsets = [0, 1792], sizes = [1, 256], strides = [1, 1]} : vector<1x2048xf32> to vector<1x256xf32>
    %eq3A_1687 = arith.constant 0.000000e+00 : f32
    %eq3A_1688 = vector.broadcast %eq3A_1687 : f32 to vector<1x256xf32>
    %eq3A_1689 = arith.cmpf oeq, %add3A_1685, %eq3A_1688 : vector<1x256xf32>
    %convert_element_type3A_1690 = arith.extui %eq3A_1689 : vector<1x256xi1> to vector<1x256xi32>
    %convert_element_type3A_1691 = arith.sitofp %convert_element_type3A_1690 : vector<1x256xi32> to vector<1x256xf32>
    %mul3A_1692 = arith.mulf %slice3A_1686, %convert_element_type3A_1691 : vector<1x256xf32>
    %slice3A_1693 = vector.extract_strided_slice %min3A_7 {offsets = [0, 1792], sizes = [1, 256], strides = [1, 1]} : vector<1x2048xf32> to vector<1x256xf32>
    %max3A_1694 = vector.broadcast %slice3A_144 : vector<256x1xf32> to vector<256x256xf32>
    %max3A_1695 = vector.broadcast %slice3A_1693 : vector<1x256xf32> to vector<256x256xf32>
    %max3A_1696 = arith.maximumf %max3A_1694, %max3A_1695 : vector<256x256xf32>
    %slice3A_1697 = vector.extract_strided_slice %min3A_14 {offsets = [0, 1792], sizes = [1, 256], strides = [1, 1]} : vector<1x2048xf32> to vector<1x256xf32>
    %max3A_1698 = vector.broadcast %slice3A_145 : vector<256x1xf32> to vector<256x256xf32>
    %max3A_1699 = vector.broadcast %slice3A_1697 : vector<1x256xf32> to vector<256x256xf32>
    %max3A_1700 = arith.maximumf %max3A_1698, %max3A_1699 : vector<256x256xf32>
    %slice3A_1701 = vector.extract_strided_slice %min3A_21 {offsets = [0, 1792], sizes = [1, 256], strides = [1, 1]} : vector<1x2048xf32> to vector<1x256xf32>
    %min3A_1702 = vector.broadcast %slice3A_146 : vector<256x1xf32> to vector<256x256xf32>
    %min3A_1703 = vector.broadcast %slice3A_1701 : vector<1x256xf32> to vector<256x256xf32>
    %min3A_1704 = arith.minimumf %min3A_1702, %min3A_1703 : vector<256x256xf32>
    %slice3A_1705 = vector.extract_strided_slice %min3A_28 {offsets = [0, 1792], sizes = [1, 256], strides = [1, 1]} : vector<1x2048xf32> to vector<1x256xf32>
    %min3A_1706 = vector.broadcast %slice3A_147 : vector<256x1xf32> to vector<256x256xf32>
    %min3A_1707 = vector.broadcast %slice3A_1705 : vector<1x256xf32> to vector<256x256xf32>
    %min3A_1708 = arith.minimumf %min3A_1706, %min3A_1707 : vector<256x256xf32>
    %sub3A_1709 = arith.subf %min3A_1704, %max3A_1696 : vector<256x256xf32>
    %max3A_1710 = arith.constant 0.000000e+00 : f32
    %max3A_1711 = vector.broadcast %max3A_1710 : f32 to vector<256x256xf32>
    %max3A_1712 = arith.maximumf %sub3A_1709, %max3A_1711 : vector<256x256xf32>
    %sub3A_1713 = arith.subf %min3A_1708, %max3A_1700 : vector<256x256xf32>
    %max3A_1714 = arith.constant 0.000000e+00 : f32
    %max3A_1715 = vector.broadcast %max3A_1714 : f32 to vector<256x256xf32>
    %max3A_1716 = arith.maximumf %sub3A_1713, %max3A_1715 : vector<256x256xf32>
    %mul3A_1717 = arith.mulf %max3A_1712, %max3A_1716 : vector<256x256xf32>
    %slice3A_1718 = vector.extract_strided_slice %mul3A {offsets = [0, 1792], sizes = [1, 256], strides = [1, 1]} : vector<1x2048xf32> to vector<1x256xf32>
    %add3A_1719 = vector.broadcast %mul3A_150 : vector<256x1xf32> to vector<256x256xf32>
    %add3A_1720 = vector.broadcast %slice3A_1718 : vector<1x256xf32> to vector<256x256xf32>
    %add3A_1721 = arith.addf %add3A_1719, %add3A_1720 : vector<256x256xf32>
    %sub3A_1722 = arith.subf %add3A_1721, %mul3A_1717 : vector<256x256xf32>
    %add3A_1723 = arith.constant 9.99999971E-10 : f32
    %add3A_1724 = vector.broadcast %add3A_1723 : f32 to vector<256x256xf32>
    %add3A_1725 = arith.addf %sub3A_1722, %add3A_1724 : vector<256x256xf32>
    %div3A_1726 = arith.divf %mul3A_1717, %add3A_1725 : vector<256x256xf32>
    %gt3A_1727 = arith.constant 0.699999988 : f32
    %gt3A_1728 = vector.broadcast %gt3A_1727 : f32 to vector<256x256xf32>
    %gt3A_1729 = arith.cmpf ogt, %div3A_1726, %gt3A_1728 : vector<256x256xf32>
    %convert_element_type3A_1730 = arith.extui %gt3A_1729 : vector<256x256xi1> to vector<256x256xi32>
    %convert_element_type3A_1731 = arith.sitofp %convert_element_type3A_1730 : vector<256x256xi32> to vector<256x256xf32>
    %mul3A_1732 = arith.mulf %convert_element_type3A_1731, %convert_element_type3A_155 : vector<256x256xf32>
    %while3A_1733 = arith.constant true
    %while3A_1734:2 = scf.while (%while3A_1893 = %mul3A_1692, %while3A_1894 = %while3A_1733) : (vector<1x256xf32>, i1) -> (vector<1x256xf32>, i1) {
      scf.condition(%while3A_1894) %while3A_1893, %while3A_1894 : vector<1x256xf32>, i1
    } do {
    ^bb0(%while3A_1893: vector<1x256xf32>, %while3A_1894: i1):
      %dot_general3A_1895 = arith.constant dense<0.000000e+00> : vector<1x256xf32>
      %dot_general3A_1896 = tpu.matmul %while3A_1893, %mul3A_1732, %dot_general3A_1895 {dimension_numbers = #tpu.dot_dimension_numbers<[1], [0], [0], [1], [0, 0, 1, 1], [], []>, transpose_lhs_hint = false} : vector<1x256xf32>, vector<256x256xf32>, vector<1x256xf32> -> vector<1x256xf32>
      %eq3A_1897 = arith.constant 0.000000e+00 : f32
      %eq3A_1898 = vector.broadcast %eq3A_1897 : f32 to vector<1x256xf32>
      %eq3A_1899 = arith.cmpf oeq, %dot_general3A_1896, %eq3A_1898 : vector<1x256xf32>
      %convert_element_type3A_1900 = arith.extui %eq3A_1899 : vector<1x256xi1> to vector<1x256xi32>
      %convert_element_type3A_1901 = arith.sitofp %convert_element_type3A_1900 : vector<1x256xi32> to vector<1x256xf32>
      %mul3A_1902 = arith.mulf %mul3A_1692, %convert_element_type3A_1901 : vector<1x256xf32>
      %ne3A = arith.cmpf one, %mul3A_1902, %while3A_1893 : vector<1x256xf32>
      %reduce_or3A = arith.constant 1.000000e+00 : f32
      %reduce_or3A_1903 = arith.constant 0.000000e+00 : f32
      %reduce_or3A_1904 = vector.broadcast %reduce_or3A : f32 to vector<1x256xf32>
      %reduce_or3A_1905 = vector.broadcast %reduce_or3A_1903 : f32 to vector<1x256xf32>
      %reduce_or3A_1906 = arith.select %ne3A, %reduce_or3A_1904, %reduce_or3A_1905 : vector<1x256xi1>, vector<1x256xf32>
      %reduce_or3A_1907 = vector.shape_cast %reduce_or3A_1906 : vector<1x256xf32> to vector<1x1x256xf32>
      %reduce_or3A_1908 = arith.constant dense<0xFF800000> : vector<1xf32>
      %reduce_or3A_1909 = vector.multi_reduction <maximumf>, %reduce_or3A_1907, %reduce_or3A_1908 [1, 2] : vector<1x1x256xf32> to vector<1xf32>
      %reduce_or3A_1910 = vector.shape_cast %reduce_or3A_1909 : vector<1xf32> to vector<1x1x1xf32>
      %reduce_or3A_1911 = vector.extract %reduce_or3A_1910[0, 0, 0] : f32 from vector<1x1x1xf32>
      %reduce_or3A_1912 = arith.constant 0.000000e+00 : f32
      %reduce_or3A_1913 = arith.cmpf ogt, %reduce_or3A_1911, %reduce_or3A_1912 : f32
      scf.yield %mul3A_1902, %reduce_or3A_1913 : vector<1x256xf32>, i1
    }
    %dot_general3A_1735 = arith.constant dense<0.000000e+00> : vector<1x256xf32>
    %dot_general3A_1736 = tpu.matmul %while3A_202#0, %convert_element_type3A_157, %dot_general3A_1735 {dimension_numbers = #tpu.dot_dimension_numbers<[1], [0], [0], [1], [0, 0, 1, 1], [], []>, transpose_lhs_hint = false} : vector<1x256xf32>, vector<256x256xf32>, vector<1x256xf32> -> vector<1x256xf32>
    %add3A_1737 = arith.constant 0.000000e+00 : f32
    %add3A_1738 = vector.broadcast %add3A_1737 : f32 to vector<1x256xf32>
    %add3A_1739 = arith.addf %dot_general3A_1736, %add3A_1738 : vector<1x256xf32>
    %reduce_sum3A = vector.shape_cast %while3A_202#0 : vector<1x256xf32> to vector<1x1x256xf32>
    %reduce_sum3A_1740 = arith.constant dense<0.000000e+00> : vector<1xf32>
    %reduce_sum3A_1741 = vector.multi_reduction <add>, %reduce_sum3A, %reduce_sum3A_1740 [1, 2] : vector<1x1x256xf32> to vector<1xf32>
    %reduce_sum3A_1742 = vector.shape_cast %reduce_sum3A_1741 : vector<1xf32> to vector<1x1x1xf32>
    %reduce_sum3A_1743 = vector.extract %reduce_sum3A_1742[0, 0, 0] : f32 from vector<1x1x1xf32>
    %add3A_1744 = arith.constant 0.000000e+00 : f32
    %add3A_1745 = arith.addf %add3A_1744, %reduce_sum3A_1743 : f32
    %dot_general3A_1746 = arith.constant dense<0.000000e+00> : vector<1x256xf32>
    %dot_general3A_1747 = tpu.matmul %while3A_294#0, %convert_element_type3A_157, %dot_general3A_1746 {dimension_numbers = #tpu.dot_dimension_numbers<[1], [0], [0], [1], [0, 0, 1, 1], [], []>, transpose_lhs_hint = false} : vector<1x256xf32>, vector<256x256xf32>, vector<1x256xf32> -> vector<1x256xf32>
    %add3A_1748 = vector.broadcast %add3A_1745 : f32 to vector<1x256xf32>
    %add3A_1749 = arith.addf %dot_general3A_1747, %add3A_1748 : vector<1x256xf32>
    %reduce_sum3A_1750 = vector.shape_cast %while3A_294#0 : vector<1x256xf32> to vector<1x1x256xf32>
    %reduce_sum3A_1751 = arith.constant dense<0.000000e+00> : vector<1xf32>
    %reduce_sum3A_1752 = vector.multi_reduction <add>, %reduce_sum3A_1750, %reduce_sum3A_1751 [1, 2] : vector<1x1x256xf32> to vector<1xf32>
    %reduce_sum3A_1753 = vector.shape_cast %reduce_sum3A_1752 : vector<1xf32> to vector<1x1x1xf32>
    %reduce_sum3A_1754 = vector.extract %reduce_sum3A_1753[0, 0, 0] : f32 from vector<1x1x1xf32>
    %add3A_1755 = arith.addf %add3A_1745, %reduce_sum3A_1754 : f32
    %dot_general3A_1756 = arith.constant dense<0.000000e+00> : vector<1x256xf32>
    %dot_general3A_1757 = tpu.matmul %while3A_429#0, %convert_element_type3A_157, %dot_general3A_1756 {dimension_numbers = #tpu.dot_dimension_numbers<[1], [0], [0], [1], [0, 0, 1, 1], [], []>, transpose_lhs_hint = false} : vector<1x256xf32>, vector<256x256xf32>, vector<1x256xf32> -> vector<1x256xf32>
    %add3A_1758 = vector.broadcast %add3A_1755 : f32 to vector<1x256xf32>
    %add3A_1759 = arith.addf %dot_general3A_1757, %add3A_1758 : vector<1x256xf32>
    %reduce_sum3A_1760 = vector.shape_cast %while3A_429#0 : vector<1x256xf32> to vector<1x1x256xf32>
    %reduce_sum3A_1761 = arith.constant dense<0.000000e+00> : vector<1xf32>
    %reduce_sum3A_1762 = vector.multi_reduction <add>, %reduce_sum3A_1760, %reduce_sum3A_1761 [1, 2] : vector<1x1x256xf32> to vector<1xf32>
    %reduce_sum3A_1763 = vector.shape_cast %reduce_sum3A_1762 : vector<1xf32> to vector<1x1x1xf32>
    %reduce_sum3A_1764 = vector.extract %reduce_sum3A_1763[0, 0, 0] : f32 from vector<1x1x1xf32>
    %add3A_1765 = arith.addf %add3A_1755, %reduce_sum3A_1764 : f32
    %dot_general3A_1766 = arith.constant dense<0.000000e+00> : vector<1x256xf32>
    %dot_general3A_1767 = tpu.matmul %while3A_606#0, %convert_element_type3A_157, %dot_general3A_1766 {dimension_numbers = #tpu.dot_dimension_numbers<[1], [0], [0], [1], [0, 0, 1, 1], [], []>, transpose_lhs_hint = false} : vector<1x256xf32>, vector<256x256xf32>, vector<1x256xf32> -> vector<1x256xf32>
    %add3A_1768 = vector.broadcast %add3A_1765 : f32 to vector<1x256xf32>
    %add3A_1769 = arith.addf %dot_general3A_1767, %add3A_1768 : vector<1x256xf32>
    %reduce_sum3A_1770 = vector.shape_cast %while3A_606#0 : vector<1x256xf32> to vector<1x1x256xf32>
    %reduce_sum3A_1771 = arith.constant dense<0.000000e+00> : vector<1xf32>
    %reduce_sum3A_1772 = vector.multi_reduction <add>, %reduce_sum3A_1770, %reduce_sum3A_1771 [1, 2] : vector<1x1x256xf32> to vector<1xf32>
    %reduce_sum3A_1773 = vector.shape_cast %reduce_sum3A_1772 : vector<1xf32> to vector<1x1x1xf32>
    %reduce_sum3A_1774 = vector.extract %reduce_sum3A_1773[0, 0, 0] : f32 from vector<1x1x1xf32>
    %add3A_1775 = arith.addf %add3A_1765, %reduce_sum3A_1774 : f32
    %dot_general3A_1776 = arith.constant dense<0.000000e+00> : vector<1x256xf32>
    %dot_general3A_1777 = tpu.matmul %while3A_825#0, %convert_element_type3A_157, %dot_general3A_1776 {dimension_numbers = #tpu.dot_dimension_numbers<[1], [0], [0], [1], [0, 0, 1, 1], [], []>, transpose_lhs_hint = false} : vector<1x256xf32>, vector<256x256xf32>, vector<1x256xf32> -> vector<1x256xf32>
    %add3A_1778 = vector.broadcast %add3A_1775 : f32 to vector<1x256xf32>
    %add3A_1779 = arith.addf %dot_general3A_1777, %add3A_1778 : vector<1x256xf32>
    %reduce_sum3A_1780 = vector.shape_cast %while3A_825#0 : vector<1x256xf32> to vector<1x1x256xf32>
    %reduce_sum3A_1781 = arith.constant dense<0.000000e+00> : vector<1xf32>
    %reduce_sum3A_1782 = vector.multi_reduction <add>, %reduce_sum3A_1780, %reduce_sum3A_1781 [1, 2] : vector<1x1x256xf32> to vector<1xf32>
    %reduce_sum3A_1783 = vector.shape_cast %reduce_sum3A_1782 : vector<1xf32> to vector<1x1x1xf32>
    %reduce_sum3A_1784 = vector.extract %reduce_sum3A_1783[0, 0, 0] : f32 from vector<1x1x1xf32>
    %add3A_1785 = arith.addf %add3A_1775, %reduce_sum3A_1784 : f32
    %dot_general3A_1786 = arith.constant dense<0.000000e+00> : vector<1x256xf32>
    %dot_general3A_1787 = tpu.matmul %while3A_1086#0, %convert_element_type3A_157, %dot_general3A_1786 {dimension_numbers = #tpu.dot_dimension_numbers<[1], [0], [0], [1], [0, 0, 1, 1], [], []>, transpose_lhs_hint = false} : vector<1x256xf32>, vector<256x256xf32>, vector<1x256xf32> -> vector<1x256xf32>
    %add3A_1788 = vector.broadcast %add3A_1785 : f32 to vector<1x256xf32>
    %add3A_1789 = arith.addf %dot_general3A_1787, %add3A_1788 : vector<1x256xf32>
    %reduce_sum3A_1790 = vector.shape_cast %while3A_1086#0 : vector<1x256xf32> to vector<1x1x256xf32>
    %reduce_sum3A_1791 = arith.constant dense<0.000000e+00> : vector<1xf32>
    %reduce_sum3A_1792 = vector.multi_reduction <add>, %reduce_sum3A_1790, %reduce_sum3A_1791 [1, 2] : vector<1x1x256xf32> to vector<1xf32>
    %reduce_sum3A_1793 = vector.shape_cast %reduce_sum3A_1792 : vector<1xf32> to vector<1x1x1xf32>
    %reduce_sum3A_1794 = vector.extract %reduce_sum3A_1793[0, 0, 0] : f32 from vector<1x1x1xf32>
    %add3A_1795 = arith.addf %add3A_1785, %reduce_sum3A_1794 : f32
    %dot_general3A_1796 = arith.constant dense<0.000000e+00> : vector<1x256xf32>
    %dot_general3A_1797 = tpu.matmul %while3A_1389#0, %convert_element_type3A_157, %dot_general3A_1796 {dimension_numbers = #tpu.dot_dimension_numbers<[1], [0], [0], [1], [0, 0, 1, 1], [], []>, transpose_lhs_hint = false} : vector<1x256xf32>, vector<256x256xf32>, vector<1x256xf32> -> vector<1x256xf32>
    %add3A_1798 = vector.broadcast %add3A_1795 : f32 to vector<1x256xf32>
    %add3A_1799 = arith.addf %dot_general3A_1797, %add3A_1798 : vector<1x256xf32>
    %reduce_sum3A_1800 = vector.shape_cast %while3A_1389#0 : vector<1x256xf32> to vector<1x1x256xf32>
    %reduce_sum3A_1801 = arith.constant dense<0.000000e+00> : vector<1xf32>
    %reduce_sum3A_1802 = vector.multi_reduction <add>, %reduce_sum3A_1800, %reduce_sum3A_1801 [1, 2] : vector<1x1x256xf32> to vector<1xf32>
    %reduce_sum3A_1803 = vector.shape_cast %reduce_sum3A_1802 : vector<1xf32> to vector<1x1x1xf32>
    %reduce_sum3A_1804 = vector.extract %reduce_sum3A_1803[0, 0, 0] : f32 from vector<1x1x1xf32>
    %add3A_1805 = arith.addf %add3A_1795, %reduce_sum3A_1804 : f32
    %dot_general3A_1806 = arith.constant dense<0.000000e+00> : vector<1x256xf32>
    %dot_general3A_1807 = tpu.matmul %while3A_1734#0, %convert_element_type3A_157, %dot_general3A_1806 {dimension_numbers = #tpu.dot_dimension_numbers<[1], [0], [0], [1], [0, 0, 1, 1], [], []>, transpose_lhs_hint = false} : vector<1x256xf32>, vector<256x256xf32>, vector<1x256xf32> -> vector<1x256xf32>
    %add3A_1808 = vector.broadcast %add3A_1805 : f32 to vector<1x256xf32>
    %add3A_1809 = arith.addf %dot_general3A_1807, %add3A_1808 : vector<1x256xf32>
    %reduce_sum3A_1810 = vector.shape_cast %while3A_1734#0 : vector<1x256xf32> to vector<1x1x256xf32>
    %reduce_sum3A_1811 = arith.constant dense<0.000000e+00> : vector<1xf32>
    %reduce_sum3A_1812 = vector.multi_reduction <add>, %reduce_sum3A_1810, %reduce_sum3A_1811 [1, 2] : vector<1x1x256xf32> to vector<1xf32>
    %reduce_sum3A_1813 = vector.shape_cast %reduce_sum3A_1812 : vector<1xf32> to vector<1x1x1xf32>
    %reduce_sum3A_1814 = vector.extract %reduce_sum3A_1813[0, 0, 0] : f32 from vector<1x1x1xf32>
    %add3A_1815 = arith.addf %add3A_1805, %reduce_sum3A_1814 : f32
    %concatenate3A = tpu.concatenate %while3A_202#0, %while3A_294#0, %while3A_429#0, %while3A_606#0, %while3A_825#0, %while3A_1086#0, %while3A_1389#0, %while3A_1734#0 in 1 : vector<1x256xf32>, vector<1x256xf32>, vector<1x256xf32>, vector<1x256xf32>, vector<1x256xf32>, vector<1x256xf32>, vector<1x256xf32>, vector<1x256xf32> -> vector<1x2048xf32>
    %concatenate3A_1816 = tpu.concatenate %add3A_1739, %add3A_1749, %add3A_1759, %add3A_1769, %add3A_1779, %add3A_1789, %add3A_1799, %add3A_1809 in 1 : vector<1x256xf32>, vector<1x256xf32>, vector<1x256xf32>, vector<1x256xf32>, vector<1x256xf32>, vector<1x256xf32>, vector<1x256xf32>, vector<1x256xf32> -> vector<1x2048xf32>
    %iota3A_1817 = tpu.iota {dimensions = array<i32: 1>} : vector<1x2048xi32>
    %add3A_1818 = arith.constant 1 : i32
    %add3A_1819 = vector.broadcast %add3A_1818 : i32 to vector<1x2048xi32>
    %add3A_1820 = arith.addi %iota3A_1817, %add3A_1819 : vector<1x2048xi32>
    %convert_element_type3A_1821 = arith.sitofp %add3A_1820 : vector<1x2048xi32> to vector<1x2048xf32>
    %gt3A_1822 = arith.constant 0.000000e+00 : f32
    %gt3A_1823 = vector.broadcast %gt3A_1822 : f32 to vector<1x2048xf32>
    %gt3A_1824 = arith.cmpf ogt, %concatenate3A, %gt3A_1823 : vector<1x2048xf32>
    %sub3A_1825 = arith.constant 1.000000e+00 : f32
    %sub3A_1826 = vector.broadcast %sub3A_1825 : f32 to vector<1x2048xf32>
    %sub3A_1827 = arith.subf %concatenate3A_1816, %sub3A_1826 : vector<1x2048xf32>
    %sub3A_1828 = arith.subf %convert_element_type3A_1821, %concatenate3A_1816 : vector<1x2048xf32>
    %add3A_1829 = vector.broadcast %add3A_1815 : f32 to vector<1x2048xf32>
    %add3A_1830 = arith.addf %add3A_1829, %sub3A_1828 : vector<1x2048xf32>
    %sub3A_1831 = arith.constant 1.000000e+00 : f32
    %sub3A_1832 = vector.broadcast %sub3A_1831 : f32 to vector<1x2048xf32>
    %sub3A_1833 = arith.subf %add3A_1830, %sub3A_1832 : vector<1x2048xf32>
    %select_n3A = arith.select %gt3A_1824, %sub3A_1827, %sub3A_1833 : vector<1x2048xi1>, vector<1x2048xf32>
    %iota3A_1834 = tpu.iota {dimensions = array<i32: 0>} : vector<1024x2048xi32>
    %convert_element_type3A_1835 = arith.sitofp %iota3A_1834 : vector<1024x2048xi32> to vector<1024x2048xf32>
    %eq3A_1836 = vector.broadcast %select_n3A : vector<1x2048xf32> to vector<1024x2048xf32>
    %eq3A_1837 = arith.cmpf oeq, %convert_element_type3A_1835, %eq3A_1836 : vector<1024x2048xf32>
    %get3A_1838 = arith.constant 0 : index
    %get3A_1839 = arith.constant 0 : index
    %get3A_1840 = vector.load %arg2[%get3A_1838, %get3A_1839] : memref<1x2048xf32, #tpu.memory_space<vmem>>, vector<1x2048xf32>
    %jit3A_1841 = arith.constant -3.000000e+38 : f32
    %broadcast_in_dim3A_1842 = vector.shape_cast %min3A_7 : vector<1x2048xf32> to vector<1x2048xf32>
    %broadcast_in_dim3A_1843 = vector.broadcast %broadcast_in_dim3A_1842 : vector<1x2048xf32> to vector<1024x2048xf32>
    %broadcast_in_dim3A_1844 = vector.broadcast %jit3A_1841 : f32 to vector<1024x2048xf32>
    %select_n3A_1845 = arith.select %eq3A_1837, %broadcast_in_dim3A_1843, %broadcast_in_dim3A_1844 : vector<1024x2048xi1>, vector<1024x2048xf32>
    %reduce_max3A = arith.constant dense<0xFF800000> : vector<1024xf32>
    %reduce_max3A_1846 = vector.multi_reduction <maximumf>, %select_n3A_1845, %reduce_max3A [1] : vector<1024x2048xf32> to vector<1024xf32>
    %broadcast_in_dim3A_1847 = vector.shape_cast %reduce_max3A_1846 : vector<1024xf32> to vector<1024x1xf32>
    %jit3A_1848 = arith.constant -3.000000e+38 : f32
    %broadcast_in_dim3A_1849 = vector.shape_cast %min3A_14 : vector<1x2048xf32> to vector<1x2048xf32>
    %broadcast_in_dim3A_1850 = vector.broadcast %broadcast_in_dim3A_1849 : vector<1x2048xf32> to vector<1024x2048xf32>
    %broadcast_in_dim3A_1851 = vector.broadcast %jit3A_1848 : f32 to vector<1024x2048xf32>
    %select_n3A_1852 = arith.select %eq3A_1837, %broadcast_in_dim3A_1850, %broadcast_in_dim3A_1851 : vector<1024x2048xi1>, vector<1024x2048xf32>
    %reduce_max3A_1853 = arith.constant dense<0xFF800000> : vector<1024xf32>
    %reduce_max3A_1854 = vector.multi_reduction <maximumf>, %select_n3A_1852, %reduce_max3A_1853 [1] : vector<1024x2048xf32> to vector<1024xf32>
    %broadcast_in_dim3A_1855 = vector.shape_cast %reduce_max3A_1854 : vector<1024xf32> to vector<1024x1xf32>
    %jit3A_1856 = arith.constant -3.000000e+38 : f32
    %broadcast_in_dim3A_1857 = vector.shape_cast %min3A_21 : vector<1x2048xf32> to vector<1x2048xf32>
    %broadcast_in_dim3A_1858 = vector.broadcast %broadcast_in_dim3A_1857 : vector<1x2048xf32> to vector<1024x2048xf32>
    %broadcast_in_dim3A_1859 = vector.broadcast %jit3A_1856 : f32 to vector<1024x2048xf32>
    %select_n3A_1860 = arith.select %eq3A_1837, %broadcast_in_dim3A_1858, %broadcast_in_dim3A_1859 : vector<1024x2048xi1>, vector<1024x2048xf32>
    %reduce_max3A_1861 = arith.constant dense<0xFF800000> : vector<1024xf32>
    %reduce_max3A_1862 = vector.multi_reduction <maximumf>, %select_n3A_1860, %reduce_max3A_1861 [1] : vector<1024x2048xf32> to vector<1024xf32>
    %broadcast_in_dim3A_1863 = vector.shape_cast %reduce_max3A_1862 : vector<1024xf32> to vector<1024x1xf32>
    %jit3A_1864 = arith.constant -3.000000e+38 : f32
    %broadcast_in_dim3A_1865 = vector.shape_cast %min3A_28 : vector<1x2048xf32> to vector<1x2048xf32>
    %broadcast_in_dim3A_1866 = vector.broadcast %broadcast_in_dim3A_1865 : vector<1x2048xf32> to vector<1024x2048xf32>
    %broadcast_in_dim3A_1867 = vector.broadcast %jit3A_1864 : f32 to vector<1024x2048xf32>
    %select_n3A_1868 = arith.select %eq3A_1837, %broadcast_in_dim3A_1866, %broadcast_in_dim3A_1867 : vector<1024x2048xi1>, vector<1024x2048xf32>
    %reduce_max3A_1869 = arith.constant dense<0xFF800000> : vector<1024xf32>
    %reduce_max3A_1870 = vector.multi_reduction <maximumf>, %select_n3A_1868, %reduce_max3A_1869 [1] : vector<1024x2048xf32> to vector<1024xf32>
    %broadcast_in_dim3A_1871 = vector.shape_cast %reduce_max3A_1870 : vector<1024xf32> to vector<1024x1xf32>
    %jit3A_1872 = arith.constant -3.000000e+38 : f32
    %broadcast_in_dim3A_1873 = vector.shape_cast %get3A_1840 : vector<1x2048xf32> to vector<1x2048xf32>
    %broadcast_in_dim3A_1874 = vector.broadcast %broadcast_in_dim3A_1873 : vector<1x2048xf32> to vector<1024x2048xf32>
    %broadcast_in_dim3A_1875 = vector.broadcast %jit3A_1872 : f32 to vector<1024x2048xf32>
    %select_n3A_1876 = arith.select %eq3A_1837, %broadcast_in_dim3A_1874, %broadcast_in_dim3A_1875 : vector<1024x2048xi1>, vector<1024x2048xf32>
    %reduce_max3A_1877 = arith.constant dense<0xFF800000> : vector<1024xf32>
    %reduce_max3A_1878 = vector.multi_reduction <maximumf>, %select_n3A_1876, %reduce_max3A_1877 [1] : vector<1024x2048xf32> to vector<1024xf32>
    %broadcast_in_dim3A_1879 = vector.shape_cast %reduce_max3A_1878 : vector<1024xf32> to vector<1024x1xf32>
    %iota3A_1880 = tpu.iota {dimensions = array<i32: 0>} : vector<1024x1xi32>
    %convert_element_type3A_1881 = arith.sitofp %iota3A_1880 : vector<1024x1xi32> to vector<1024x1xf32>
    %concatenate3A_1882 = tpu.concatenate %broadcast_in_dim3A_1847, %broadcast_in_dim3A_1855, %broadcast_in_dim3A_1863, %broadcast_in_dim3A_1871 in 1 : vector<1024x1xf32>, vector<1024x1xf32>, vector<1024x1xf32>, vector<1024x1xf32> -> vector<1024x4xf32>
    %swap3A = arith.constant 0 : index
    %swap3A_1883 = arith.constant 0 : index
    %swap3A_1884 = vector.load %arg3[%swap3A, %swap3A_1883] : memref<1024x4xf32, #tpu.memory_space<vmem>>, vector<1024x4xf32>
    tpu.vector_store %arg3[%swap3A, %swap3A_1883], %concatenate3A_1882 {strides = array<i32>} : memref<1024x4xf32, #tpu.memory_space<vmem>>, vector<1024x4xf32>,
    %lt3A_1885 = vector.broadcast %add3A_1815 : f32 to vector<1024x1xf32>
    %lt3A_1886 = arith.cmpf olt, %convert_element_type3A_1881, %lt3A_1885 : vector<1024x1xf32>
    %jit3A_1887 = arith.constant -1.000000e+10 : f32
    %broadcast_in_dim3A_1888 = vector.broadcast %jit3A_1887 : f32 to vector<1024x1xf32>
    %select_n3A_1889 = arith.select %lt3A_1886, %broadcast_in_dim3A_1879, %broadcast_in_dim3A_1888 : vector<1024x1xi1>, vector<1024x1xf32>
    %swap3A_1890 = arith.constant 0 : index
    %swap3A_1891 = arith.constant 0 : index
    %swap3A_1892 = vector.load %arg4[%swap3A_1890, %swap3A_1891] : memref<1024x1xf32, #tpu.memory_space<vmem>>, vector<1024x1xf32>
    tpu.vector_store %arg4[%swap3A_1890, %swap3A_1891], %select_n3A_1889 {strides = array<i32>} : memref<1024x1xf32, #tpu.memory_space<vmem>>, vector<1024x1xf32>,
    return
  }
}

</mosaic_0001>

<sc_bundles>
// kernel: kernel.4.cloned.1.call-start
scs
__scs_entry_jumppad:
0x0: {  	(pc) =	sbr.rel $0x88, $3  }
0x1: {  	(tag) =	ssettag $0x0;
	lr =	simm.s32 $0x1  }
0x2: {  	[smem:$0x3F9F] =	sst lr;
	_ =	strace $0xD0000000  }
0x3: {  	_ = 	snop  }
0x4: {  	_ = 	snop  }
0x5: {  	_ = 	snop  }
0x6: {  	_ = 	snop  }
0x7: {  	_ = 	snop  }
__scs_overlays_trampoline_lowered:
0x8: {  	[smem:$0x3FAE] =	sst s0  }
0x9: {  	[smem:$0x3FAF] =	sst s1  }
0xa: {  	[smem:$0x3FB0] =	sst s2  }
0xb: {  	[smem:$0x3FB1] =	sst s3  }
0xc: {  	[smem:$0x3FB2] =	sst s4  }
0xd: {  	[smem:$0x3FB3] =	sst s5  }
0xe: {  	[smem:$0x3FB4] =	sst s6  }
0xf: {  	[smem:$0x3FB5] =	sst s7  }
0x10: {  	[smem:$0x3FB6] =	sst s8  }
0x11: {  	[smem:$0x3FB7] =	sst s9;
	s0 =	simm.s32 @!p0 $0x0  }
0x12: {  	s1 =	sld [smem:$0x3F9D];
	s0 =	simm.s32 @p0 $0x1  }
0x13: {  	[smem:$0x3FB8] =	sst s0;
	s0 =	simm.s32 @!p1 $0x0  }
0x14: {  	s2 =	sld [smem:$0x3F9C];
	s0 =	simm.s32 @p1 $0x1  }
0x15: {  	[smem:$0x3FB9] =	sst s0;
	s0 =	simm.s32 @!p2 $0x0  }
0x16: {  	s3 =	sld [smem:$0x3FDB];
	s0 =	simm.s32 @p2 $0x1  }
0x17: {  	s4 =	simm.s32 $0x1BF5;
	[smem:$0x3FBB] =	sst s0  }
0x18: {  	s0 =	sld [smem:$0x3F9E];
	_ =	swait.ge [sflag:s4], $0x0  }
0x19: {  	s7 =	sld [smem:$0x3F9F]  }
0x1a: {  	s8 =	sadd.s32 $0xFFFFE003, lr  }
0x1b: {  	s9 =	sadd.s32 $0xFFFFFEF7, lr;
	s5 =	simm.s32 $0xFFFFFFFF;
	p2 =	slt.u32 s8, $0xFFFFF086  }
0x1c: {  	p1 =	slt.u32 s9, $0xF7A;
	s5 =	simm.s32 @!p2 $0x0  }
0x1d: {  	s5 =	simm.s32 @p1 $0x1;
	p0 =	seq.s32 s7, s2  }
0x1e: {  	s7 =	smul.u32 @!p0 $0xF7A, s2;
	p2 =	seq.s32 @!p0 s5, $0x0  }
0x1f: {  	s9 =	smul.u32 $0xF7A, s1;
	s8 =	simm.s32 @!p0 $0x1BF5;
	p2 =	por !p2, p0  }
0x20: {  	[sflag:s8] =	ssyncset.s32 @!p0 $0xFFFFF086;
	s6 =	sadd.s32 @!p0 s3, s7;
	s7 =	simm.s32 @!p0 $0x108  }
0x21: {  	s3 =	sadd.s32 s3, s9;
	s6 =	sadd.s32 @!p0 $0x88, s6;
	s7 =	simm.s32 @p2 $0x1082  }
0x22: {  	[simem:s7], [sflag:s8] =	dma.local @!p0 [hbm:s6], $0xF7A  }
0x23: {  	s9 =	sor.u32 $0xD0000000, s2;
	s6 =	simm.s32 $0x108;
	_ =	swait.ge @!p0 [sflag:s8], $0x0  }
0x24: {  	s3 =	sadd.s32 $0x88, s3;
	s6 =	simm.s32 @!p1 $0x1082;
	[sflag:s4] =	ssyncset.s32 $0xFFFFF086  }
0x25: {  	[simem:s6], [sflag:s4] =	dma.local [hbm:s3], $0xF7A  }
0x26: {  	[smem:$0x3F9F] =	sst s1;
	(tag) =	ssettag s2;
	_ =	strace s9  }
0x27: {  	s1 =	sld [smem:$0x3FAF]  }
0x28: {  	s2 =	sld [smem:$0x3FB0]  }
0x29: {  	s4 =	sld [smem:$0x3FB2]  }
0x2a: {  	p0 =	seq.s32 s5, $0x0;
	s5 =	sld [smem:$0x3FB3]  }
0x2b: {  	s6 =	sld [smem:$0x3FB4]  }
0x2c: {  	s7 =	sld [smem:$0x3FB5]  }
0x2d: {  	s3 =	simm.s32 $0x108;
	s8 =	sld [smem:$0x3FB6]  }
0x2e: {  	s3 =	simm.s32 @!p0 $0x1082;
	s9 =	sld [smem:$0x3FB7]  }
0x2f: {  	lr =	sadd.s32 s0, s3;
	s0 =	sld [smem:$0x3FAE]  }
0x30: {  	s3 =	sld [smem:$0x3FB1]  }
0x31: {  	[smem:$0x3FBA] =	sst s10  }
0x32: {  	s10 =	sld [smem:$0x3FB8];
	_ =	sdelay $0x3  }
0x33: {  	p0 =	seq.s32 s10, $0x1;
	s10 =	sld [smem:$0x3FBA];
	_ =	sdelay $0x3  }
0x34: {  	[smem:$0x3FBA] =	sst s10  }
0x35: {  	s10 =	sld [smem:$0x3FB9];
	_ =	sdelay $0x3  }
0x36: {  	p1 =	seq.s32 s10, $0x1;
	s10 =	sld [smem:$0x3FBA];
	_ =	sdelay $0x3  }
0x37: {  	[smem:$0x3FBA] =	sst s10  }
0x38: {  	s10 =	sld [smem:$0x3FBB]  }
0x39: {  	_ = 	snop;
	(pc) =	sbr.ind lr, $3  }
0x3a: {  	_ = 	snop  }
0x3b: {  	_ = 	snop  }
0x3c: {  	p2 =	seq.s32 s10, $0x1;
	s10 =	sld [smem:$0x3FBA]  }
0x3d: {  	_ =	shalt  }
0x3e: {  	_ =	shalt  }
0x3f: {  	_ =	shalt  }
0x40: {  	_ =	shalt  }
0x41: {  	_ =	shalt  }
0x42: {  	_ =	shalt  }
0x43: {  	_ =	shalt  }
0x44: {  	_ =	shalt  }
0x45: {  	_ =	shalt  }
0x46: {  	_ =	shalt  }
0x47: {  	_ =	shalt  }
0x48: {  	_ =	shalt  }
0x49: {  	_ =	shalt  }
0x4a: {  	_ =	shalt  }
0x4b: {  	_ =	shalt  }
0x4c: {  	_ =	shalt  }
0x4d: {  	_ =	shalt  }
0x4e: {  	_ =	shalt  }
0x4f: {  	_ =	shalt  }
0x50: {  	_ =	shalt  }
0x51: {  	_ =	shalt  }
0x52: {  	_ =	shalt  }
0x53: {  	_ =	shalt  }
0x54: {  	_ =	shalt  }
0x55: {  	_ =	shalt  }
0x56: {  	_ =	shalt  }
0x57: {  	_ =	shalt  }
0x58: {  	_ =	shalt  }
0x59: {  	_ =	shalt  }
0x5a: {  	_ =	shalt  }
0x5b: {  	_ =	shalt  }
0x5c: {  	_ =	shalt  }
0x5d: {  	_ =	shalt  }
0x5e: {  	_ =	shalt  }
0x5f: {  	_ =	shalt  }
0x60: {  	_ =	shalt  }
0x61: {  	_ =	shalt  }
0x62: {  	_ =	shalt  }
0x63: {  	_ =	shalt  }
0x64: {  	_ =	shalt  }
0x65: {  	_ =	shalt  }
0x66: {  	_ =	shalt  }
0x67: {  	_ =	shalt  }
0x68: {  	_ =	shalt  }
0x69: {  	_ =	shalt  }
0x6a: {  	_ =	shalt  }
0x6b: {  	_ =	shalt  }
0x6c: {  	_ =	shalt  }
0x6d: {  	_ =	shalt  }
0x6e: {  	_ =	shalt  }
0x6f: {  	_ =	shalt  }
0x70: {  	_ =	shalt  }
0x71: {  	_ =	shalt  }
0x72: {  	_ =	shalt  }
0x73: {  	_ =	shalt  }
0x74: {  	_ =	shalt  }
0x75: {  	_ =	shalt  }
0x76: {  	_ =	shalt  }
0x77: {  	_ =	shalt  }
0x78: {  	_ =	shalt  }
0x79: {  	_ =	shalt  }
0x7a: {  	_ =	shalt  }
0x7b: {  	_ =	shalt  }
0x7c: {  	_ =	shalt  }
0x7d: {  	_ =	shalt  }
0x7e: {  	_ =	shalt  }
0x7f: {  	_ =	shalt  }
0x80: {  	_ =	shalt  }
0x81: {  	_ =	shalt  }
0x82: {  	_ =	shalt  }
0x83: {  	_ =	shalt  }
0x84: {  	_ =	shalt  }
0x85: {  	_ =	shalt  }
0x86: {  	_ =	shalt  }
0x87: {  	_ =	shalt  }
.Lfunc_end0:
.L_simem_size_0:
called_computation_lowered:
.L_overlay_start_0:
0x88: {  	s2 =	sld [smem:$0x3FD9]  }
0x89: {  	s3 =	sld [smem:$0x3FFE];
	_ =	sdelay $0x1  }
0x8a: {  	s1 =	srdreg.scid  }
0x8b: {  	s0 =	sand.u32 $0x1, s1  }
0x8c: {  	s14 =	sshll.u32 s0, $0xA;
	s2 =	sadd.s32 s3, s2  }
0x8d: {  	s2 =	sadd.s32 s2, s14  }
0x8e: {  	[smem:$0x3FC6] =	sst s2  }
0x8f: {  	_ = 	snop  }
0x90: {  	s2 =	sld [smem:$0x3FD0];
	_ =	sdelay $0x2  }
0x91: {  	s15 =	simm.s32 $0xA;
	s4 =	simm.s32 $0x10  }
0x92: {  	[smem:s4], [sflag:s15] =	dma.local [hbm:s2], $0x1  }
0x93: {  	_ =	swait.eq [sflag:s15], $0x1  }
0x94: {  	[sflag:s15] =	ssyncset.done $0x0  }
0x95: {  	[sflag:s15] =	ssyncadd.s32 $0xFFFFFFFF  }
0x96: {  	s16 =	sld [smem:$0x10];
	(tm) =	ssettm $0x1  }
0x97: {  	s17 =	sld [smem:$0x3FFB];
	_ =	sdelay $0x3  }
0x98: {  	_ =	strace s17  }
0x99: {  	s3 =	sld [smem:$0x3FFC];
	_ =	sdelay $0x3  }
0x9a: {  	_ =	strace s3  }
0x9b: {  	s3 =	sld [smem:$0x3FFD];
	_ =	sdelay $0x3  }
0x9c: {  	_ =	strace s3  }
0x9d: {  	_ =	strace $0x8FFFFFFF  }
0x9e: {  	s18 =	sld [smem:$0x3FDB];
	_ =	sdelay $0x1  }
0x9f: {  	s19 =	simm.s32 $_scs_section_size  }
0xa0: {  	s5 =	simm.s32 $_size__tile_overlayer_lowered;
	s6 =	simm.s32 $_tile_overlayer_lowered  }
0xa1: {  	s22 =	simm.s32 $0x1BFF;
	s21 =	sshll.u32 s6, $0x1;
	s3 =	sadd.s32 s19, s18  }
0xa2: {  	s7 =	simm.s32 $0x0;
	s20 =	sshll.u32 s5, $0x1;
	s5 =	sadd.s32 s21, s3  }
0xa3: {  	[timem:s7], [sflag:s22] =	dma.local [hbm:s5], s20  }
0xa4: {  	_ =	swait.ge [sflag:s22], s20  }
0xa5: {  	s4 =	ssub.s32 $0x0, s20;
	[sflag:s22] =	ssyncset.done $0x0  }
0xa6: {  	[sflag:s22] =	ssyncadd.s32 s4;
	_ =	sdelay $0x1  }
0xa7: {  	s23 =	simm.s32 $0x1B8B  }
0xa8: {  	_ =	swait.ge [sflag:s23], $0x1  }
0xa9: {  	[sflag:s23] =	ssyncset.done $0x0  }
0xaa: {  	s25 =	simm.s32 $0x1B8E;
	s24 =	sld [smem:$0x3FFE];
	[sflag:s23] =	ssyncadd.s32 $0xFFFFFFFF  }
0xab: {  	s26 =	simm.s32 $execute0_lowered;
	[smem:$0x3FD2] =	sst s25  }
0xac: {  	s5 =	sshll.u32 s26, $0x1;
	_ =	strace $0x80000046;
	[dreg:$0x1] =	wrdreg $0xFFFFFFFF  }
0xad: {  	s28 =	simm.s32 $_size_execute0_lowered;
	s3 =	sadd.s32 s3, s5;
	[dreg:$0x0] =	wrdreg $0x0  }
0xae: {  	s5 =	sshll.u32 s28, $0x1;
	[dreg:$0x2] =	wrdreg s3  }
0xaf: {  	[dreg:$0x3] =	wrdreg s5  }
0xb0: {  	[dreg:$0x4] =	wrdreg $0xC0  }
0xb1: {  	_ =	task [dreg:s7], $0x5FFFF  }
0xb2: {  	[dreg:$0x1] =	wrdreg $0xFFFFFFFF  }
0xb3: {  	[dreg:$0x0] =	wrdreg $0x60  }
0xb4: {  	[dreg:$0x2] =	wrdreg s24  }
0xb5: {  	[dreg:$0x3] =	wrdreg s16  }
0xb6: {  	[dreg:$0x4] =	wrdreg $0x9  }
0xb7: {  	_ =	task.clear_ibuf [dreg:s7], $0x5FFFF;
	_ =	strace $0x90000046  }
0xb8: {  	s29 =	simm.s32 $0x9;
	_ =	strace $0x80000048  }
0xb9: {  	_ =	swait.ge [sflag:s29], $0x1  }
0xba: {  	[sflag:s29] =	ssyncadd.s32 $0xFFFFFFFF  }
0xbb: {  	_ =	strace $0x90000048  }
0xbc: {  	_ =	sfence  }
0xbd: {  	s30 =	sld [smem:$0x0];
	_ =	sdelay $0x2  }
0xbe: {  	s31 =	sshll.u32 s1, $0xD;
	s1 =	sshrl.u32 s1, $0x2  }
0xbf: {  	s3 =	sand.u32 $0x4000, s31;
	s1 =	sadd.s32 s1, s30  }
0xc0: {  	s0 =	sor.u32 s3, s0;
	s1 =	sshll.u32 s1, $0x11  }
0xc1: {  	s0 =	sor.u32 s1, s0  }
0xc2: {  	s0 =	sadd.s32 $0x8F2B, s0  }
0xc3: {  	[sflag:s0] =	ssyncadd.remote.s32 $0x1  }
0xc4: {  	_ =	sfence.sel $0xFFFF  }
0xc5: {  	[dreg:$0x0] =	wrdreg $0xFFFFFFFF;
	(pc) =	sbr.abs _section_cstart, $3  }
0xc6: {  	[dreg:$0x1] =	wrdreg $0xFFFFFFFF  }
0xc7: {  	_ =	task.clear_ibuf [dreg:s7], $0x2FFFF;
	_ =	strace $0x9FFFFFFF  }
0xc8: {  	(tm) =	ssettm $0x7FFFFFFF  }
0xc9: {  	_ =	shalt  }
tec
execute0_lowered:
.L_overlay_start_1:
0x0: {  	(tag) =	ssettag $0x1  }
0x1: {  	s1 =	srdreg.scid;
	s2 =	rddreg [dreg:$0x0]  }
0x2: {  	s0 =	stileid.u32;
	s4 =	rddreg [dreg:$0x1];
	s6 =	sand.u32 $0x1, s1  }
0x3: {  	s3 =	simm.s32 $0x0;
	s5 =	sshll.u32 s0, $0x7;
	s7 =	sshll.u32 s6, $0x6  }
0x4: {  	[smem:$0x7FF] =	sst s3;
	s9 =	sor.u32 s7, s5  }
0x5: {  	s1 =	rddreg [dreg:$0x2];
	_ =	strace $0x80000047;
	s5 =	sshrl.u32 s9, $0x3  }
0x6: {  	s10 =	ssub.s32 $0x2, s6;
	s5 =	sadd.s32 s4, s5;
	s4 =	simm.s32 $0x2  }
0x7: {  	[tilespmem:s3], [sflag:$0x2] =	stream.linear.gather [hbm4b:s5+s3], $0x40, $0x38;
	[tilespmem:$0x2080] =	vst v63  }
0x8: {  	s8 =	simm.s32 $0x1;
	s11 =	sshrl.u32 s10, $0x1;
	_ =	swait.ge [sflag:s4], $0x40  }
0x9: {  	s6 =	simm.s32 $0x40;
	s10 =	ssub.s32 s10, s11;
	[sflag:s4] =	ssyncset.done $0x0  }
0xa: {  	s7 =	simm.s32 $0x80;
	s10 =	smax.u32 s10, $0x1;
	[sflag:s4] =	ssyncadd.s32 $0xFFFFFFC0  }
0xb: {  	[tilespmem:s7], [sflag:$0x1] =	stream.indirect.gather [hbm4b:s2+s6], $0x80, s3, s6, $0xb8;
	[tilespmem:$0x2080] =	vst v63  }
0xc: {  	s9 =	sshll.u32 s9, $0x4;
	p0 =	sne.s32 s10, $0x1;
	_ =	swait.ge [sflag:s8], $0x2000  }
.Ltmp0:
0xd: {  	s9 =	sadd.s32 s9, s2;
	[sflag:s8] =	ssyncset.done $0x0;
	(pc) =	sbr.rel @!p0 .LBB2_2-.Ltmp0, $4  }
0xe: {  	s9 =	sadd.s32 $0x4E200, s9;
	[sflag:s8] =	ssyncadd.s32 $0xFFFFE000  }
0xf: {  	[hbm4b:s9+s3] =	stream.linear.scatter [tilespmem:s7], [sflag:$0x2], $0x2000, $0x38;
	[tilespmem:$0x2080] =	vst v63  }
0x10: {  	_ =	swait.ge [sflag:s4], $0x2000  }
0x11: {  	s10 =	sadd.s32 $0xFFFFFFFF, s10;
	[sflag:s4] =	ssyncset.done $0x0  }
.LBB2_1:
0x12: {  	p0 =	sne.s32 s10, $0x1;
	s10 =	sadd.s32 $0xFFFFFFFF, s10;
	[sflag:s4] =	ssyncadd.s32 $0xFFFFE000  }
0x13: {  	[tilespmem:s3], [sflag:$0x2] =	stream.linear.gather [hbm4b:s5+s3], $0x40, $0x38;
	[tilespmem:$0x2080] =	vst v63  }
0x14: {  	_ =	swait.ge [sflag:s4], $0x40  }
0x15: {  	[sflag:s4] =	ssyncset.done $0x0  }
0x16: {  	[sflag:s4] =	ssyncadd.s32 $0xFFFFFFC0  }
0x17: {  	[tilespmem:s7], [sflag:$0x1] =	stream.indirect.gather [hbm4b:s2+s6], $0x80, s3, s6, $0xb8;
	[tilespmem:$0x2080] =	vst v63  }
0x18: {  	_ =	swait.ge [sflag:s8], $0x2000  }
.Ltmp1:
0x19: {  	[sflag:s8] =	ssyncset.done $0x0;
	(pc) =	sbr.rel @p0 .LBB2_1-.Ltmp1, $4  }
0x1a: {  	[sflag:s8] =	ssyncadd.s32 $0xFFFFE000  }
0x1b: {  	[hbm4b:s9+s3] =	stream.linear.scatter [tilespmem:s7], [sflag:$0x2], $0x2000, $0x38;
	[tilespmem:$0x2080] =	vst v63  }
0x1c: {  	_ =	swait.ge [sflag:s4], $0x2000  }
0x1d: {  	[sflag:s4] =	ssyncset.done $0x0  }
.LBB2_2:
0x1e: {  	[sflag:s4] =	ssyncadd.s32 $0xFFFFE000  }
0x1f: {  	_ =	sfence.sel $0x180000  }
0x20: {  	[bflag:$0x0] =	sbarrier.arrive $0xFFFF  }
0x21: {  	p0 =	sne.s32 s0, $0x0;
	_ =	strace $0x90000047  }
0x22: {  	s0 =	sadd.s32 @!p0 $0x100000, s1;
	[bflag:$0x2] =	sbarrier.arrive $0xFFFF  }
0x23: {  	[sflag:s0] =	ssyncadd.tile.s32 @!p0 $0x1;
	_ =	shalt  }
.Lfunc_end2:
_tile_overlayer_lowered:
.L_overlay_start_2:
0x24: {  	(tag) =	ssettag $0x2  }
0x25: {  	s0 =	rddreg [dreg:$0x0];
	s2 =	stileid.u32  }
0x26: {  	s1 =	rddreg [dreg:$0x1];
	p0 =	sne.s32 s2, $0x0  }
0x27: {  	s3 =	rddreg [dreg:$0x2];
	[bflag:$0x3] =	sbarrier.arrive $0xFFFF;
	s2 =	simm.s32 @!p0 $0x1C02  }
0x28: {  	[timem:s3], [sflag:s2] =	dma.local @!p0 [hbm:s0], s1  }
0x29: {  	s0 =	simm.s32 @!p0 $0x2  }
0x2a: {  	_ =	swait.ge @!p0 [sflag:s0], s1  }
0x2b: {  	s1 =	ssub.s32 @!p0 $0x0, s1;
	[sflag:s0] =	ssyncset.done @!p0 $0x0  }
0x2c: {  	[sflag:s0] =	ssyncadd.s32 @!p0 s1  }
0x2d: {  	[bflag:$0x3] =	sbarrier.arrive $0xFFFF  }
0x2e: {  	_ =	shalt  }

</sc_bundles>
